<compile_context>
chip_gen: v7x
topology: tpu7x:2x2x1
jax: 0.10.2.dev20260603
libtpu: 0.0.44.dev20260713+nightly
codegen_flags: <defaults>
</compile_context>

<pallas_src>
import functools

import jax
import jax.numpy as jnp
from jax import lax
from jax.experimental import pallas as pl
from jax.experimental.pallas import tpu as pltpu
from jax.experimental.pallas import tpu_sc as plsc

_N = 10000
_E = 320000
_D_IN = 128
_D_HID = 16
_NC = 2
_NS = 16
_NW = _NC * _NS
_EPT = _E // _NW
_EPH = _E // 2
_L1_CHUNKS = _EPH // _EPT
_UNROLL = 8

_MESH = dict(core_axis_name="c", subcore_axis_name="s", num_cores=_NC,
             num_subcores=_NS)


def _wid():
    return lax.axis_index("s") * _NC + lax.axis_index("c")


def _zero(acc_v, n):
    @plsc.parallel_loop(0, n // 16, 1, unroll=_UNROLL)
    def zb(i):
        acc_v[pl.ds(i * 16, 16)] = jnp.zeros((16,), jnp.float32)


def _unpack_rc(rcv):
    rowi = lax.bitwise_and(rcv, jnp.int32(0xFFFF))
    coli = lax.shift_right_logical(rcv, jnp.int32(16))
    return rowi, coli


def _sc_deg_body(col_hbm, ew_hbm, out_hbm, col_v, ew_v, acc_v, sem):
    wid = _wid()
    base = wid * _EPT
    h1 = pltpu.async_copy(col_hbm.at[pl.ds(base, _EPT)], col_v, sem)
    h2 = pltpu.async_copy(ew_hbm.at[pl.ds(base, _EPT)], ew_v, sem)
    _zero(acc_v, _N)
    h1.wait()
    h2.wait()

    @plsc.parallel_loop(0, _EPT // 16, 1, unroll=_UNROLL)
    def body(i):
        s = pl.ds(i * 16, 16)
        plsc.addupdate_scatter(acc_v, [col_v[s]], ew_v[s])
    pltpu.sync_copy(acc_v, out_hbm.at[wid])


_sc_deg = pl.kernel(
    _sc_deg_body,
    out_type=jax.ShapeDtypeStruct((_NW, _N), jnp.float32),
    mesh=plsc.VectorSubcoreMesh(**_MESH),
    compiler_params=pltpu.CompilerParams(needs_layout_passes=False),
    scratch_types=[
        pltpu.VMEM((_EPT,), jnp.int32),
        pltpu.VMEM((_EPT,), jnp.float32),
        pltpu.VMEM((_N,), jnp.float32),
        pltpu.SemaphoreType.DMA,
    ],
)


def _sc_l1_body(rc_hbm, ew_hbm, g1t_hbm, out_hbm,
                rc_v0, rc_v1, rc_v2, ew_v0, ew_v1, ew_v2, tab_v, acc_v,
                sem0, sem1, sem2):
    wid = _wid()
    d = wid % _D_HID
    half = wid // _D_HID
    bufs = ((rc_v0, ew_v0, sem0), (rc_v1, ew_v1, sem1), (rc_v2, ew_v2, sem2))

    def start(c, b):
        base = half * _EPH + c * _EPT
        rc_v, ew_v, sem = bufs[b]
        h1 = pltpu.async_copy(rc_hbm.at[pl.ds(base, _EPT)], rc_v, sem)
        h2 = pltpu.async_copy(ew_hbm.at[pl.ds(base, _EPT)], ew_v, sem)
        return (h1, h2)

    pend = start(0, 0)
    pltpu.sync_copy(g1t_hbm.at[d], tab_v)
    _zero(acc_v, _N)
    for c in range(_L1_CHUNKS):
        b = c % 3
        rc_v, ew_v, _ = bufs[b]
        for h in pend:
            h.wait()
        if c + 1 < _L1_CHUNKS:
            pend = start(c + 1, (c + 1) % 3)

        @plsc.parallel_loop(0, _EPT // 16, 1, unroll=_UNROLL)
        def body(i):
            s = pl.ds(i * 16, 16)
            rowi, coli = _unpack_rc(rc_v[s])
            vals = plsc.load_gather(tab_v, [rowi]) * ew_v[s]
            plsc.addupdate_scatter(acc_v, [coli], vals)
    pltpu.sync_copy(acc_v, out_hbm.at[wid])


_sc_l1 = pl.kernel(
    _sc_l1_body,
    out_type=jax.ShapeDtypeStruct((_NW, _N), jnp.float32),
    mesh=plsc.VectorSubcoreMesh(**_MESH),
    compiler_params=pltpu.CompilerParams(needs_layout_passes=False),
    scratch_types=[
        pltpu.VMEM((_EPT,), jnp.int32),
        pltpu.VMEM((_EPT,), jnp.int32),
        pltpu.VMEM((_EPT,), jnp.int32),
        pltpu.VMEM((_EPT,), jnp.float32),
        pltpu.VMEM((_EPT,), jnp.float32),
        pltpu.VMEM((_EPT,), jnp.float32),
        pltpu.VMEM((_N,), jnp.float32),
        pltpu.VMEM((_N,), jnp.float32),
        pltpu.SemaphoreType.DMA,
        pltpu.SemaphoreType.DMA,
        pltpu.SemaphoreType.DMA,
    ],
)


def _sc_l2_body(rc_hbm, ew_hbm, g2_hbm, out_hbm,
                rc_v, ew_v, tab_v, acc_v, sem):
    wid = _wid()
    base = wid * _EPT
    h1 = pltpu.async_copy(rc_hbm.at[pl.ds(base, _EPT)], rc_v, sem)
    h2 = pltpu.async_copy(ew_hbm.at[pl.ds(base, _EPT)], ew_v, sem)
    h3 = pltpu.async_copy(g2_hbm, tab_v, sem)
    _zero(acc_v, _N)
    h1.wait()
    h2.wait()
    h3.wait()

    @plsc.parallel_loop(0, _EPT // 16, 1, unroll=_UNROLL)
    def body(i):
        s = pl.ds(i * 16, 16)
        rowi, coli = _unpack_rc(rc_v[s])
        vals = plsc.load_gather(tab_v, [rowi]) * ew_v[s]
        plsc.addupdate_scatter(acc_v, [coli], vals)
    pltpu.sync_copy(acc_v, out_hbm.at[wid])


_sc_l2 = pl.kernel(
    _sc_l2_body,
    out_type=jax.ShapeDtypeStruct((_NW, _N), jnp.float32),
    mesh=plsc.VectorSubcoreMesh(**_MESH),
    compiler_params=pltpu.CompilerParams(needs_layout_passes=False),
    scratch_types=[
        pltpu.VMEM((_EPT,), jnp.int32),
        pltpu.VMEM((_EPT,), jnp.float32),
        pltpu.VMEM((_N,), jnp.float32),
        pltpu.VMEM((_N,), jnp.float32),
        pltpu.SemaphoreType.DMA,
    ],
)


def _tc_prep_body(x_ref, w1_ref, row_ref, col_ref, degp_ref,
                  g1t_ref, dis_ref, rc_ref):
    h = jnp.dot(x_ref[...], w1_ref[...], preferred_element_type=jnp.float32)
    deg = 1.0 + jnp.sum(degp_ref[...], axis=0, keepdims=True)
    dis = lax.rsqrt(deg)
    g1t_ref[...] = h.T * dis
    dis_ref[...] = dis
    rc_ref[...] = row_ref[...] + col_ref[...] * jnp.int32(65536)


_tc_prep = pl.pallas_call(
    _tc_prep_body,
    out_shape=[
        jax.ShapeDtypeStruct((_D_HID, _N), jnp.float32),
        jax.ShapeDtypeStruct((1, _N), jnp.float32),
        jax.ShapeDtypeStruct((_E // 128, 128), jnp.int32),
    ],
)


def _tc_mid_body(accp_ref, g1t_ref, dis_ref, b1_ref, w2t_ref, g2_ref):
    accp = accp_ref[...]
    acc = accp[0:_D_HID] + accp[_D_HID:_NW]
    dis = dis_ref[...]
    pre = dis * (acc + g1t_ref[...]) + b1_ref[...]
    r = jnp.maximum(pre, 0.0)
    h2 = jnp.dot(w2t_ref[...], r, preferred_element_type=jnp.float32)
    g2_ref[...] = dis * h2


_tc_mid = pl.pallas_call(
    _tc_mid_body,
    out_shape=jax.ShapeDtypeStruct((1, _N), jnp.float32),
)


def _tc_fin_body(accp_ref, g2_ref, dis_ref, b2_ref, out_ref):
    acc = jnp.sum(accp_ref[...], axis=0, keepdims=True) + g2_ref[...]
    out_ref[...] = dis_ref[...] * acc + b2_ref[...]


_tc_fin = pl.pallas_call(
    _tc_fin_body,
    out_shape=jax.ShapeDtypeStruct((1, _N), jnp.float32),
)


def kernel(x, edge_index, edge_weight, W1, b1, W2, b2):
    ei = edge_index.astype(jnp.int32)
    row = ei[0]
    col = ei[1]
    ew = edge_weight.astype(jnp.float32)

    degp = _sc_deg(col, ew)
    g1t, dis, rc2d = _tc_prep(x, W1, row.reshape(_E // 128, 128),
                              col.reshape(_E // 128, 128), degp)
    rc = rc2d.reshape(_E)
    accp1 = _sc_l1(rc, ew, g1t)
    g2 = _tc_mid(accp1, g1t, dis, b1.reshape(_D_HID, 1), W2.reshape(1, _D_HID))
    accp2 = _sc_l2(rc, ew, g2.reshape(_N))
    out = _tc_fin(accp2, g2, dis, b2.reshape(1, 1))
    return out.reshape(_N, 1)

# --- scband reference (transcript-rebuilt; emitter-appended) ---
"""Pipeline reference for scband-gcn-17497696764522 (READ-ONLY COPY).

The authoritative reference and input builder live on the scoring server;
editing this copy changes nothing except your own understanding.
"""

import jax, jax.numpy as jnp
import numpy as np

N = 10000
E = 320000
D_IN = 128
D_HID = 16
D_OUT = 1


def setup_inputs(seed: int = 0) -> dict:
    key = jax.random.key(seed)
    k_x, k_ei, k_ew, k_w1, k_b1, k_w2, k_b2 = jax.random.split(key, 7)
    x = jax.random.normal(k_x, (N, D_IN), dtype=jnp.float32)
    edge_index = jax.random.randint(k_ei, (2, E), 0, N, dtype=jnp.int64)
    edge_weight = jax.random.uniform(k_ew, (E,), dtype=jnp.float32)
    W1 = jax.random.normal(k_w1, (D_IN, D_HID), dtype=jnp.float32) * (1.0 / np.sqrt(D_IN))
    b1 = jnp.zeros((D_HID,), dtype=jnp.float32)
    W2 = jax.random.normal(k_w2, (D_HID, D_OUT), dtype=jnp.float32) * (1.0 / np.sqrt(D_HID))
    b2 = jnp.zeros((D_OUT,), dtype=jnp.float32)
    return {"x": x, "edge_index": edge_index, "edge_weight": edge_weight,
            "W1": W1, "b1": b1, "W2": W2, "b2": b2}


def _gcn_conv(x, edge_index, edge_weight, W, b, n_nodes):
    # PyG GCNConv with symmetric normalization and self-loops (fill_value=1.0)
    row = edge_index[0]
    col = edge_index[1]
    loop = jnp.arange(n_nodes, dtype=edge_index.dtype)
    row = jnp.concatenate([row, loop])
    col = jnp.concatenate([col, loop])
    ew = jnp.concatenate([edge_weight, jnp.ones((n_nodes,), dtype=edge_weight.dtype)])
    deg = jax.ops.segment_sum(ew, col, num_segments=n_nodes)
    deg_inv_sqrt = jnp.where(deg > 0, jax.lax.rsqrt(deg), 0.0)
    norm = deg_inv_sqrt[row] * ew * deg_inv_sqrt[col]
    h = x @ W
    msg = norm[:, None] * jnp.take(h, row, axis=0)
    out = jax.ops.segment_sum(msg, col, num_segments=n_nodes)
    return out + b


def reference(x, edge_index, edge_weight, W1, b1, W2, b2):
    h = _gcn_conv(x, edge_index, edge_weight, W1, b1, N)
    h = jax.nn.relu(h)
    out = _gcn_conv(h, edge_index, edge_weight, W2, b2, N)
    return out

if __name__ == "__main__":
    import jax
    _d = setup_inputs()
    print(jax.jit(kernel)(*tuple(_d.values())))

</pallas_src>

<mosaic_0001>
#map = affine_map<(d0, d1) -> (0)>
#map1 = affine_map<(d0, d1) -> (0, 0)>
module attributes {stable_mosaic.version = 14 : i64} {
  func.func @_sc_deg_body(%arg0: i32, %arg1: i32, %arg2: memref<320000xi32, #tpu.memory_space<hbm>>, %arg3: memref<320000xf32, #tpu.memory_space<hbm>>, %arg4: memref<32x10000xf32, #tpu.memory_space<hbm>>, %arg5: memref<10000xi32, #tpu.memory_space<vmem>>, %arg6: memref<10000xf32, #tpu.memory_space<vmem>>, %arg7: memref<10000xf32, #tpu.memory_space<vmem>>, %arg8: memref<!tpu.dma_semaphore, #tpu.memory_space<semaphore_mem>>) attributes {dimension_semantics = [#tpu.dimension_semantics<core_parallel>, #tpu.dimension_semantics<subcore_parallel>], iteration_bounds = array<i64: 2, 16>, scalar_prefetch = 0 : i64, scratch_operands = 4 : i64, tpu.core_type = #tpu.core_type<sc_vector_subcore>, window_params = [{transform_indices = #map}, {transform_indices = #map}, {transform_indices = #map1}]} {
    %mul3A = arith.constant 2 : i32
    %mul3A_0 = arith.muli %arg1, %mul3A : i32
    %add3A = arith.addi %mul3A_0, %arg0 : i32
    %mul3A_1 = arith.constant 10000 : i32
    %mul3A_2 = arith.muli %add3A, %mul3A_1 : i32
    %dma_start3A = tpu.memref_slice %arg2[%mul3A_2] : memref<320000xi32, #tpu.memory_space<hbm>> -> memref<10000xi32, #tpu.memory_space<hbm>>
    %dma_start3A_3 = tpu.memref_slice %arg2[%mul3A_2] : memref<320000xi32, #tpu.memory_space<hbm>> -> memref<10000xi32, #tpu.memory_space<hbm>>
    tpu.enqueue_dma source(%dma_start3A_3 : memref<10000xi32, #tpu.memory_space<hbm>>) target(%arg5 : memref<10000xi32, #tpu.memory_space<vmem>>) target_semaphore(%arg8 : memref<!tpu.dma_semaphore, #tpu.memory_space<semaphore_mem>>)
    %dma_start3A_4 = tpu.memref_slice %arg3[%mul3A_2] : memref<320000xf32, #tpu.memory_space<hbm>> -> memref<10000xf32, #tpu.memory_space<hbm>>
    %dma_start3A_5 = tpu.memref_slice %arg3[%mul3A_2] : memref<320000xf32, #tpu.memory_space<hbm>> -> memref<10000xf32, #tpu.memory_space<hbm>>
    tpu.enqueue_dma source(%dma_start3A_5 : memref<10000xf32, #tpu.memory_space<hbm>>) target(%arg6 : memref<10000xf32, #tpu.memory_space<vmem>>) target_semaphore(%arg8 : memref<!tpu.dma_semaphore, #tpu.memory_space<semaphore_mem>>)
    %parallel_loop3A = arith.constant 0 : i32
    %parallel_loop3A_6 = arith.constant 625 : i32
    %parallel_loop3A_7 = arith.constant 1 : i32
    scf.for %parallel_loop3A_14 = %parallel_loop3A to %parallel_loop3A_6 step %parallel_loop3A_7  : i32 {
      %parallel_loop3A_15 = arith.constant 0.000000e+00 : f32
      %parallel_loop3A_16 = vector.broadcast %parallel_loop3A_15 : f32 to vector<16xf32>
      %parallel_loop3A_17 = arith.constant 16 : i32
      %parallel_loop3A_18 = arith.muli %parallel_loop3A_14, %parallel_loop3A_17 : i32
      %parallel_loop3A_19 = arith.index_cast %parallel_loop3A_18 : i32 to index
      %parallel_loop3A_20 = tpu.vector_load %arg7[%parallel_loop3A_19] {strides = array<i32>} : memref<10000xf32, #tpu.memory_space<vmem>>, vector<16xf32>,
      tpu.vector_store %arg7[%parallel_loop3A_19], %parallel_loop3A_16 {strides = array<i32>} : memref<10000xf32, #tpu.memory_space<vmem>>, vector<16xf32>,
    } {sc.loop_unroll_factor = 8 : i64, sc.parallel_access}
    %dma_wait3A = tpu.memref_slice %arg2[%mul3A_2] : memref<320000xi32, #tpu.memory_space<hbm>> -> memref<10000xi32, #tpu.memory_space<hbm>>
    %dma_wait3A_8 = tpu.memref_slice %arg2[%mul3A_2] : memref<320000xi32, #tpu.memory_space<hbm>> -> memref<10000xi32, #tpu.memory_space<hbm>>
    tpu.wait_dma2 semaphore(%arg8 : memref<!tpu.dma_semaphore, #tpu.memory_space<semaphore_mem>>) src(%dma_wait3A_8 : memref<10000xi32, #tpu.memory_space<hbm>>) dst(%arg5 : memref<10000xi32, #tpu.memory_space<vmem>>)
    %dma_wait3A_9 = tpu.memref_slice %arg3[%mul3A_2] : memref<320000xf32, #tpu.memory_space<hbm>> -> memref<10000xf32, #tpu.memory_space<hbm>>
    %dma_wait3A_10 = tpu.memref_slice %arg3[%mul3A_2] : memref<320000xf32, #tpu.memory_space<hbm>> -> memref<10000xf32, #tpu.memory_space<hbm>>
    tpu.wait_dma2 semaphore(%arg8 : memref<!tpu.dma_semaphore, #tpu.memory_space<semaphore_mem>>) src(%dma_wait3A_10 : memref<10000xf32, #tpu.memory_space<hbm>>) dst(%arg6 : memref<10000xf32, #tpu.memory_space<vmem>>)
    %parallel_loop3A_11 = arith.constant 0 : i32
    %parallel_loop3A_12 = arith.constant 625 : i32
    %parallel_loop3A_13 = arith.constant 1 : i32
    scf.for %parallel_loop3A_14 = %parallel_loop3A_11 to %parallel_loop3A_12 step %parallel_loop3A_13  : i32 {
      %parallel_loop3A_15 = arith.constant 16 : i32
      %parallel_loop3A_16 = arith.muli %parallel_loop3A_14, %parallel_loop3A_15 : i32
      %parallel_loop3A_17 = arith.index_cast %parallel_loop3A_16 : i32 to index
      %parallel_loop3A_18 = tpu.vector_load %arg5[%parallel_loop3A_17] {strides = array<i32>} : memref<10000xi32, #tpu.memory_space<vmem>>, vector<16xi32>,
      %parallel_loop3A_19 = arith.index_cast %parallel_loop3A_16 : i32 to index
      %parallel_loop3A_20 = tpu.vector_load %arg6[%parallel_loop3A_19] {strides = array<i32>} : memref<10000xf32, #tpu.memory_space<vmem>>, vector<16xf32>,
      tpu.vector_store_idx %arg7[%parallel_loop3A_18], %parallel_loop3A_20 {add = true} : memref<10000xf32, #tpu.memory_space<vmem>>[vector<16xi32>], vector<16xf32>,
    } {sc.loop_unroll_factor = 8 : i64, sc.parallel_access}
    "tpu.region"() ({
      %run_scoped3A = tpu.sem_alloc : memref<!tpu.dma_semaphore, #tpu.memory_space<semaphore_mem>>
      %dma_start3A_14 = arith.constant 0 : i32
      %dma_start3A_15 = tpu.memref_slice %arg4[%add3A, %dma_start3A_14] : memref<32x10000xf32, #tpu.memory_space<hbm>> -> memref<1x10000xf32, #tpu.memory_space<hbm>>
      %dma_start3A_16 = tpu.memref_squeeze %dma_start3A_15 : memref<1x10000xf32, #tpu.memory_space<hbm>> -> memref<10000xf32, #tpu.memory_space<hbm>>
      %dma_start3A_17 = arith.constant 0 : i32
      %dma_start3A_18 = tpu.memref_slice %arg4[%add3A, %dma_start3A_17] : memref<32x10000xf32, #tpu.memory_space<hbm>> -> memref<1x10000xf32, #tpu.memory_space<hbm>>
      %dma_start3A_19 = tpu.memref_squeeze %dma_start3A_18 : memref<1x10000xf32, #tpu.memory_space<hbm>> -> memref<10000xf32, #tpu.memory_space<hbm>>
      tpu.enqueue_dma source(%arg7 : memref<10000xf32, #tpu.memory_space<vmem>>) target(%dma_start3A_19 : memref<10000xf32, #tpu.memory_space<hbm>>) target_semaphore(%run_scoped3A : memref<!tpu.dma_semaphore, #tpu.memory_space<semaphore_mem>>)
      %dma_wait3A_20 = arith.constant 0 : i32
      %dma_wait3A_21 = tpu.memref_slice %arg4[%add3A, %dma_wait3A_20] : memref<32x10000xf32, #tpu.memory_space<hbm>> -> memref<1x10000xf32, #tpu.memory_space<hbm>>
      %dma_wait3A_22 = tpu.memref_squeeze %dma_wait3A_21 : memref<1x10000xf32, #tpu.memory_space<hbm>> -> memref<10000xf32, #tpu.memory_space<hbm>>
      %dma_wait3A_23 = arith.constant 0 : i32
      %dma_wait3A_24 = tpu.memref_slice %arg4[%add3A, %dma_wait3A_23] : memref<32x10000xf32, #tpu.memory_space<hbm>> -> memref<1x10000xf32, #tpu.memory_space<hbm>>
      %dma_wait3A_25 = tpu.memref_squeeze %dma_wait3A_24 : memref<1x10000xf32, #tpu.memory_space<hbm>> -> memref<10000xf32, #tpu.memory_space<hbm>>
      tpu.wait_dma2 semaphore(%run_scoped3A : memref<!tpu.dma_semaphore, #tpu.memory_space<semaphore_mem>>) src(%arg7 : memref<10000xf32, #tpu.memory_space<vmem>>) dst(%dma_wait3A_25 : memref<10000xf32, #tpu.memory_space<hbm>>)
      tpu.yield
    }) : () -> ()
    return
  }
}

#map = affine_map<(d0, d1) -> (0)>
#map1 = affine_map<(d0, d1) -> (0, 0)>
module attributes {stable_mosaic.version = 14 : i64} {
  func.func @_sc_l1_body(%arg0: i32, %arg1: i32, %arg2: memref<320000xi32, #tpu.memory_space<hbm>>, %arg3: memref<320000xf32, #tpu.memory_space<hbm>>, %arg4: memref<16x10000xf32, #tpu.memory_space<hbm>>, %arg5: memref<32x10000xf32, #tpu.memory_space<hbm>>, %arg6: memref<10000xi32, #tpu.memory_space<vmem>>, %arg7: memref<10000xi32, #tpu.memory_space<vmem>>, %arg8: memref<10000xi32, #tpu.memory_space<vmem>>, %arg9: memref<10000xf32, #tpu.memory_space<vmem>>, %arg10: memref<10000xf32, #tpu.memory_space<vmem>>, %arg11: memref<10000xf32, #tpu.memory_space<vmem>>, %arg12: memref<10000xf32, #tpu.memory_space<vmem>>, %arg13: memref<10000xf32, #tpu.memory_space<vmem>>, %arg14: memref<!tpu.dma_semaphore, #tpu.memory_space<semaphore_mem>>, %arg15: memref<!tpu.dma_semaphore, #tpu.memory_space<semaphore_mem>>, %arg16: memref<!tpu.dma_semaphore, #tpu.memory_space<semaphore_mem>>) attributes {dimension_semantics = [#tpu.dimension_semantics<core_parallel>, #tpu.dimension_semantics<subcore_parallel>], iteration_bounds = array<i64: 2, 16>, scalar_prefetch = 0 : i64, scratch_operands = 11 : i64, tpu.core_type = #tpu.core_type<sc_vector_subcore>, window_params = [{transform_indices = #map}, {transform_indices = #map}, {transform_indices = #map1}, {transform_indices = #map1}]} {
    %mul3A = arith.constant 2 : i32
    %mul3A_0 = arith.muli %arg1, %mul3A : i32
    %add3A = arith.addi %mul3A_0, %arg0 : i32
    %jit3A = arith.constant 16 : i32
    %eq3A = arith.constant 0 : i32
    %eq3A_1 = arith.cmpi eq, %jit3A, %eq3A : i32
    %jit3A_2 = arith.constant 1 : i32
    %select_n3A = arith.select %eq3A_1, %jit3A_2, %jit3A : i32
    %rem3A = arith.remsi %add3A, %select_n3A : i32
    %ne3A = arith.constant 0 : i32
    %ne3A_3 = arith.cmpi ne, %rem3A, %ne3A : i32
    %lt3A = arith.constant 0 : i32
    %lt3A_4 = arith.cmpi slt, %rem3A, %lt3A : i32
    %lt3A_5 = arith.constant 0 : i32
    %lt3A_6 = arith.cmpi slt, %select_n3A, %lt3A_5 : i32
    %ne3A_7 = arith.xori %lt3A_4, %lt3A_6 : i1
    %and3A = arith.andi %ne3A_7, %ne3A_3 : i1
    %add3A_8 = arith.addi %rem3A, %select_n3A : i32
    %select_n3A_9 = arith.select %and3A, %add3A_8, %rem3A : i32
    %jit3A_10 = arith.constant 16 : i32
    %div3A = arith.divsi %add3A, %jit3A_10 : i32
    %sign3A = arith.constant 0 : i32
    %sign3A_11 = arith.cmpi sgt, %add3A, %sign3A : i32
    %sign3A_12 = arith.extui %sign3A_11 : i1 to i32
    %sign3A_13 = arith.constant 0 : i32
    %sign3A_14 = arith.cmpi slt, %add3A, %sign3A_13 : i32
    %sign3A_15 = arith.extui %sign3A_14 : i1 to i32
    %sign3A_16 = arith.subi %sign3A_12, %sign3A_15 : i32
    %sign3A_17 = arith.constant 0 : i32
    %sign3A_18 = arith.cmpi sgt, %jit3A_10, %sign3A_17 : i32
    %sign3A_19 = arith.extui %sign3A_18 : i1 to i32
    %sign3A_20 = arith.constant 0 : i32
    %sign3A_21 = arith.cmpi slt, %jit3A_10, %sign3A_20 : i32
    %sign3A_22 = arith.extui %sign3A_21 : i1 to i32
    %sign3A_23 = arith.subi %sign3A_19, %sign3A_22 : i32
    %ne3A_24 = arith.cmpi ne, %sign3A_16, %sign3A_23 : i32
    %rem3A_25 = arith.remsi %add3A, %jit3A_10 : i32
    %ne3A_26 = arith.constant 0 : i32
    %ne3A_27 = arith.cmpi ne, %rem3A_25, %ne3A_26 : i32
    %and3A_28 = arith.andi %ne3A_24, %ne3A_27 : i1
    %sub3A = arith.constant 1 : i32
    %sub3A_29 = arith.subi %div3A, %sub3A : i32
    %select_n3A_30 = arith.select %and3A_28, %sub3A_29, %div3A : i32
    %mul3A_31 = arith.constant 160000 : i32
    %mul3A_32 = arith.muli %select_n3A_30, %mul3A_31 : i32
    %add3A_33 = arith.constant 0 : i32
    %add3A_34 = arith.addi %mul3A_32, %add3A_33 : i32
    %dma_start3A = tpu.memref_slice %arg2[%add3A_34] : memref<320000xi32, #tpu.memory_space<hbm>> -> memref<10000xi32, #tpu.memory_space<hbm>>
    %dma_start3A_35 = tpu.memref_slice %arg2[%add3A_34] : memref<320000xi32, #tpu.memory_space<hbm>> -> memref<10000xi32, #tpu.memory_space<hbm>>
    tpu.enqueue_dma source(%dma_start3A_35 : memref<10000xi32, #tpu.memory_space<hbm>>) target(%arg6 : memref<10000xi32, #tpu.memory_space<vmem>>) target_semaphore(%arg14 : memref<!tpu.dma_semaphore, #tpu.memory_space<semaphore_mem>>)
    %dma_start3A_36 = tpu.memref_slice %arg3[%add3A_34] : memref<320000xf32, #tpu.memory_space<hbm>> -> memref<10000xf32, #tpu.memory_space<hbm>>
    %dma_start3A_37 = tpu.memref_slice %arg3[%add3A_34] : memref<320000xf32, #tpu.memory_space<hbm>> -> memref<10000xf32, #tpu.memory_space<hbm>>
    tpu.enqueue_dma source(%dma_start3A_37 : memref<10000xf32, #tpu.memory_space<hbm>>) target(%arg9 : memref<10000xf32, #tpu.memory_space<vmem>>) target_semaphore(%arg14 : memref<!tpu.dma_semaphore, #tpu.memory_space<semaphore_mem>>)
    "tpu.region"() ({
      %run_scoped3A = tpu.sem_alloc : memref<!tpu.dma_semaphore, #tpu.memory_space<semaphore_mem>>
      %dma_start3A_271 = arith.constant 0 : i32
      %dma_start3A_272 = tpu.memref_slice %arg4[%select_n3A_9, %dma_start3A_271] : memref<16x10000xf32, #tpu.memory_space<hbm>> -> memref<1x10000xf32, #tpu.memory_space<hbm>>
      %dma_start3A_273 = tpu.memref_squeeze %dma_start3A_272 : memref<1x10000xf32, #tpu.memory_space<hbm>> -> memref<10000xf32, #tpu.memory_space<hbm>>
      %dma_start3A_274 = arith.constant 0 : i32
      %dma_start3A_275 = tpu.memref_slice %arg4[%select_n3A_9, %dma_start3A_274] : memref<16x10000xf32, #tpu.memory_space<hbm>> -> memref<1x10000xf32, #tpu.memory_space<hbm>>
      %dma_start3A_276 = tpu.memref_squeeze %dma_start3A_275 : memref<1x10000xf32, #tpu.memory_space<hbm>> -> memref<10000xf32, #tpu.memory_space<hbm>>
      tpu.enqueue_dma source(%dma_start3A_276 : memref<10000xf32, #tpu.memory_space<hbm>>) target(%arg12 : memref<10000xf32, #tpu.memory_space<vmem>>) target_semaphore(%run_scoped3A : memref<!tpu.dma_semaphore, #tpu.memory_space<semaphore_mem>>)
      %dma_wait3A_277 = arith.constant 0 : i32
      %dma_wait3A_278 = tpu.memref_slice %arg4[%select_n3A_9, %dma_wait3A_277] : memref<16x10000xf32, #tpu.memory_space<hbm>> -> memref<1x10000xf32, #tpu.memory_space<hbm>>
      %dma_wait3A_279 = tpu.memref_squeeze %dma_wait3A_278 : memref<1x10000xf32, #tpu.memory_space<hbm>> -> memref<10000xf32, #tpu.memory_space<hbm>>
      %dma_wait3A_280 = arith.constant 0 : i32
      %dma_wait3A_281 = tpu.memref_slice %arg4[%select_n3A_9, %dma_wait3A_280] : memref<16x10000xf32, #tpu.memory_space<hbm>> -> memref<1x10000xf32, #tpu.memory_space<hbm>>
      %dma_wait3A_282 = tpu.memref_squeeze %dma_wait3A_281 : memref<1x10000xf32, #tpu.memory_space<hbm>> -> memref<10000xf32, #tpu.memory_space<hbm>>
      tpu.wait_dma2 semaphore(%run_scoped3A : memref<!tpu.dma_semaphore, #tpu.memory_space<semaphore_mem>>) src(%dma_wait3A_282 : memref<10000xf32, #tpu.memory_space<hbm>>) dst(%arg12 : memref<10000xf32, #tpu.memory_space<vmem>>)
      tpu.yield
    }) : () -> ()
    %parallel_loop3A = arith.constant 0 : i32
    %parallel_loop3A_38 = arith.constant 625 : i32
    %parallel_loop3A_39 = arith.constant 1 : i32
    scf.for %parallel_loop3A_271 = %parallel_loop3A to %parallel_loop3A_38 step %parallel_loop3A_39  : i32 {
      %parallel_loop3A_272 = arith.constant 0.000000e+00 : f32
      %parallel_loop3A_273 = vector.broadcast %parallel_loop3A_272 : f32 to vector<16xf32>
      %parallel_loop3A_274 = arith.constant 16 : i32
      %parallel_loop3A_275 = arith.muli %parallel_loop3A_271, %parallel_loop3A_274 : i32
      %parallel_loop3A_276 = arith.index_cast %parallel_loop3A_275 : i32 to index
      %parallel_loop3A_277 = tpu.vector_load %arg13[%parallel_loop3A_276] {strides = array<i32>} : memref<10000xf32, #tpu.memory_space<vmem>>, vector<16xf32>,
      tpu.vector_store %arg13[%parallel_loop3A_276], %parallel_loop3A_273 {strides = array<i32>} : memref<10000xf32, #tpu.memory_space<vmem>>, vector<16xf32>,
    } {sc.loop_unroll_factor = 8 : i64, sc.parallel_access}
    %dma_wait3A = tpu.memref_slice %arg2[%add3A_34] : memref<320000xi32, #tpu.memory_space<hbm>> -> memref<10000xi32, #tpu.memory_space<hbm>>
    %dma_wait3A_40 = tpu.memref_slice %arg2[%add3A_34] : memref<320000xi32, #tpu.memory_space<hbm>> -> memref<10000xi32, #tpu.memory_space<hbm>>
    tpu.wait_dma2 semaphore(%arg14 : memref<!tpu.dma_semaphore, #tpu.memory_space<semaphore_mem>>) src(%dma_wait3A_40 : memref<10000xi32, #tpu.memory_space<hbm>>) dst(%arg6 : memref<10000xi32, #tpu.memory_space<vmem>>)
    %dma_wait3A_41 = tpu.memref_slice %arg3[%add3A_34] : memref<320000xf32, #tpu.memory_space<hbm>> -> memref<10000xf32, #tpu.memory_space<hbm>>
    %dma_wait3A_42 = tpu.memref_slice %arg3[%add3A_34] : memref<320000xf32, #tpu.memory_space<hbm>> -> memref<10000xf32, #tpu.memory_space<hbm>>
    tpu.wait_dma2 semaphore(%arg14 : memref<!tpu.dma_semaphore, #tpu.memory_space<semaphore_mem>>) src(%dma_wait3A_42 : memref<10000xf32, #tpu.memory_space<hbm>>) dst(%arg9 : memref<10000xf32, #tpu.memory_space<vmem>>)
    %mul3A_43 = arith.constant 160000 : i32
    %mul3A_44 = arith.muli %select_n3A_30, %mul3A_43 : i32
    %add3A_45 = arith.constant 10000 : i32
    %add3A_46 = arith.addi %mul3A_44, %add3A_45 : i32
    %dma_start3A_47 = tpu.memref_slice %arg2[%add3A_46] : memref<320000xi32, #tpu.memory_space<hbm>> -> memref<10000xi32, #tpu.memory_space<hbm>>
    %dma_start3A_48 = tpu.memref_slice %arg2[%add3A_46] : memref<320000xi32, #tpu.memory_space<hbm>> -> memref<10000xi32, #tpu.memory_space<hbm>>
    tpu.enqueue_dma source(%dma_start3A_48 : memref<10000xi32, #tpu.memory_space<hbm>>) target(%arg7 : memref<10000xi32, #tpu.memory_space<vmem>>) target_semaphore(%arg15 : memref<!tpu.dma_semaphore, #tpu.memory_space<semaphore_mem>>)
    %dma_start3A_49 = tpu.memref_slice %arg3[%add3A_46] : memref<320000xf32, #tpu.memory_space<hbm>> -> memref<10000xf32, #tpu.memory_space<hbm>>
    %dma_start3A_50 = tpu.memref_slice %arg3[%add3A_46] : memref<320000xf32, #tpu.memory_space<hbm>> -> memref<10000xf32, #tpu.memory_space<hbm>>
    tpu.enqueue_dma source(%dma_start3A_50 : memref<10000xf32, #tpu.memory_space<hbm>>) target(%arg10 : memref<10000xf32, #tpu.memory_space<vmem>>) target_semaphore(%arg15 : memref<!tpu.dma_semaphore, #tpu.memory_space<semaphore_mem>>)
    %parallel_loop3A_51 = arith.constant 0 : i32
    %parallel_loop3A_52 = arith.constant 625 : i32
    %parallel_loop3A_53 = arith.constant 1 : i32
    scf.for %parallel_loop3A_271 = %parallel_loop3A_51 to %parallel_loop3A_52 step %parallel_loop3A_53  : i32 {
      %parallel_loop3A_272 = arith.constant 16 : i32
      %parallel_loop3A_273 = arith.muli %parallel_loop3A_271, %parallel_loop3A_272 : i32
      %parallel_loop3A_274 = arith.index_cast %parallel_loop3A_273 : i32 to index
      %parallel_loop3A_275 = tpu.vector_load %arg6[%parallel_loop3A_274] {strides = array<i32>} : memref<10000xi32, #tpu.memory_space<vmem>>, vector<16xi32>,
      %parallel_loop3A_276 = arith.constant 65535 : i32
      %parallel_loop3A_277 = vector.broadcast %parallel_loop3A_276 : i32 to vector<16xi32>
      %parallel_loop3A_278 = arith.andi %parallel_loop3A_275, %parallel_loop3A_277 : vector<16xi32>
      %parallel_loop3A_279 = arith.constant 16 : i32
      %parallel_loop3A_280 = vector.broadcast %parallel_loop3A_279 : i32 to vector<16xi32>
      %parallel_loop3A_281 = arith.shrui %parallel_loop3A_275, %parallel_loop3A_280 : vector<16xi32>
      %parallel_loop3A_282 = tpu.vector_load_idx %arg12[%parallel_loop3A_278] : memref<10000xf32, #tpu.memory_space<vmem>>[vector<16xi32>], vector<16xf32>,
      %parallel_loop3A_283 = arith.index_cast %parallel_loop3A_273 : i32 to index
      %parallel_loop3A_284 = tpu.vector_load %arg9[%parallel_loop3A_283] {strides = array<i32>} : memref<10000xf32, #tpu.memory_space<vmem>>, vector<16xf32>,
      %parallel_loop3A_285 = arith.mulf %parallel_loop3A_282, %parallel_loop3A_284 : vector<16xf32>
      tpu.vector_store_idx %arg13[%parallel_loop3A_281], %parallel_loop3A_285 {add = true} : memref<10000xf32, #tpu.memory_space<vmem>>[vector<16xi32>], vector<16xf32>,
    } {sc.loop_unroll_factor = 8 : i64, sc.parallel_access}
    %dma_wait3A_54 = tpu.memref_slice %arg2[%add3A_46] : memref<320000xi32, #tpu.memory_space<hbm>> -> memref<10000xi32, #tpu.memory_space<hbm>>
    %dma_wait3A_55 = tpu.memref_slice %arg2[%add3A_46] : memref<320000xi32, #tpu.memory_space<hbm>> -> memref<10000xi32, #tpu.memory_space<hbm>>
    tpu.wait_dma2 semaphore(%arg15 : memref<!tpu.dma_semaphore, #tpu.memory_space<semaphore_mem>>) src(%dma_wait3A_55 : memref<10000xi32, #tpu.memory_space<hbm>>) dst(%arg7 : memref<10000xi32, #tpu.memory_space<vmem>>)
    %dma_wait3A_56 = tpu.memref_slice %arg3[%add3A_46] : memref<320000xf32, #tpu.memory_space<hbm>> -> memref<10000xf32, #tpu.memory_space<hbm>>
    %dma_wait3A_57 = tpu.memref_slice %arg3[%add3A_46] : memref<320000xf32, #tpu.memory_space<hbm>> -> memref<10000xf32, #tpu.memory_space<hbm>>
    tpu.wait_dma2 semaphore(%arg15 : memref<!tpu.dma_semaphore, #tpu.memory_space<semaphore_mem>>) src(%dma_wait3A_57 : memref<10000xf32, #tpu.memory_space<hbm>>) dst(%arg10 : memref<10000xf32, #tpu.memory_space<vmem>>)
    %mul3A_58 = arith.constant 160000 : i32
    %mul3A_59 = arith.muli %select_n3A_30, %mul3A_58 : i32
    %add3A_60 = arith.constant 20000 : i32
    %add3A_61 = arith.addi %mul3A_59, %add3A_60 : i32
    %dma_start3A_62 = tpu.memref_slice %arg2[%add3A_61] : memref<320000xi32, #tpu.memory_space<hbm>> -> memref<10000xi32, #tpu.memory_space<hbm>>
    %dma_start3A_63 = tpu.memref_slice %arg2[%add3A_61] : memref<320000xi32, #tpu.memory_space<hbm>> -> memref<10000xi32, #tpu.memory_space<hbm>>
    tpu.enqueue_dma source(%dma_start3A_63 : memref<10000xi32, #tpu.memory_space<hbm>>) target(%arg8 : memref<10000xi32, #tpu.memory_space<vmem>>) target_semaphore(%arg16 : memref<!tpu.dma_semaphore, #tpu.memory_space<semaphore_mem>>)
    %dma_start3A_64 = tpu.memref_slice %arg3[%add3A_61] : memref<320000xf32, #tpu.memory_space<hbm>> -> memref<10000xf32, #tpu.memory_space<hbm>>
    %dma_start3A_65 = tpu.memref_slice %arg3[%add3A_61] : memref<320000xf32, #tpu.memory_space<hbm>> -> memref<10000xf32, #tpu.memory_space<hbm>>
    tpu.enqueue_dma source(%dma_start3A_65 : memref<10000xf32, #tpu.memory_space<hbm>>) target(%arg11 : memref<10000xf32, #tpu.memory_space<vmem>>) target_semaphore(%arg16 : memref<!tpu.dma_semaphore, #tpu.memory_space<semaphore_mem>>)
    %parallel_loop3A_66 = arith.constant 0 : i32
    %parallel_loop3A_67 = arith.constant 625 : i32
    %parallel_loop3A_68 = arith.constant 1 : i32
    scf.for %parallel_loop3A_271 = %parallel_loop3A_66 to %parallel_loop3A_67 step %parallel_loop3A_68  : i32 {
      %parallel_loop3A_272 = arith.constant 16 : i32
      %parallel_loop3A_273 = arith.muli %parallel_loop3A_271, %parallel_loop3A_272 : i32
      %parallel_loop3A_274 = arith.index_cast %parallel_loop3A_273 : i32 to index
      %parallel_loop3A_275 = tpu.vector_load %arg7[%parallel_loop3A_274] {strides = array<i32>} : memref<10000xi32, #tpu.memory_space<vmem>>, vector<16xi32>,
      %parallel_loop3A_276 = arith.constant 65535 : i32
      %parallel_loop3A_277 = vector.broadcast %parallel_loop3A_276 : i32 to vector<16xi32>
      %parallel_loop3A_278 = arith.andi %parallel_loop3A_275, %parallel_loop3A_277 : vector<16xi32>
      %parallel_loop3A_279 = arith.constant 16 : i32
      %parallel_loop3A_280 = vector.broadcast %parallel_loop3A_279 : i32 to vector<16xi32>
      %parallel_loop3A_281 = arith.shrui %parallel_loop3A_275, %parallel_loop3A_280 : vector<16xi32>
      %parallel_loop3A_282 = tpu.vector_load_idx %arg12[%parallel_loop3A_278] : memref<10000xf32, #tpu.memory_space<vmem>>[vector<16xi32>], vector<16xf32>,
      %parallel_loop3A_283 = arith.index_cast %parallel_loop3A_273 : i32 to index
      %parallel_loop3A_284 = tpu.vector_load %arg10[%parallel_loop3A_283] {strides = array<i32>} : memref<10000xf32, #tpu.memory_space<vmem>>, vector<16xf32>,
      %parallel_loop3A_285 = arith.mulf %parallel_loop3A_282, %parallel_loop3A_284 : vector<16xf32>
      tpu.vector_store_idx %arg13[%parallel_loop3A_281], %parallel_loop3A_285 {add = true} : memref<10000xf32, #tpu.memory_space<vmem>>[vector<16xi32>], vector<16xf32>,
    } {sc.loop_unroll_factor = 8 : i64, sc.parallel_access}
    %dma_wait3A_69 = tpu.memref_slice %arg2[%add3A_61] : memref<320000xi32, #tpu.memory_space<hbm>> -> memref<10000xi32, #tpu.memory_space<hbm>>
    %dma_wait3A_70 = tpu.memref_slice %arg2[%add3A_61] : memref<320000xi32, #tpu.memory_space<hbm>> -> memref<10000xi32, #tpu.memory_space<hbm>>
    tpu.wait_dma2 semaphore(%arg16 : memref<!tpu.dma_semaphore, #tpu.memory_space<semaphore_mem>>) src(%dma_wait3A_70 : memref<10000xi32, #tpu.memory_space<hbm>>) dst(%arg8 : memref<10000xi32, #tpu.memory_space<vmem>>)
    %dma_wait3A_71 = tpu.memref_slice %arg3[%add3A_61] : memref<320000xf32, #tpu.memory_space<hbm>> -> memref<10000xf32, #tpu.memory_space<hbm>>
    %dma_wait3A_72 = tpu.memref_slice %arg3[%add3A_61] : memref<320000xf32, #tpu.memory_space<hbm>> -> memref<10000xf32, #tpu.memory_space<hbm>>
    tpu.wait_dma2 semaphore(%arg16 : memref<!tpu.dma_semaphore, #tpu.memory_space<semaphore_mem>>) src(%dma_wait3A_72 : memref<10000xf32, #tpu.memory_space<hbm>>) dst(%arg11 : memref<10000xf32, #tpu.memory_space<vmem>>)
    %mul3A_73 = arith.constant 160000 : i32
    %mul3A_74 = arith.muli %select_n3A_30, %mul3A_73 : i32
    %add3A_75 = arith.constant 30000 : i32
    %add3A_76 = arith.addi %mul3A_74, %add3A_75 : i32
    %dma_start3A_77 = tpu.memref_slice %arg2[%add3A_76] : memref<320000xi32, #tpu.memory_space<hbm>> -> memref<10000xi32, #tpu.memory_space<hbm>>
    %dma_start3A_78 = tpu.memref_slice %arg2[%add3A_76] : memref<320000xi32, #tpu.memory_space<hbm>> -> memref<10000xi32, #tpu.memory_space<hbm>>
    tpu.enqueue_dma source(%dma_start3A_78 : memref<10000xi32, #tpu.memory_space<hbm>>) target(%arg6 : memref<10000xi32, #tpu.memory_space<vmem>>) target_semaphore(%arg14 : memref<!tpu.dma_semaphore, #tpu.memory_space<semaphore_mem>>)
    %dma_start3A_79 = tpu.memref_slice %arg3[%add3A_76] : memref<320000xf32, #tpu.memory_space<hbm>> -> memref<10000xf32, #tpu.memory_space<hbm>>
    %dma_start3A_80 = tpu.memref_slice %arg3[%add3A_76] : memref<320000xf32, #tpu.memory_space<hbm>> -> memref<10000xf32, #tpu.memory_space<hbm>>
    tpu.enqueue_dma source(%dma_start3A_80 : memref<10000xf32, #tpu.memory_space<hbm>>) target(%arg9 : memref<10000xf32, #tpu.memory_space<vmem>>) target_semaphore(%arg14 : memref<!tpu.dma_semaphore, #tpu.memory_space<semaphore_mem>>)
    %parallel_loop3A_81 = arith.constant 0 : i32
    %parallel_loop3A_82 = arith.constant 625 : i32
    %parallel_loop3A_83 = arith.constant 1 : i32
    scf.for %parallel_loop3A_271 = %parallel_loop3A_81 to %parallel_loop3A_82 step %parallel_loop3A_83  : i32 {
      %parallel_loop3A_272 = arith.constant 16 : i32
      %parallel_loop3A_273 = arith.muli %parallel_loop3A_271, %parallel_loop3A_272 : i32
      %parallel_loop3A_274 = arith.index_cast %parallel_loop3A_273 : i32 to index
      %parallel_loop3A_275 = tpu.vector_load %arg8[%parallel_loop3A_274] {strides = array<i32>} : memref<10000xi32, #tpu.memory_space<vmem>>, vector<16xi32>,
      %parallel_loop3A_276 = arith.constant 65535 : i32
      %parallel_loop3A_277 = vector.broadcast %parallel_loop3A_276 : i32 to vector<16xi32>
      %parallel_loop3A_278 = arith.andi %parallel_loop3A_275, %parallel_loop3A_277 : vector<16xi32>
      %parallel_loop3A_279 = arith.constant 16 : i32
      %parallel_loop3A_280 = vector.broadcast %parallel_loop3A_279 : i32 to vector<16xi32>
      %parallel_loop3A_281 = arith.shrui %parallel_loop3A_275, %parallel_loop3A_280 : vector<16xi32>
      %parallel_loop3A_282 = tpu.vector_load_idx %arg12[%parallel_loop3A_278] : memref<10000xf32, #tpu.memory_space<vmem>>[vector<16xi32>], vector<16xf32>,
      %parallel_loop3A_283 = arith.index_cast %parallel_loop3A_273 : i32 to index
      %parallel_loop3A_284 = tpu.vector_load %arg11[%parallel_loop3A_283] {strides = array<i32>} : memref<10000xf32, #tpu.memory_space<vmem>>, vector<16xf32>,
      %parallel_loop3A_285 = arith.mulf %parallel_loop3A_282, %parallel_loop3A_284 : vector<16xf32>
      tpu.vector_store_idx %arg13[%parallel_loop3A_281], %parallel_loop3A_285 {add = true} : memref<10000xf32, #tpu.memory_space<vmem>>[vector<16xi32>], vector<16xf32>,
    } {sc.loop_unroll_factor = 8 : i64, sc.parallel_access}
    %dma_wait3A_84 = tpu.memref_slice %arg2[%add3A_76] : memref<320000xi32, #tpu.memory_space<hbm>> -> memref<10000xi32, #tpu.memory_space<hbm>>
    %dma_wait3A_85 = tpu.memref_slice %arg2[%add3A_76] : memref<320000xi32, #tpu.memory_space<hbm>> -> memref<10000xi32, #tpu.memory_space<hbm>>
    tpu.wait_dma2 semaphore(%arg14 : memref<!tpu.dma_semaphore, #tpu.memory_space<semaphore_mem>>) src(%dma_wait3A_85 : memref<10000xi32, #tpu.memory_space<hbm>>) dst(%arg6 : memref<10000xi32, #tpu.memory_space<vmem>>)
    %dma_wait3A_86 = tpu.memref_slice %arg3[%add3A_76] : memref<320000xf32, #tpu.memory_space<hbm>> -> memref<10000xf32, #tpu.memory_space<hbm>>
    %dma_wait3A_87 = tpu.memref_slice %arg3[%add3A_76] : memref<320000xf32, #tpu.memory_space<hbm>> -> memref<10000xf32, #tpu.memory_space<hbm>>
    tpu.wait_dma2 semaphore(%arg14 : memref<!tpu.dma_semaphore, #tpu.memory_space<semaphore_mem>>) src(%dma_wait3A_87 : memref<10000xf32, #tpu.memory_space<hbm>>) dst(%arg9 : memref<10000xf32, #tpu.memory_space<vmem>>)
    %mul3A_88 = arith.constant 160000 : i32
    %mul3A_89 = arith.muli %select_n3A_30, %mul3A_88 : i32
    %add3A_90 = arith.constant 40000 : i32
    %add3A_91 = arith.addi %mul3A_89, %add3A_90 : i32
    %dma_start3A_92 = tpu.memref_slice %arg2[%add3A_91] : memref<320000xi32, #tpu.memory_space<hbm>> -> memref<10000xi32, #tpu.memory_space<hbm>>
    %dma_start3A_93 = tpu.memref_slice %arg2[%add3A_91] : memref<320000xi32, #tpu.memory_space<hbm>> -> memref<10000xi32, #tpu.memory_space<hbm>>
    tpu.enqueue_dma source(%dma_start3A_93 : memref<10000xi32, #tpu.memory_space<hbm>>) target(%arg7 : memref<10000xi32, #tpu.memory_space<vmem>>) target_semaphore(%arg15 : memref<!tpu.dma_semaphore, #tpu.memory_space<semaphore_mem>>)
    %dma_start3A_94 = tpu.memref_slice %arg3[%add3A_91] : memref<320000xf32, #tpu.memory_space<hbm>> -> memref<10000xf32, #tpu.memory_space<hbm>>
    %dma_start3A_95 = tpu.memref_slice %arg3[%add3A_91] : memref<320000xf32, #tpu.memory_space<hbm>> -> memref<10000xf32, #tpu.memory_space<hbm>>
    tpu.enqueue_dma source(%dma_start3A_95 : memref<10000xf32, #tpu.memory_space<hbm>>) target(%arg10 : memref<10000xf32, #tpu.memory_space<vmem>>) target_semaphore(%arg15 : memref<!tpu.dma_semaphore, #tpu.memory_space<semaphore_mem>>)
    %parallel_loop3A_96 = arith.constant 0 : i32
    %parallel_loop3A_97 = arith.constant 625 : i32
    %parallel_loop3A_98 = arith.constant 1 : i32
    scf.for %parallel_loop3A_271 = %parallel_loop3A_96 to %parallel_loop3A_97 step %parallel_loop3A_98  : i32 {
      %parallel_loop3A_272 = arith.constant 16 : i32
      %parallel_loop3A_273 = arith.muli %parallel_loop3A_271, %parallel_loop3A_272 : i32
      %parallel_loop3A_274 = arith.index_cast %parallel_loop3A_273 : i32 to index
      %parallel_loop3A_275 = tpu.vector_load %arg6[%parallel_loop3A_274] {strides = array<i32>} : memref<10000xi32, #tpu.memory_space<vmem>>, vector<16xi32>,
      %parallel_loop3A_276 = arith.constant 65535 : i32
      %parallel_loop3A_277 = vector.broadcast %parallel_loop3A_276 : i32 to vector<16xi32>
      %parallel_loop3A_278 = arith.andi %parallel_loop3A_275, %parallel_loop3A_277 : vector<16xi32>
      %parallel_loop3A_279 = arith.constant 16 : i32
      %parallel_loop3A_280 = vector.broadcast %parallel_loop3A_279 : i32 to vector<16xi32>
      %parallel_loop3A_281 = arith.shrui %parallel_loop3A_275, %parallel_loop3A_280 : vector<16xi32>
      %parallel_loop3A_282 = tpu.vector_load_idx %arg12[%parallel_loop3A_278] : memref<10000xf32, #tpu.memory_space<vmem>>[vector<16xi32>], vector<16xf32>,
      %parallel_loop3A_283 = arith.index_cast %parallel_loop3A_273 : i32 to index
      %parallel_loop3A_284 = tpu.vector_load %arg9[%parallel_loop3A_283] {strides = array<i32>} : memref<10000xf32, #tpu.memory_space<vmem>>, vector<16xf32>,
      %parallel_loop3A_285 = arith.mulf %parallel_loop3A_282, %parallel_loop3A_284 : vector<16xf32>
      tpu.vector_store_idx %arg13[%parallel_loop3A_281], %parallel_loop3A_285 {add = true} : memref<10000xf32, #tpu.memory_space<vmem>>[vector<16xi32>], vector<16xf32>,
    } {sc.loop_unroll_factor = 8 : i64, sc.parallel_access}
    %dma_wait3A_99 = tpu.memref_slice %arg2[%add3A_91] : memref<320000xi32, #tpu.memory_space<hbm>> -> memref<10000xi32, #tpu.memory_space<hbm>>
    %dma_wait3A_100 = tpu.memref_slice %arg2[%add3A_91] : memref<320000xi32, #tpu.memory_space<hbm>> -> memref<10000xi32, #tpu.memory_space<hbm>>
    tpu.wait_dma2 semaphore(%arg15 : memref<!tpu.dma_semaphore, #tpu.memory_space<semaphore_mem>>) src(%dma_wait3A_100 : memref<10000xi32, #tpu.memory_space<hbm>>) dst(%arg7 : memref<10000xi32, #tpu.memory_space<vmem>>)
    %dma_wait3A_101 = tpu.memref_slice %arg3[%add3A_91] : memref<320000xf32, #tpu.memory_space<hbm>> -> memref<10000xf32, #tpu.memory_space<hbm>>
    %dma_wait3A_102 = tpu.memref_slice %arg3[%add3A_91] : memref<320000xf32, #tpu.memory_space<hbm>> -> memref<10000xf32, #tpu.memory_space<hbm>>
    tpu.wait_dma2 semaphore(%arg15 : memref<!tpu.dma_semaphore, #tpu.memory_space<semaphore_mem>>) src(%dma_wait3A_102 : memref<10000xf32, #tpu.memory_space<hbm>>) dst(%arg10 : memref<10000xf32, #tpu.memory_space<vmem>>)
    %mul3A_103 = arith.constant 160000 : i32
    %mul3A_104 = arith.muli %select_n3A_30, %mul3A_103 : i32
    %add3A_105 = arith.constant 50000 : i32
    %add3A_106 = arith.addi %mul3A_104, %add3A_105 : i32
    %dma_start3A_107 = tpu.memref_slice %arg2[%add3A_106] : memref<320000xi32, #tpu.memory_space<hbm>> -> memref<10000xi32, #tpu.memory_space<hbm>>
    %dma_start3A_108 = tpu.memref_slice %arg2[%add3A_106] : memref<320000xi32, #tpu.memory_space<hbm>> -> memref<10000xi32, #tpu.memory_space<hbm>>
    tpu.enqueue_dma source(%dma_start3A_108 : memref<10000xi32, #tpu.memory_space<hbm>>) target(%arg8 : memref<10000xi32, #tpu.memory_space<vmem>>) target_semaphore(%arg16 : memref<!tpu.dma_semaphore, #tpu.memory_space<semaphore_mem>>)
    %dma_start3A_109 = tpu.memref_slice %arg3[%add3A_106] : memref<320000xf32, #tpu.memory_space<hbm>> -> memref<10000xf32, #tpu.memory_space<hbm>>
    %dma_start3A_110 = tpu.memref_slice %arg3[%add3A_106] : memref<320000xf32, #tpu.memory_space<hbm>> -> memref<10000xf32, #tpu.memory_space<hbm>>
    tpu.enqueue_dma source(%dma_start3A_110 : memref<10000xf32, #tpu.memory_space<hbm>>) target(%arg11 : memref<10000xf32, #tpu.memory_space<vmem>>) target_semaphore(%arg16 : memref<!tpu.dma_semaphore, #tpu.memory_space<semaphore_mem>>)
    %parallel_loop3A_111 = arith.constant 0 : i32
    %parallel_loop3A_112 = arith.constant 625 : i32
    %parallel_loop3A_113 = arith.constant 1 : i32
    scf.for %parallel_loop3A_271 = %parallel_loop3A_111 to %parallel_loop3A_112 step %parallel_loop3A_113  : i32 {
      %parallel_loop3A_272 = arith.constant 16 : i32
      %parallel_loop3A_273 = arith.muli %parallel_loop3A_271, %parallel_loop3A_272 : i32
      %parallel_loop3A_274 = arith.index_cast %parallel_loop3A_273 : i32 to index
      %parallel_loop3A_275 = tpu.vector_load %arg7[%parallel_loop3A_274] {strides = array<i32>} : memref<10000xi32, #tpu.memory_space<vmem>>, vector<16xi32>,
      %parallel_loop3A_276 = arith.constant 65535 : i32
      %parallel_loop3A_277 = vector.broadcast %parallel_loop3A_276 : i32 to vector<16xi32>
      %parallel_loop3A_278 = arith.andi %parallel_loop3A_275, %parallel_loop3A_277 : vector<16xi32>
      %parallel_loop3A_279 = arith.constant 16 : i32
      %parallel_loop3A_280 = vector.broadcast %parallel_loop3A_279 : i32 to vector<16xi32>
      %parallel_loop3A_281 = arith.shrui %parallel_loop3A_275, %parallel_loop3A_280 : vector<16xi32>
      %parallel_loop3A_282 = tpu.vector_load_idx %arg12[%parallel_loop3A_278] : memref<10000xf32, #tpu.memory_space<vmem>>[vector<16xi32>], vector<16xf32>,
      %parallel_loop3A_283 = arith.index_cast %parallel_loop3A_273 : i32 to index
      %parallel_loop3A_284 = tpu.vector_load %arg10[%parallel_loop3A_283] {strides = array<i32>} : memref<10000xf32, #tpu.memory_space<vmem>>, vector<16xf32>,
      %parallel_loop3A_285 = arith.mulf %parallel_loop3A_282, %parallel_loop3A_284 : vector<16xf32>
      tpu.vector_store_idx %arg13[%parallel_loop3A_281], %parallel_loop3A_285 {add = true} : memref<10000xf32, #tpu.memory_space<vmem>>[vector<16xi32>], vector<16xf32>,
    } {sc.loop_unroll_factor = 8 : i64, sc.parallel_access}
    %dma_wait3A_114 = tpu.memref_slice %arg2[%add3A_106] : memref<320000xi32, #tpu.memory_space<hbm>> -> memref<10000xi32, #tpu.memory_space<hbm>>
    %dma_wait3A_115 = tpu.memref_slice %arg2[%add3A_106] : memref<320000xi32, #tpu.memory_space<hbm>> -> memref<10000xi32, #tpu.memory_space<hbm>>
    tpu.wait_dma2 semaphore(%arg16 : memref<!tpu.dma_semaphore, #tpu.memory_space<semaphore_mem>>) src(%dma_wait3A_115 : memref<10000xi32, #tpu.memory_space<hbm>>) dst(%arg8 : memref<10000xi32, #tpu.memory_space<vmem>>)
    %dma_wait3A_116 = tpu.memref_slice %arg3[%add3A_106] : memref<320000xf32, #tpu.memory_space<hbm>> -> memref<10000xf32, #tpu.memory_space<hbm>>
    %dma_wait3A_117 = tpu.memref_slice %arg3[%add3A_106] : memref<320000xf32, #tpu.memory_space<hbm>> -> memref<10000xf32, #tpu.memory_space<hbm>>
    tpu.wait_dma2 semaphore(%arg16 : memref<!tpu.dma_semaphore, #tpu.memory_space<semaphore_mem>>) src(%dma_wait3A_117 : memref<10000xf32, #tpu.memory_space<hbm>>) dst(%arg11 : memref<10000xf32, #tpu.memory_space<vmem>>)
    %mul3A_118 = arith.constant 160000 : i32
    %mul3A_119 = arith.muli %select_n3A_30, %mul3A_118 : i32
    %add3A_120 = arith.constant 60000 : i32
    %add3A_121 = arith.addi %mul3A_119, %add3A_120 : i32
    %dma_start3A_122 = tpu.memref_slice %arg2[%add3A_121] : memref<320000xi32, #tpu.memory_space<hbm>> -> memref<10000xi32, #tpu.memory_space<hbm>>
    %dma_start3A_123 = tpu.memref_slice %arg2[%add3A_121] : memref<320000xi32, #tpu.memory_space<hbm>> -> memref<10000xi32, #tpu.memory_space<hbm>>
    tpu.enqueue_dma source(%dma_start3A_123 : memref<10000xi32, #tpu.memory_space<hbm>>) target(%arg6 : memref<10000xi32, #tpu.memory_space<vmem>>) target_semaphore(%arg14 : memref<!tpu.dma_semaphore, #tpu.memory_space<semaphore_mem>>)
    %dma_start3A_124 = tpu.memref_slice %arg3[%add3A_121] : memref<320000xf32, #tpu.memory_space<hbm>> -> memref<10000xf32, #tpu.memory_space<hbm>>
    %dma_start3A_125 = tpu.memref_slice %arg3[%add3A_121] : memref<320000xf32, #tpu.memory_space<hbm>> -> memref<10000xf32, #tpu.memory_space<hbm>>
    tpu.enqueue_dma source(%dma_start3A_125 : memref<10000xf32, #tpu.memory_space<hbm>>) target(%arg9 : memref<10000xf32, #tpu.memory_space<vmem>>) target_semaphore(%arg14 : memref<!tpu.dma_semaphore, #tpu.memory_space<semaphore_mem>>)
    %parallel_loop3A_126 = arith.constant 0 : i32
    %parallel_loop3A_127 = arith.constant 625 : i32
    %parallel_loop3A_128 = arith.constant 1 : i32
    scf.for %parallel_loop3A_271 = %parallel_loop3A_126 to %parallel_loop3A_127 step %parallel_loop3A_128  : i32 {
      %parallel_loop3A_272 = arith.constant 16 : i32
      %parallel_loop3A_273 = arith.muli %parallel_loop3A_271, %parallel_loop3A_272 : i32
      %parallel_loop3A_274 = arith.index_cast %parallel_loop3A_273 : i32 to index
      %parallel_loop3A_275 = tpu.vector_load %arg8[%parallel_loop3A_274] {strides = array<i32>} : memref<10000xi32, #tpu.memory_space<vmem>>, vector<16xi32>,
      %parallel_loop3A_276 = arith.constant 65535 : i32
      %parallel_loop3A_277 = vector.broadcast %parallel_loop3A_276 : i32 to vector<16xi32>
      %parallel_loop3A_278 = arith.andi %parallel_loop3A_275, %parallel_loop3A_277 : vector<16xi32>
      %parallel_loop3A_279 = arith.constant 16 : i32
      %parallel_loop3A_280 = vector.broadcast %parallel_loop3A_279 : i32 to vector<16xi32>
      %parallel_loop3A_281 = arith.shrui %parallel_loop3A_275, %parallel_loop3A_280 : vector<16xi32>
      %parallel_loop3A_282 = tpu.vector_load_idx %arg12[%parallel_loop3A_278] : memref<10000xf32, #tpu.memory_space<vmem>>[vector<16xi32>], vector<16xf32>,
      %parallel_loop3A_283 = arith.index_cast %parallel_loop3A_273 : i32 to index
      %parallel_loop3A_284 = tpu.vector_load %arg11[%parallel_loop3A_283] {strides = array<i32>} : memref<10000xf32, #tpu.memory_space<vmem>>, vector<16xf32>,
      %parallel_loop3A_285 = arith.mulf %parallel_loop3A_282, %parallel_loop3A_284 : vector<16xf32>
      tpu.vector_store_idx %arg13[%parallel_loop3A_281], %parallel_loop3A_285 {add = true} : memref<10000xf32, #tpu.memory_space<vmem>>[vector<16xi32>], vector<16xf32>,
    } {sc.loop_unroll_factor = 8 : i64, sc.parallel_access}
    %dma_wait3A_129 = tpu.memref_slice %arg2[%add3A_121] : memref<320000xi32, #tpu.memory_space<hbm>> -> memref<10000xi32, #tpu.memory_space<hbm>>
    %dma_wait3A_130 = tpu.memref_slice %arg2[%add3A_121] : memref<320000xi32, #tpu.memory_space<hbm>> -> memref<10000xi32, #tpu.memory_space<hbm>>
    tpu.wait_dma2 semaphore(%arg14 : memref<!tpu.dma_semaphore, #tpu.memory_space<semaphore_mem>>) src(%dma_wait3A_130 : memref<10000xi32, #tpu.memory_space<hbm>>) dst(%arg6 : memref<10000xi32, #tpu.memory_space<vmem>>)
    %dma_wait3A_131 = tpu.memref_slice %arg3[%add3A_121] : memref<320000xf32, #tpu.memory_space<hbm>> -> memref<10000xf32, #tpu.memory_space<hbm>>
    %dma_wait3A_132 = tpu.memref_slice %arg3[%add3A_121] : memref<320000xf32, #tpu.memory_space<hbm>> -> memref<10000xf32, #tpu.memory_space<hbm>>
    tpu.wait_dma2 semaphore(%arg14 : memref<!tpu.dma_semaphore, #tpu.memory_space<semaphore_mem>>) src(%dma_wait3A_132 : memref<10000xf32, #tpu.memory_space<hbm>>) dst(%arg9 : memref<10000xf32, #tpu.memory_space<vmem>>)
    %mul3A_133 = arith.constant 160000 : i32
    %mul3A_134 = arith.muli %select_n3A_30, %mul3A_133 : i32
    %add3A_135 = arith.constant 70000 : i32
    %add3A_136 = arith.addi %mul3A_134, %add3A_135 : i32
    %dma_start3A_137 = tpu.memref_slice %arg2[%add3A_136] : memref<320000xi32, #tpu.memory_space<hbm>> -> memref<10000xi32, #tpu.memory_space<hbm>>
    %dma_start3A_138 = tpu.memref_slice %arg2[%add3A_136] : memref<320000xi32, #tpu.memory_space<hbm>> -> memref<10000xi32, #tpu.memory_space<hbm>>
    tpu.enqueue_dma source(%dma_start3A_138 : memref<10000xi32, #tpu.memory_space<hbm>>) target(%arg7 : memref<10000xi32, #tpu.memory_space<vmem>>) target_semaphore(%arg15 : memref<!tpu.dma_semaphore, #tpu.memory_space<semaphore_mem>>)
    %dma_start3A_139 = tpu.memref_slice %arg3[%add3A_136] : memref<320000xf32, #tpu.memory_space<hbm>> -> memref<10000xf32, #tpu.memory_space<hbm>>
    %dma_start3A_140 = tpu.memref_slice %arg3[%add3A_136] : memref<320000xf32, #tpu.memory_space<hbm>> -> memref<10000xf32, #tpu.memory_space<hbm>>
    tpu.enqueue_dma source(%dma_start3A_140 : memref<10000xf32, #tpu.memory_space<hbm>>) target(%arg10 : memref<10000xf32, #tpu.memory_space<vmem>>) target_semaphore(%arg15 : memref<!tpu.dma_semaphore, #tpu.memory_space<semaphore_mem>>)
    %parallel_loop3A_141 = arith.constant 0 : i32
    %parallel_loop3A_142 = arith.constant 625 : i32
    %parallel_loop3A_143 = arith.constant 1 : i32
    scf.for %parallel_loop3A_271 = %parallel_loop3A_141 to %parallel_loop3A_142 step %parallel_loop3A_143  : i32 {
      %parallel_loop3A_272 = arith.constant 16 : i32
      %parallel_loop3A_273 = arith.muli %parallel_loop3A_271, %parallel_loop3A_272 : i32
      %parallel_loop3A_274 = arith.index_cast %parallel_loop3A_273 : i32 to index
      %parallel_loop3A_275 = tpu.vector_load %arg6[%parallel_loop3A_274] {strides = array<i32>} : memref<10000xi32, #tpu.memory_space<vmem>>, vector<16xi32>,
      %parallel_loop3A_276 = arith.constant 65535 : i32
      %parallel_loop3A_277 = vector.broadcast %parallel_loop3A_276 : i32 to vector<16xi32>
      %parallel_loop3A_278 = arith.andi %parallel_loop3A_275, %parallel_loop3A_277 : vector<16xi32>
      %parallel_loop3A_279 = arith.constant 16 : i32
      %parallel_loop3A_280 = vector.broadcast %parallel_loop3A_279 : i32 to vector<16xi32>
      %parallel_loop3A_281 = arith.shrui %parallel_loop3A_275, %parallel_loop3A_280 : vector<16xi32>
      %parallel_loop3A_282 = tpu.vector_load_idx %arg12[%parallel_loop3A_278] : memref<10000xf32, #tpu.memory_space<vmem>>[vector<16xi32>], vector<16xf32>,
      %parallel_loop3A_283 = arith.index_cast %parallel_loop3A_273 : i32 to index
      %parallel_loop3A_284 = tpu.vector_load %arg9[%parallel_loop3A_283] {strides = array<i32>} : memref<10000xf32, #tpu.memory_space<vmem>>, vector<16xf32>,
      %parallel_loop3A_285 = arith.mulf %parallel_loop3A_282, %parallel_loop3A_284 : vector<16xf32>
      tpu.vector_store_idx %arg13[%parallel_loop3A_281], %parallel_loop3A_285 {add = true} : memref<10000xf32, #tpu.memory_space<vmem>>[vector<16xi32>], vector<16xf32>,
    } {sc.loop_unroll_factor = 8 : i64, sc.parallel_access}
    %dma_wait3A_144 = tpu.memref_slice %arg2[%add3A_136] : memref<320000xi32, #tpu.memory_space<hbm>> -> memref<10000xi32, #tpu.memory_space<hbm>>
    %dma_wait3A_145 = tpu.memref_slice %arg2[%add3A_136] : memref<320000xi32, #tpu.memory_space<hbm>> -> memref<10000xi32, #tpu.memory_space<hbm>>
    tpu.wait_dma2 semaphore(%arg15 : memref<!tpu.dma_semaphore, #tpu.memory_space<semaphore_mem>>) src(%dma_wait3A_145 : memref<10000xi32, #tpu.memory_space<hbm>>) dst(%arg7 : memref<10000xi32, #tpu.memory_space<vmem>>)
    %dma_wait3A_146 = tpu.memref_slice %arg3[%add3A_136] : memref<320000xf32, #tpu.memory_space<hbm>> -> memref<10000xf32, #tpu.memory_space<hbm>>
    %dma_wait3A_147 = tpu.memref_slice %arg3[%add3A_136] : memref<320000xf32, #tpu.memory_space<hbm>> -> memref<10000xf32, #tpu.memory_space<hbm>>
    tpu.wait_dma2 semaphore(%arg15 : memref<!tpu.dma_semaphore, #tpu.memory_space<semaphore_mem>>) src(%dma_wait3A_147 : memref<10000xf32, #tpu.memory_space<hbm>>) dst(%arg10 : memref<10000xf32, #tpu.memory_space<vmem>>)
    %mul3A_148 = arith.constant 160000 : i32
    %mul3A_149 = arith.muli %select_n3A_30, %mul3A_148 : i32
    %add3A_150 = arith.constant 80000 : i32
    %add3A_151 = arith.addi %mul3A_149, %add3A_150 : i32
    %dma_start3A_152 = tpu.memref_slice %arg2[%add3A_151] : memref<320000xi32, #tpu.memory_space<hbm>> -> memref<10000xi32, #tpu.memory_space<hbm>>
    %dma_start3A_153 = tpu.memref_slice %arg2[%add3A_151] : memref<320000xi32, #tpu.memory_space<hbm>> -> memref<10000xi32, #tpu.memory_space<hbm>>
    tpu.enqueue_dma source(%dma_start3A_153 : memref<10000xi32, #tpu.memory_space<hbm>>) target(%arg8 : memref<10000xi32, #tpu.memory_space<vmem>>) target_semaphore(%arg16 : memref<!tpu.dma_semaphore, #tpu.memory_space<semaphore_mem>>)
    %dma_start3A_154 = tpu.memref_slice %arg3[%add3A_151] : memref<320000xf32, #tpu.memory_space<hbm>> -> memref<10000xf32, #tpu.memory_space<hbm>>
    %dma_start3A_155 = tpu.memref_slice %arg3[%add3A_151] : memref<320000xf32, #tpu.memory_space<hbm>> -> memref<10000xf32, #tpu.memory_space<hbm>>
    tpu.enqueue_dma source(%dma_start3A_155 : memref<10000xf32, #tpu.memory_space<hbm>>) target(%arg11 : memref<10000xf32, #tpu.memory_space<vmem>>) target_semaphore(%arg16 : memref<!tpu.dma_semaphore, #tpu.memory_space<semaphore_mem>>)
    %parallel_loop3A_156 = arith.constant 0 : i32
    %parallel_loop3A_157 = arith.constant 625 : i32
    %parallel_loop3A_158 = arith.constant 1 : i32
    scf.for %parallel_loop3A_271 = %parallel_loop3A_156 to %parallel_loop3A_157 step %parallel_loop3A_158  : i32 {
      %parallel_loop3A_272 = arith.constant 16 : i32
      %parallel_loop3A_273 = arith.muli %parallel_loop3A_271, %parallel_loop3A_272 : i32
      %parallel_loop3A_274 = arith.index_cast %parallel_loop3A_273 : i32 to index
      %parallel_loop3A_275 = tpu.vector_load %arg7[%parallel_loop3A_274] {strides = array<i32>} : memref<10000xi32, #tpu.memory_space<vmem>>, vector<16xi32>,
      %parallel_loop3A_276 = arith.constant 65535 : i32
      %parallel_loop3A_277 = vector.broadcast %parallel_loop3A_276 : i32 to vector<16xi32>
      %parallel_loop3A_278 = arith.andi %parallel_loop3A_275, %parallel_loop3A_277 : vector<16xi32>
      %parallel_loop3A_279 = arith.constant 16 : i32
      %parallel_loop3A_280 = vector.broadcast %parallel_loop3A_279 : i32 to vector<16xi32>
      %parallel_loop3A_281 = arith.shrui %parallel_loop3A_275, %parallel_loop3A_280 : vector<16xi32>
      %parallel_loop3A_282 = tpu.vector_load_idx %arg12[%parallel_loop3A_278] : memref<10000xf32, #tpu.memory_space<vmem>>[vector<16xi32>], vector<16xf32>,
      %parallel_loop3A_283 = arith.index_cast %parallel_loop3A_273 : i32 to index
      %parallel_loop3A_284 = tpu.vector_load %arg10[%parallel_loop3A_283] {strides = array<i32>} : memref<10000xf32, #tpu.memory_space<vmem>>, vector<16xf32>,
      %parallel_loop3A_285 = arith.mulf %parallel_loop3A_282, %parallel_loop3A_284 : vector<16xf32>
      tpu.vector_store_idx %arg13[%parallel_loop3A_281], %parallel_loop3A_285 {add = true} : memref<10000xf32, #tpu.memory_space<vmem>>[vector<16xi32>], vector<16xf32>,
    } {sc.loop_unroll_factor = 8 : i64, sc.parallel_access}
    %dma_wait3A_159 = tpu.memref_slice %arg2[%add3A_151] : memref<320000xi32, #tpu.memory_space<hbm>> -> memref<10000xi32, #tpu.memory_space<hbm>>
    %dma_wait3A_160 = tpu.memref_slice %arg2[%add3A_151] : memref<320000xi32, #tpu.memory_space<hbm>> -> memref<10000xi32, #tpu.memory_space<hbm>>
    tpu.wait_dma2 semaphore(%arg16 : memref<!tpu.dma_semaphore, #tpu.memory_space<semaphore_mem>>) src(%dma_wait3A_160 : memref<10000xi32, #tpu.memory_space<hbm>>) dst(%arg8 : memref<10000xi32, #tpu.memory_space<vmem>>)
    %dma_wait3A_161 = tpu.memref_slice %arg3[%add3A_151] : memref<320000xf32, #tpu.memory_space<hbm>> -> memref<10000xf32, #tpu.memory_space<hbm>>
    %dma_wait3A_162 = tpu.memref_slice %arg3[%add3A_151] : memref<320000xf32, #tpu.memory_space<hbm>> -> memref<10000xf32, #tpu.memory_space<hbm>>
    tpu.wait_dma2 semaphore(%arg16 : memref<!tpu.dma_semaphore, #tpu.memory_space<semaphore_mem>>) src(%dma_wait3A_162 : memref<10000xf32, #tpu.memory_space<hbm>>) dst(%arg11 : memref<10000xf32, #tpu.memory_space<vmem>>)
    %mul3A_163 = arith.constant 160000 : i32
    %mul3A_164 = arith.muli %select_n3A_30, %mul3A_163 : i32
    %add3A_165 = arith.constant 90000 : i32
    %add3A_166 = arith.addi %mul3A_164, %add3A_165 : i32
    %dma_start3A_167 = tpu.memref_slice %arg2[%add3A_166] : memref<320000xi32, #tpu.memory_space<hbm>> -> memref<10000xi32, #tpu.memory_space<hbm>>
    %dma_start3A_168 = tpu.memref_slice %arg2[%add3A_166] : memref<320000xi32, #tpu.memory_space<hbm>> -> memref<10000xi32, #tpu.memory_space<hbm>>
    tpu.enqueue_dma source(%dma_start3A_168 : memref<10000xi32, #tpu.memory_space<hbm>>) target(%arg6 : memref<10000xi32, #tpu.memory_space<vmem>>) target_semaphore(%arg14 : memref<!tpu.dma_semaphore, #tpu.memory_space<semaphore_mem>>)
    %dma_start3A_169 = tpu.memref_slice %arg3[%add3A_166] : memref<320000xf32, #tpu.memory_space<hbm>> -> memref<10000xf32, #tpu.memory_space<hbm>>
    %dma_start3A_170 = tpu.memref_slice %arg3[%add3A_166] : memref<320000xf32, #tpu.memory_space<hbm>> -> memref<10000xf32, #tpu.memory_space<hbm>>
    tpu.enqueue_dma source(%dma_start3A_170 : memref<10000xf32, #tpu.memory_space<hbm>>) target(%arg9 : memref<10000xf32, #tpu.memory_space<vmem>>) target_semaphore(%arg14 : memref<!tpu.dma_semaphore, #tpu.memory_space<semaphore_mem>>)
    %parallel_loop3A_171 = arith.constant 0 : i32
    %parallel_loop3A_172 = arith.constant 625 : i32
    %parallel_loop3A_173 = arith.constant 1 : i32
    scf.for %parallel_loop3A_271 = %parallel_loop3A_171 to %parallel_loop3A_172 step %parallel_loop3A_173  : i32 {
      %parallel_loop3A_272 = arith.constant 16 : i32
      %parallel_loop3A_273 = arith.muli %parallel_loop3A_271, %parallel_loop3A_272 : i32
      %parallel_loop3A_274 = arith.index_cast %parallel_loop3A_273 : i32 to index
      %parallel_loop3A_275 = tpu.vector_load %arg8[%parallel_loop3A_274] {strides = array<i32>} : memref<10000xi32, #tpu.memory_space<vmem>>, vector<16xi32>,
      %parallel_loop3A_276 = arith.constant 65535 : i32
      %parallel_loop3A_277 = vector.broadcast %parallel_loop3A_276 : i32 to vector<16xi32>
      %parallel_loop3A_278 = arith.andi %parallel_loop3A_275, %parallel_loop3A_277 : vector<16xi32>
      %parallel_loop3A_279 = arith.constant 16 : i32
      %parallel_loop3A_280 = vector.broadcast %parallel_loop3A_279 : i32 to vector<16xi32>
      %parallel_loop3A_281 = arith.shrui %parallel_loop3A_275, %parallel_loop3A_280 : vector<16xi32>
      %parallel_loop3A_282 = tpu.vector_load_idx %arg12[%parallel_loop3A_278] : memref<10000xf32, #tpu.memory_space<vmem>>[vector<16xi32>], vector<16xf32>,
      %parallel_loop3A_283 = arith.index_cast %parallel_loop3A_273 : i32 to index
      %parallel_loop3A_284 = tpu.vector_load %arg11[%parallel_loop3A_283] {strides = array<i32>} : memref<10000xf32, #tpu.memory_space<vmem>>, vector<16xf32>,
      %parallel_loop3A_285 = arith.mulf %parallel_loop3A_282, %parallel_loop3A_284 : vector<16xf32>
      tpu.vector_store_idx %arg13[%parallel_loop3A_281], %parallel_loop3A_285 {add = true} : memref<10000xf32, #tpu.memory_space<vmem>>[vector<16xi32>], vector<16xf32>,
    } {sc.loop_unroll_factor = 8 : i64, sc.parallel_access}
    %dma_wait3A_174 = tpu.memref_slice %arg2[%add3A_166] : memref<320000xi32, #tpu.memory_space<hbm>> -> memref<10000xi32, #tpu.memory_space<hbm>>
    %dma_wait3A_175 = tpu.memref_slice %arg2[%add3A_166] : memref<320000xi32, #tpu.memory_space<hbm>> -> memref<10000xi32, #tpu.memory_space<hbm>>
    tpu.wait_dma2 semaphore(%arg14 : memref<!tpu.dma_semaphore, #tpu.memory_space<semaphore_mem>>) src(%dma_wait3A_175 : memref<10000xi32, #tpu.memory_space<hbm>>) dst(%arg6 : memref<10000xi32, #tpu.memory_space<vmem>>)
    %dma_wait3A_176 = tpu.memref_slice %arg3[%add3A_166] : memref<320000xf32, #tpu.memory_space<hbm>> -> memref<10000xf32, #tpu.memory_space<hbm>>
    %dma_wait3A_177 = tpu.memref_slice %arg3[%add3A_166] : memref<320000xf32, #tpu.memory_space<hbm>> -> memref<10000xf32, #tpu.memory_space<hbm>>
    tpu.wait_dma2 semaphore(%arg14 : memref<!tpu.dma_semaphore, #tpu.memory_space<semaphore_mem>>) src(%dma_wait3A_177 : memref<10000xf32, #tpu.memory_space<hbm>>) dst(%arg9 : memref<10000xf32, #tpu.memory_space<vmem>>)
    %mul3A_178 = arith.constant 160000 : i32
    %mul3A_179 = arith.muli %select_n3A_30, %mul3A_178 : i32
    %add3A_180 = arith.constant 100000 : i32
    %add3A_181 = arith.addi %mul3A_179, %add3A_180 : i32
    %dma_start3A_182 = tpu.memref_slice %arg2[%add3A_181] : memref<320000xi32, #tpu.memory_space<hbm>> -> memref<10000xi32, #tpu.memory_space<hbm>>
    %dma_start3A_183 = tpu.memref_slice %arg2[%add3A_181] : memref<320000xi32, #tpu.memory_space<hbm>> -> memref<10000xi32, #tpu.memory_space<hbm>>
    tpu.enqueue_dma source(%dma_start3A_183 : memref<10000xi32, #tpu.memory_space<hbm>>) target(%arg7 : memref<10000xi32, #tpu.memory_space<vmem>>) target_semaphore(%arg15 : memref<!tpu.dma_semaphore, #tpu.memory_space<semaphore_mem>>)
    %dma_start3A_184 = tpu.memref_slice %arg3[%add3A_181] : memref<320000xf32, #tpu.memory_space<hbm>> -> memref<10000xf32, #tpu.memory_space<hbm>>
    %dma_start3A_185 = tpu.memref_slice %arg3[%add3A_181] : memref<320000xf32, #tpu.memory_space<hbm>> -> memref<10000xf32, #tpu.memory_space<hbm>>
    tpu.enqueue_dma source(%dma_start3A_185 : memref<10000xf32, #tpu.memory_space<hbm>>) target(%arg10 : memref<10000xf32, #tpu.memory_space<vmem>>) target_semaphore(%arg15 : memref<!tpu.dma_semaphore, #tpu.memory_space<semaphore_mem>>)
    %parallel_loop3A_186 = arith.constant 0 : i32
    %parallel_loop3A_187 = arith.constant 625 : i32
    %parallel_loop3A_188 = arith.constant 1 : i32
    scf.for %parallel_loop3A_271 = %parallel_loop3A_186 to %parallel_loop3A_187 step %parallel_loop3A_188  : i32 {
      %parallel_loop3A_272 = arith.constant 16 : i32
      %parallel_loop3A_273 = arith.muli %parallel_loop3A_271, %parallel_loop3A_272 : i32
      %parallel_loop3A_274 = arith.index_cast %parallel_loop3A_273 : i32 to index
      %parallel_loop3A_275 = tpu.vector_load %arg6[%parallel_loop3A_274] {strides = array<i32>} : memref<10000xi32, #tpu.memory_space<vmem>>, vector<16xi32>,
      %parallel_loop3A_276 = arith.constant 65535 : i32
      %parallel_loop3A_277 = vector.broadcast %parallel_loop3A_276 : i32 to vector<16xi32>
      %parallel_loop3A_278 = arith.andi %parallel_loop3A_275, %parallel_loop3A_277 : vector<16xi32>
      %parallel_loop3A_279 = arith.constant 16 : i32
      %parallel_loop3A_280 = vector.broadcast %parallel_loop3A_279 : i32 to vector<16xi32>
      %parallel_loop3A_281 = arith.shrui %parallel_loop3A_275, %parallel_loop3A_280 : vector<16xi32>
      %parallel_loop3A_282 = tpu.vector_load_idx %arg12[%parallel_loop3A_278] : memref<10000xf32, #tpu.memory_space<vmem>>[vector<16xi32>], vector<16xf32>,
      %parallel_loop3A_283 = arith.index_cast %parallel_loop3A_273 : i32 to index
      %parallel_loop3A_284 = tpu.vector_load %arg9[%parallel_loop3A_283] {strides = array<i32>} : memref<10000xf32, #tpu.memory_space<vmem>>, vector<16xf32>,
      %parallel_loop3A_285 = arith.mulf %parallel_loop3A_282, %parallel_loop3A_284 : vector<16xf32>
      tpu.vector_store_idx %arg13[%parallel_loop3A_281], %parallel_loop3A_285 {add = true} : memref<10000xf32, #tpu.memory_space<vmem>>[vector<16xi32>], vector<16xf32>,
    } {sc.loop_unroll_factor = 8 : i64, sc.parallel_access}
    %dma_wait3A_189 = tpu.memref_slice %arg2[%add3A_181] : memref<320000xi32, #tpu.memory_space<hbm>> -> memref<10000xi32, #tpu.memory_space<hbm>>
    %dma_wait3A_190 = tpu.memref_slice %arg2[%add3A_181] : memref<320000xi32, #tpu.memory_space<hbm>> -> memref<10000xi32, #tpu.memory_space<hbm>>
    tpu.wait_dma2 semaphore(%arg15 : memref<!tpu.dma_semaphore, #tpu.memory_space<semaphore_mem>>) src(%dma_wait3A_190 : memref<10000xi32, #tpu.memory_space<hbm>>) dst(%arg7 : memref<10000xi32, #tpu.memory_space<vmem>>)
    %dma_wait3A_191 = tpu.memref_slice %arg3[%add3A_181] : memref<320000xf32, #tpu.memory_space<hbm>> -> memref<10000xf32, #tpu.memory_space<hbm>>
    %dma_wait3A_192 = tpu.memref_slice %arg3[%add3A_181] : memref<320000xf32, #tpu.memory_space<hbm>> -> memref<10000xf32, #tpu.memory_space<hbm>>
    tpu.wait_dma2 semaphore(%arg15 : memref<!tpu.dma_semaphore, #tpu.memory_space<semaphore_mem>>) src(%dma_wait3A_192 : memref<10000xf32, #tpu.memory_space<hbm>>) dst(%arg10 : memref<10000xf32, #tpu.memory_space<vmem>>)
    %mul3A_193 = arith.constant 160000 : i32
    %mul3A_194 = arith.muli %select_n3A_30, %mul3A_193 : i32
    %add3A_195 = arith.constant 110000 : i32
    %add3A_196 = arith.addi %mul3A_194, %add3A_195 : i32
    %dma_start3A_197 = tpu.memref_slice %arg2[%add3A_196] : memref<320000xi32, #tpu.memory_space<hbm>> -> memref<10000xi32, #tpu.memory_space<hbm>>
    %dma_start3A_198 = tpu.memref_slice %arg2[%add3A_196] : memref<320000xi32, #tpu.memory_space<hbm>> -> memref<10000xi32, #tpu.memory_space<hbm>>
    tpu.enqueue_dma source(%dma_start3A_198 : memref<10000xi32, #tpu.memory_space<hbm>>) target(%arg8 : memref<10000xi32, #tpu.memory_space<vmem>>) target_semaphore(%arg16 : memref<!tpu.dma_semaphore, #tpu.memory_space<semaphore_mem>>)
    %dma_start3A_199 = tpu.memref_slice %arg3[%add3A_196] : memref<320000xf32, #tpu.memory_space<hbm>> -> memref<10000xf32, #tpu.memory_space<hbm>>
    %dma_start3A_200 = tpu.memref_slice %arg3[%add3A_196] : memref<320000xf32, #tpu.memory_space<hbm>> -> memref<10000xf32, #tpu.memory_space<hbm>>
    tpu.enqueue_dma source(%dma_start3A_200 : memref<10000xf32, #tpu.memory_space<hbm>>) target(%arg11 : memref<10000xf32, #tpu.memory_space<vmem>>) target_semaphore(%arg16 : memref<!tpu.dma_semaphore, #tpu.memory_space<semaphore_mem>>)
    %parallel_loop3A_201 = arith.constant 0 : i32
    %parallel_loop3A_202 = arith.constant 625 : i32
    %parallel_loop3A_203 = arith.constant 1 : i32
    scf.for %parallel_loop3A_271 = %parallel_loop3A_201 to %parallel_loop3A_202 step %parallel_loop3A_203  : i32 {
      %parallel_loop3A_272 = arith.constant 16 : i32
      %parallel_loop3A_273 = arith.muli %parallel_loop3A_271, %parallel_loop3A_272 : i32
      %parallel_loop3A_274 = arith.index_cast %parallel_loop3A_273 : i32 to index
      %parallel_loop3A_275 = tpu.vector_load %arg7[%parallel_loop3A_274] {strides = array<i32>} : memref<10000xi32, #tpu.memory_space<vmem>>, vector<16xi32>,
      %parallel_loop3A_276 = arith.constant 65535 : i32
      %parallel_loop3A_277 = vector.broadcast %parallel_loop3A_276 : i32 to vector<16xi32>
      %parallel_loop3A_278 = arith.andi %parallel_loop3A_275, %parallel_loop3A_277 : vector<16xi32>
      %parallel_loop3A_279 = arith.constant 16 : i32
      %parallel_loop3A_280 = vector.broadcast %parallel_loop3A_279 : i32 to vector<16xi32>
      %parallel_loop3A_281 = arith.shrui %parallel_loop3A_275, %parallel_loop3A_280 : vector<16xi32>
      %parallel_loop3A_282 = tpu.vector_load_idx %arg12[%parallel_loop3A_278] : memref<10000xf32, #tpu.memory_space<vmem>>[vector<16xi32>], vector<16xf32>,
      %parallel_loop3A_283 = arith.index_cast %parallel_loop3A_273 : i32 to index
      %parallel_loop3A_284 = tpu.vector_load %arg10[%parallel_loop3A_283] {strides = array<i32>} : memref<10000xf32, #tpu.memory_space<vmem>>, vector<16xf32>,
      %parallel_loop3A_285 = arith.mulf %parallel_loop3A_282, %parallel_loop3A_284 : vector<16xf32>
      tpu.vector_store_idx %arg13[%parallel_loop3A_281], %parallel_loop3A_285 {add = true} : memref<10000xf32, #tpu.memory_space<vmem>>[vector<16xi32>], vector<16xf32>,
    } {sc.loop_unroll_factor = 8 : i64, sc.parallel_access}
    %dma_wait3A_204 = tpu.memref_slice %arg2[%add3A_196] : memref<320000xi32, #tpu.memory_space<hbm>> -> memref<10000xi32, #tpu.memory_space<hbm>>
    %dma_wait3A_205 = tpu.memref_slice %arg2[%add3A_196] : memref<320000xi32, #tpu.memory_space<hbm>> -> memref<10000xi32, #tpu.memory_space<hbm>>
    tpu.wait_dma2 semaphore(%arg16 : memref<!tpu.dma_semaphore, #tpu.memory_space<semaphore_mem>>) src(%dma_wait3A_205 : memref<10000xi32, #tpu.memory_space<hbm>>) dst(%arg8 : memref<10000xi32, #tpu.memory_space<vmem>>)
    %dma_wait3A_206 = tpu.memref_slice %arg3[%add3A_196] : memref<320000xf32, #tpu.memory_space<hbm>> -> memref<10000xf32, #tpu.memory_space<hbm>>
    %dma_wait3A_207 = tpu.memref_slice %arg3[%add3A_196] : memref<320000xf32, #tpu.memory_space<hbm>> -> memref<10000xf32, #tpu.memory_space<hbm>>
    tpu.wait_dma2 semaphore(%arg16 : memref<!tpu.dma_semaphore, #tpu.memory_space<semaphore_mem>>) src(%dma_wait3A_207 : memref<10000xf32, #tpu.memory_space<hbm>>) dst(%arg11 : memref<10000xf32, #tpu.memory_space<vmem>>)
    %mul3A_208 = arith.constant 160000 : i32
    %mul3A_209 = arith.muli %select_n3A_30, %mul3A_208 : i32
    %add3A_210 = arith.constant 120000 : i32
    %add3A_211 = arith.addi %mul3A_209, %add3A_210 : i32
    %dma_start3A_212 = tpu.memref_slice %arg2[%add3A_211] : memref<320000xi32, #tpu.memory_space<hbm>> -> memref<10000xi32, #tpu.memory_space<hbm>>
    %dma_start3A_213 = tpu.memref_slice %arg2[%add3A_211] : memref<320000xi32, #tpu.memory_space<hbm>> -> memref<10000xi32, #tpu.memory_space<hbm>>
    tpu.enqueue_dma source(%dma_start3A_213 : memref<10000xi32, #tpu.memory_space<hbm>>) target(%arg6 : memref<10000xi32, #tpu.memory_space<vmem>>) target_semaphore(%arg14 : memref<!tpu.dma_semaphore, #tpu.memory_space<semaphore_mem>>)
    %dma_start3A_214 = tpu.memref_slice %arg3[%add3A_211] : memref<320000xf32, #tpu.memory_space<hbm>> -> memref<10000xf32, #tpu.memory_space<hbm>>
    %dma_start3A_215 = tpu.memref_slice %arg3[%add3A_211] : memref<320000xf32, #tpu.memory_space<hbm>> -> memref<10000xf32, #tpu.memory_space<hbm>>
    tpu.enqueue_dma source(%dma_start3A_215 : memref<10000xf32, #tpu.memory_space<hbm>>) target(%arg9 : memref<10000xf32, #tpu.memory_space<vmem>>) target_semaphore(%arg14 : memref<!tpu.dma_semaphore, #tpu.memory_space<semaphore_mem>>)
    %parallel_loop3A_216 = arith.constant 0 : i32
    %parallel_loop3A_217 = arith.constant 625 : i32
    %parallel_loop3A_218 = arith.constant 1 : i32
    scf.for %parallel_loop3A_271 = %parallel_loop3A_216 to %parallel_loop3A_217 step %parallel_loop3A_218  : i32 {
      %parallel_loop3A_272 = arith.constant 16 : i32
      %parallel_loop3A_273 = arith.muli %parallel_loop3A_271, %parallel_loop3A_272 : i32
      %parallel_loop3A_274 = arith.index_cast %parallel_loop3A_273 : i32 to index
      %parallel_loop3A_275 = tpu.vector_load %arg8[%parallel_loop3A_274] {strides = array<i32>} : memref<10000xi32, #tpu.memory_space<vmem>>, vector<16xi32>,
      %parallel_loop3A_276 = arith.constant 65535 : i32
      %parallel_loop3A_277 = vector.broadcast %parallel_loop3A_276 : i32 to vector<16xi32>
      %parallel_loop3A_278 = arith.andi %parallel_loop3A_275, %parallel_loop3A_277 : vector<16xi32>
      %parallel_loop3A_279 = arith.constant 16 : i32
      %parallel_loop3A_280 = vector.broadcast %parallel_loop3A_279 : i32 to vector<16xi32>
      %parallel_loop3A_281 = arith.shrui %parallel_loop3A_275, %parallel_loop3A_280 : vector<16xi32>
      %parallel_loop3A_282 = tpu.vector_load_idx %arg12[%parallel_loop3A_278] : memref<10000xf32, #tpu.memory_space<vmem>>[vector<16xi32>], vector<16xf32>,
      %parallel_loop3A_283 = arith.index_cast %parallel_loop3A_273 : i32 to index
      %parallel_loop3A_284 = tpu.vector_load %arg11[%parallel_loop3A_283] {strides = array<i32>} : memref<10000xf32, #tpu.memory_space<vmem>>, vector<16xf32>,
      %parallel_loop3A_285 = arith.mulf %parallel_loop3A_282, %parallel_loop3A_284 : vector<16xf32>
      tpu.vector_store_idx %arg13[%parallel_loop3A_281], %parallel_loop3A_285 {add = true} : memref<10000xf32, #tpu.memory_space<vmem>>[vector<16xi32>], vector<16xf32>,
    } {sc.loop_unroll_factor = 8 : i64, sc.parallel_access}
    %dma_wait3A_219 = tpu.memref_slice %arg2[%add3A_211] : memref<320000xi32, #tpu.memory_space<hbm>> -> memref<10000xi32, #tpu.memory_space<hbm>>
    %dma_wait3A_220 = tpu.memref_slice %arg2[%add3A_211] : memref<320000xi32, #tpu.memory_space<hbm>> -> memref<10000xi32, #tpu.memory_space<hbm>>
    tpu.wait_dma2 semaphore(%arg14 : memref<!tpu.dma_semaphore, #tpu.memory_space<semaphore_mem>>) src(%dma_wait3A_220 : memref<10000xi32, #tpu.memory_space<hbm>>) dst(%arg6 : memref<10000xi32, #tpu.memory_space<vmem>>)
    %dma_wait3A_221 = tpu.memref_slice %arg3[%add3A_211] : memref<320000xf32, #tpu.memory_space<hbm>> -> memref<10000xf32, #tpu.memory_space<hbm>>
    %dma_wait3A_222 = tpu.memref_slice %arg3[%add3A_211] : memref<320000xf32, #tpu.memory_space<hbm>> -> memref<10000xf32, #tpu.memory_space<hbm>>
    tpu.wait_dma2 semaphore(%arg14 : memref<!tpu.dma_semaphore, #tpu.memory_space<semaphore_mem>>) src(%dma_wait3A_222 : memref<10000xf32, #tpu.memory_space<hbm>>) dst(%arg9 : memref<10000xf32, #tpu.memory_space<vmem>>)
    %mul3A_223 = arith.constant 160000 : i32
    %mul3A_224 = arith.muli %select_n3A_30, %mul3A_223 : i32
    %add3A_225 = arith.constant 130000 : i32
    %add3A_226 = arith.addi %mul3A_224, %add3A_225 : i32
    %dma_start3A_227 = tpu.memref_slice %arg2[%add3A_226] : memref<320000xi32, #tpu.memory_space<hbm>> -> memref<10000xi32, #tpu.memory_space<hbm>>
    %dma_start3A_228 = tpu.memref_slice %arg2[%add3A_226] : memref<320000xi32, #tpu.memory_space<hbm>> -> memref<10000xi32, #tpu.memory_space<hbm>>
    tpu.enqueue_dma source(%dma_start3A_228 : memref<10000xi32, #tpu.memory_space<hbm>>) target(%arg7 : memref<10000xi32, #tpu.memory_space<vmem>>) target_semaphore(%arg15 : memref<!tpu.dma_semaphore, #tpu.memory_space<semaphore_mem>>)
    %dma_start3A_229 = tpu.memref_slice %arg3[%add3A_226] : memref<320000xf32, #tpu.memory_space<hbm>> -> memref<10000xf32, #tpu.memory_space<hbm>>
    %dma_start3A_230 = tpu.memref_slice %arg3[%add3A_226] : memref<320000xf32, #tpu.memory_space<hbm>> -> memref<10000xf32, #tpu.memory_space<hbm>>
    tpu.enqueue_dma source(%dma_start3A_230 : memref<10000xf32, #tpu.memory_space<hbm>>) target(%arg10 : memref<10000xf32, #tpu.memory_space<vmem>>) target_semaphore(%arg15 : memref<!tpu.dma_semaphore, #tpu.memory_space<semaphore_mem>>)
    %parallel_loop3A_231 = arith.constant 0 : i32
    %parallel_loop3A_232 = arith.constant 625 : i32
    %parallel_loop3A_233 = arith.constant 1 : i32
    scf.for %parallel_loop3A_271 = %parallel_loop3A_231 to %parallel_loop3A_232 step %parallel_loop3A_233  : i32 {
      %parallel_loop3A_272 = arith.constant 16 : i32
      %parallel_loop3A_273 = arith.muli %parallel_loop3A_271, %parallel_loop3A_272 : i32
      %parallel_loop3A_274 = arith.index_cast %parallel_loop3A_273 : i32 to index
      %parallel_loop3A_275 = tpu.vector_load %arg6[%parallel_loop3A_274] {strides = array<i32>} : memref<10000xi32, #tpu.memory_space<vmem>>, vector<16xi32>,
      %parallel_loop3A_276 = arith.constant 65535 : i32
      %parallel_loop3A_277 = vector.broadcast %parallel_loop3A_276 : i32 to vector<16xi32>
      %parallel_loop3A_278 = arith.andi %parallel_loop3A_275, %parallel_loop3A_277 : vector<16xi32>
      %parallel_loop3A_279 = arith.constant 16 : i32
      %parallel_loop3A_280 = vector.broadcast %parallel_loop3A_279 : i32 to vector<16xi32>
      %parallel_loop3A_281 = arith.shrui %parallel_loop3A_275, %parallel_loop3A_280 : vector<16xi32>
      %parallel_loop3A_282 = tpu.vector_load_idx %arg12[%parallel_loop3A_278] : memref<10000xf32, #tpu.memory_space<vmem>>[vector<16xi32>], vector<16xf32>,
      %parallel_loop3A_283 = arith.index_cast %parallel_loop3A_273 : i32 to index
      %parallel_loop3A_284 = tpu.vector_load %arg9[%parallel_loop3A_283] {strides = array<i32>} : memref<10000xf32, #tpu.memory_space<vmem>>, vector<16xf32>,
      %parallel_loop3A_285 = arith.mulf %parallel_loop3A_282, %parallel_loop3A_284 : vector<16xf32>
      tpu.vector_store_idx %arg13[%parallel_loop3A_281], %parallel_loop3A_285 {add = true} : memref<10000xf32, #tpu.memory_space<vmem>>[vector<16xi32>], vector<16xf32>,
    } {sc.loop_unroll_factor = 8 : i64, sc.parallel_access}
    %dma_wait3A_234 = tpu.memref_slice %arg2[%add3A_226] : memref<320000xi32, #tpu.memory_space<hbm>> -> memref<10000xi32, #tpu.memory_space<hbm>>
    %dma_wait3A_235 = tpu.memref_slice %arg2[%add3A_226] : memref<320000xi32, #tpu.memory_space<hbm>> -> memref<10000xi32, #tpu.memory_space<hbm>>
    tpu.wait_dma2 semaphore(%arg15 : memref<!tpu.dma_semaphore, #tpu.memory_space<semaphore_mem>>) src(%dma_wait3A_235 : memref<10000xi32, #tpu.memory_space<hbm>>) dst(%arg7 : memref<10000xi32, #tpu.memory_space<vmem>>)
    %dma_wait3A_236 = tpu.memref_slice %arg3[%add3A_226] : memref<320000xf32, #tpu.memory_space<hbm>> -> memref<10000xf32, #tpu.memory_space<hbm>>
    %dma_wait3A_237 = tpu.memref_slice %arg3[%add3A_226] : memref<320000xf32, #tpu.memory_space<hbm>> -> memref<10000xf32, #tpu.memory_space<hbm>>
    tpu.wait_dma2 semaphore(%arg15 : memref<!tpu.dma_semaphore, #tpu.memory_space<semaphore_mem>>) src(%dma_wait3A_237 : memref<10000xf32, #tpu.memory_space<hbm>>) dst(%arg10 : memref<10000xf32, #tpu.memory_space<vmem>>)
    %mul3A_238 = arith.constant 160000 : i32
    %mul3A_239 = arith.muli %select_n3A_30, %mul3A_238 : i32
    %add3A_240 = arith.constant 140000 : i32
    %add3A_241 = arith.addi %mul3A_239, %add3A_240 : i32
    %dma_start3A_242 = tpu.memref_slice %arg2[%add3A_241] : memref<320000xi32, #tpu.memory_space<hbm>> -> memref<10000xi32, #tpu.memory_space<hbm>>
    %dma_start3A_243 = tpu.memref_slice %arg2[%add3A_241] : memref<320000xi32, #tpu.memory_space<hbm>> -> memref<10000xi32, #tpu.memory_space<hbm>>
    tpu.enqueue_dma source(%dma_start3A_243 : memref<10000xi32, #tpu.memory_space<hbm>>) target(%arg8 : memref<10000xi32, #tpu.memory_space<vmem>>) target_semaphore(%arg16 : memref<!tpu.dma_semaphore, #tpu.memory_space<semaphore_mem>>)
    %dma_start3A_244 = tpu.memref_slice %arg3[%add3A_241] : memref<320000xf32, #tpu.memory_space<hbm>> -> memref<10000xf32, #tpu.memory_space<hbm>>
    %dma_start3A_245 = tpu.memref_slice %arg3[%add3A_241] : memref<320000xf32, #tpu.memory_space<hbm>> -> memref<10000xf32, #tpu.memory_space<hbm>>
    tpu.enqueue_dma source(%dma_start3A_245 : memref<10000xf32, #tpu.memory_space<hbm>>) target(%arg11 : memref<10000xf32, #tpu.memory_space<vmem>>) target_semaphore(%arg16 : memref<!tpu.dma_semaphore, #tpu.memory_space<semaphore_mem>>)
    %parallel_loop3A_246 = arith.constant 0 : i32
    %parallel_loop3A_247 = arith.constant 625 : i32
    %parallel_loop3A_248 = arith.constant 1 : i32
    scf.for %parallel_loop3A_271 = %parallel_loop3A_246 to %parallel_loop3A_247 step %parallel_loop3A_248  : i32 {
      %parallel_loop3A_272 = arith.constant 16 : i32
      %parallel_loop3A_273 = arith.muli %parallel_loop3A_271, %parallel_loop3A_272 : i32
      %parallel_loop3A_274 = arith.index_cast %parallel_loop3A_273 : i32 to index
      %parallel_loop3A_275 = tpu.vector_load %arg7[%parallel_loop3A_274] {strides = array<i32>} : memref<10000xi32, #tpu.memory_space<vmem>>, vector<16xi32>,
      %parallel_loop3A_276 = arith.constant 65535 : i32
      %parallel_loop3A_277 = vector.broadcast %parallel_loop3A_276 : i32 to vector<16xi32>
      %parallel_loop3A_278 = arith.andi %parallel_loop3A_275, %parallel_loop3A_277 : vector<16xi32>
      %parallel_loop3A_279 = arith.constant 16 : i32
      %parallel_loop3A_280 = vector.broadcast %parallel_loop3A_279 : i32 to vector<16xi32>
      %parallel_loop3A_281 = arith.shrui %parallel_loop3A_275, %parallel_loop3A_280 : vector<16xi32>
      %parallel_loop3A_282 = tpu.vector_load_idx %arg12[%parallel_loop3A_278] : memref<10000xf32, #tpu.memory_space<vmem>>[vector<16xi32>], vector<16xf32>,
      %parallel_loop3A_283 = arith.index_cast %parallel_loop3A_273 : i32 to index
      %parallel_loop3A_284 = tpu.vector_load %arg10[%parallel_loop3A_283] {strides = array<i32>} : memref<10000xf32, #tpu.memory_space<vmem>>, vector<16xf32>,
      %parallel_loop3A_285 = arith.mulf %parallel_loop3A_282, %parallel_loop3A_284 : vector<16xf32>
      tpu.vector_store_idx %arg13[%parallel_loop3A_281], %parallel_loop3A_285 {add = true} : memref<10000xf32, #tpu.memory_space<vmem>>[vector<16xi32>], vector<16xf32>,
    } {sc.loop_unroll_factor = 8 : i64, sc.parallel_access}
    %dma_wait3A_249 = tpu.memref_slice %arg2[%add3A_241] : memref<320000xi32, #tpu.memory_space<hbm>> -> memref<10000xi32, #tpu.memory_space<hbm>>
    %dma_wait3A_250 = tpu.memref_slice %arg2[%add3A_241] : memref<320000xi32, #tpu.memory_space<hbm>> -> memref<10000xi32, #tpu.memory_space<hbm>>
    tpu.wait_dma2 semaphore(%arg16 : memref<!tpu.dma_semaphore, #tpu.memory_space<semaphore_mem>>) src(%dma_wait3A_250 : memref<10000xi32, #tpu.memory_space<hbm>>) dst(%arg8 : memref<10000xi32, #tpu.memory_space<vmem>>)
    %dma_wait3A_251 = tpu.memref_slice %arg3[%add3A_241] : memref<320000xf32, #tpu.memory_space<hbm>> -> memref<10000xf32, #tpu.memory_space<hbm>>
    %dma_wait3A_252 = tpu.memref_slice %arg3[%add3A_241] : memref<320000xf32, #tpu.memory_space<hbm>> -> memref<10000xf32, #tpu.memory_space<hbm>>
    tpu.wait_dma2 semaphore(%arg16 : memref<!tpu.dma_semaphore, #tpu.memory_space<semaphore_mem>>) src(%dma_wait3A_252 : memref<10000xf32, #tpu.memory_space<hbm>>) dst(%arg11 : memref<10000xf32, #tpu.memory_space<vmem>>)
    %mul3A_253 = arith.constant 160000 : i32
    %mul3A_254 = arith.muli %select_n3A_30, %mul3A_253 : i32
    %add3A_255 = arith.constant 150000 : i32
    %add3A_256 = arith.addi %mul3A_254, %add3A_255 : i32
    %dma_start3A_257 = tpu.memref_slice %arg2[%add3A_256] : memref<320000xi32, #tpu.memory_space<hbm>> -> memref<10000xi32, #tpu.memory_space<hbm>>
    %dma_start3A_258 = tpu.memref_slice %arg2[%add3A_256] : memref<320000xi32, #tpu.memory_space<hbm>> -> memref<10000xi32, #tpu.memory_space<hbm>>
    tpu.enqueue_dma source(%dma_start3A_258 : memref<10000xi32, #tpu.memory_space<hbm>>) target(%arg6 : memref<10000xi32, #tpu.memory_space<vmem>>) target_semaphore(%arg14 : memref<!tpu.dma_semaphore, #tpu.memory_space<semaphore_mem>>)
    %dma_start3A_259 = tpu.memref_slice %arg3[%add3A_256] : memref<320000xf32, #tpu.memory_space<hbm>> -> memref<10000xf32, #tpu.memory_space<hbm>>
    %dma_start3A_260 = tpu.memref_slice %arg3[%add3A_256] : memref<320000xf32, #tpu.memory_space<hbm>> -> memref<10000xf32, #tpu.memory_space<hbm>>
    tpu.enqueue_dma source(%dma_start3A_260 : memref<10000xf32, #tpu.memory_space<hbm>>) target(%arg9 : memref<10000xf32, #tpu.memory_space<vmem>>) target_semaphore(%arg14 : memref<!tpu.dma_semaphore, #tpu.memory_space<semaphore_mem>>)
    %parallel_loop3A_261 = arith.constant 0 : i32
    %parallel_loop3A_262 = arith.constant 625 : i32
    %parallel_loop3A_263 = arith.constant 1 : i32
    scf.for %parallel_loop3A_271 = %parallel_loop3A_261 to %parallel_loop3A_262 step %parallel_loop3A_263  : i32 {
      %parallel_loop3A_272 = arith.constant 16 : i32
      %parallel_loop3A_273 = arith.muli %parallel_loop3A_271, %parallel_loop3A_272 : i32
      %parallel_loop3A_274 = arith.index_cast %parallel_loop3A_273 : i32 to index
      %parallel_loop3A_275 = tpu.vector_load %arg8[%parallel_loop3A_274] {strides = array<i32>} : memref<10000xi32, #tpu.memory_space<vmem>>, vector<16xi32>,
      %parallel_loop3A_276 = arith.constant 65535 : i32
      %parallel_loop3A_277 = vector.broadcast %parallel_loop3A_276 : i32 to vector<16xi32>
      %parallel_loop3A_278 = arith.andi %parallel_loop3A_275, %parallel_loop3A_277 : vector<16xi32>
      %parallel_loop3A_279 = arith.constant 16 : i32
      %parallel_loop3A_280 = vector.broadcast %parallel_loop3A_279 : i32 to vector<16xi32>
      %parallel_loop3A_281 = arith.shrui %parallel_loop3A_275, %parallel_loop3A_280 : vector<16xi32>
      %parallel_loop3A_282 = tpu.vector_load_idx %arg12[%parallel_loop3A_278] : memref<10000xf32, #tpu.memory_space<vmem>>[vector<16xi32>], vector<16xf32>,
      %parallel_loop3A_283 = arith.index_cast %parallel_loop3A_273 : i32 to index
      %parallel_loop3A_284 = tpu.vector_load %arg11[%parallel_loop3A_283] {strides = array<i32>} : memref<10000xf32, #tpu.memory_space<vmem>>, vector<16xf32>,
      %parallel_loop3A_285 = arith.mulf %parallel_loop3A_282, %parallel_loop3A_284 : vector<16xf32>
      tpu.vector_store_idx %arg13[%parallel_loop3A_281], %parallel_loop3A_285 {add = true} : memref<10000xf32, #tpu.memory_space<vmem>>[vector<16xi32>], vector<16xf32>,
    } {sc.loop_unroll_factor = 8 : i64, sc.parallel_access}
    %dma_wait3A_264 = tpu.memref_slice %arg2[%add3A_256] : memref<320000xi32, #tpu.memory_space<hbm>> -> memref<10000xi32, #tpu.memory_space<hbm>>
    %dma_wait3A_265 = tpu.memref_slice %arg2[%add3A_256] : memref<320000xi32, #tpu.memory_space<hbm>> -> memref<10000xi32, #tpu.memory_space<hbm>>
    tpu.wait_dma2 semaphore(%arg14 : memref<!tpu.dma_semaphore, #tpu.memory_space<semaphore_mem>>) src(%dma_wait3A_265 : memref<10000xi32, #tpu.memory_space<hbm>>) dst(%arg6 : memref<10000xi32, #tpu.memory_space<vmem>>)
    %dma_wait3A_266 = tpu.memref_slice %arg3[%add3A_256] : memref<320000xf32, #tpu.memory_space<hbm>> -> memref<10000xf32, #tpu.memory_space<hbm>>
    %dma_wait3A_267 = tpu.memref_slice %arg3[%add3A_256] : memref<320000xf32, #tpu.memory_space<hbm>> -> memref<10000xf32, #tpu.memory_space<hbm>>
    tpu.wait_dma2 semaphore(%arg14 : memref<!tpu.dma_semaphore, #tpu.memory_space<semaphore_mem>>) src(%dma_wait3A_267 : memref<10000xf32, #tpu.memory_space<hbm>>) dst(%arg9 : memref<10000xf32, #tpu.memory_space<vmem>>)
    %parallel_loop3A_268 = arith.constant 0 : i32
    %parallel_loop3A_269 = arith.constant 625 : i32
    %parallel_loop3A_270 = arith.constant 1 : i32
    scf.for %parallel_loop3A_271 = %parallel_loop3A_268 to %parallel_loop3A_269 step %parallel_loop3A_270  : i32 {
      %parallel_loop3A_272 = arith.constant 16 : i32
      %parallel_loop3A_273 = arith.muli %parallel_loop3A_271, %parallel_loop3A_272 : i32
      %parallel_loop3A_274 = arith.index_cast %parallel_loop3A_273 : i32 to index
      %parallel_loop3A_275 = tpu.vector_load %arg6[%parallel_loop3A_274] {strides = array<i32>} : memref<10000xi32, #tpu.memory_space<vmem>>, vector<16xi32>,
      %parallel_loop3A_276 = arith.constant 65535 : i32
      %parallel_loop3A_277 = vector.broadcast %parallel_loop3A_276 : i32 to vector<16xi32>
      %parallel_loop3A_278 = arith.andi %parallel_loop3A_275, %parallel_loop3A_277 : vector<16xi32>
      %parallel_loop3A_279 = arith.constant 16 : i32
      %parallel_loop3A_280 = vector.broadcast %parallel_loop3A_279 : i32 to vector<16xi32>
      %parallel_loop3A_281 = arith.shrui %parallel_loop3A_275, %parallel_loop3A_280 : vector<16xi32>
      %parallel_loop3A_282 = tpu.vector_load_idx %arg12[%parallel_loop3A_278] : memref<10000xf32, #tpu.memory_space<vmem>>[vector<16xi32>], vector<16xf32>,
      %parallel_loop3A_283 = arith.index_cast %parallel_loop3A_273 : i32 to index
      %parallel_loop3A_284 = tpu.vector_load %arg9[%parallel_loop3A_283] {strides = array<i32>} : memref<10000xf32, #tpu.memory_space<vmem>>, vector<16xf32>,
      %parallel_loop3A_285 = arith.mulf %parallel_loop3A_282, %parallel_loop3A_284 : vector<16xf32>
      tpu.vector_store_idx %arg13[%parallel_loop3A_281], %parallel_loop3A_285 {add = true} : memref<10000xf32, #tpu.memory_space<vmem>>[vector<16xi32>], vector<16xf32>,
    } {sc.loop_unroll_factor = 8 : i64, sc.parallel_access}
    "tpu.region"() ({
      %run_scoped3A = tpu.sem_alloc : memref<!tpu.dma_semaphore, #tpu.memory_space<semaphore_mem>>
      %dma_start3A_271 = arith.constant 0 : i32
      %dma_start3A_272 = tpu.memref_slice %arg5[%add3A, %dma_start3A_271] : memref<32x10000xf32, #tpu.memory_space<hbm>> -> memref<1x10000xf32, #tpu.memory_space<hbm>>
      %dma_start3A_273 = tpu.memref_squeeze %dma_start3A_272 : memref<1x10000xf32, #tpu.memory_space<hbm>> -> memref<10000xf32, #tpu.memory_space<hbm>>
      %dma_start3A_274 = arith.constant 0 : i32
      %dma_start3A_275 = tpu.memref_slice %arg5[%add3A, %dma_start3A_274] : memref<32x10000xf32, #tpu.memory_space<hbm>> -> memref<1x10000xf32, #tpu.memory_space<hbm>>
      %dma_start3A_276 = tpu.memref_squeeze %dma_start3A_275 : memref<1x10000xf32, #tpu.memory_space<hbm>> -> memref<10000xf32, #tpu.memory_space<hbm>>
      tpu.enqueue_dma source(%arg13 : memref<10000xf32, #tpu.memory_space<vmem>>) target(%dma_start3A_276 : memref<10000xf32, #tpu.memory_space<hbm>>) target_semaphore(%run_scoped3A : memref<!tpu.dma_semaphore, #tpu.memory_space<semaphore_mem>>)
      %dma_wait3A_277 = arith.constant 0 : i32
      %dma_wait3A_278 = tpu.memref_slice %arg5[%add3A, %dma_wait3A_277] : memref<32x10000xf32, #tpu.memory_space<hbm>> -> memref<1x10000xf32, #tpu.memory_space<hbm>>
      %dma_wait3A_279 = tpu.memref_squeeze %dma_wait3A_278 : memref<1x10000xf32, #tpu.memory_space<hbm>> -> memref<10000xf32, #tpu.memory_space<hbm>>
      %dma_wait3A_280 = arith.constant 0 : i32
      %dma_wait3A_281 = tpu.memref_slice %arg5[%add3A, %dma_wait3A_280] : memref<32x10000xf32, #tpu.memory_space<hbm>> -> memref<1x10000xf32, #tpu.memory_space<hbm>>
      %dma_wait3A_282 = tpu.memref_squeeze %dma_wait3A_281 : memref<1x10000xf32, #tpu.memory_space<hbm>> -> memref<10000xf32, #tpu.memory_space<hbm>>
      tpu.wait_dma2 semaphore(%run_scoped3A : memref<!tpu.dma_semaphore, #tpu.memory_space<semaphore_mem>>) src(%arg13 : memref<10000xf32, #tpu.memory_space<vmem>>) dst(%dma_wait3A_282 : memref<10000xf32, #tpu.memory_space<hbm>>)
      tpu.yield
    }) : () -> ()
    return
  }
}

#map = affine_map<(d0, d1) -> (0)>
#map1 = affine_map<(d0, d1) -> (0, 0)>
module attributes {stable_mosaic.version = 14 : i64} {
  func.func @_sc_l2_body(%arg0: i32, %arg1: i32, %arg2: memref<320000xi32, #tpu.memory_space<hbm>>, %arg3: memref<320000xf32, #tpu.memory_space<hbm>>, %arg4: memref<10000xf32, #tpu.memory_space<hbm>>, %arg5: memref<32x10000xf32, #tpu.memory_space<hbm>>, %arg6: memref<10000xi32, #tpu.memory_space<vmem>>, %arg7: memref<10000xf32, #tpu.memory_space<vmem>>, %arg8: memref<10000xf32, #tpu.memory_space<vmem>>, %arg9: memref<10000xf32, #tpu.memory_space<vmem>>, %arg10: memref<!tpu.dma_semaphore, #tpu.memory_space<semaphore_mem>>) attributes {dimension_semantics = [#tpu.dimension_semantics<core_parallel>, #tpu.dimension_semantics<subcore_parallel>], iteration_bounds = array<i64: 2, 16>, scalar_prefetch = 0 : i64, scratch_operands = 5 : i64, tpu.core_type = #tpu.core_type<sc_vector_subcore>, window_params = [{transform_indices = #map}, {transform_indices = #map}, {transform_indices = #map}, {transform_indices = #map1}]} {
    %mul3A = arith.constant 2 : i32
    %mul3A_0 = arith.muli %arg1, %mul3A : i32
    %add3A = arith.addi %mul3A_0, %arg0 : i32
    %mul3A_1 = arith.constant 10000 : i32
    %mul3A_2 = arith.muli %add3A, %mul3A_1 : i32
    %dma_start3A = tpu.memref_slice %arg2[%mul3A_2] : memref<320000xi32, #tpu.memory_space<hbm>> -> memref<10000xi32, #tpu.memory_space<hbm>>
    %dma_start3A_3 = tpu.memref_slice %arg2[%mul3A_2] : memref<320000xi32, #tpu.memory_space<hbm>> -> memref<10000xi32, #tpu.memory_space<hbm>>
    tpu.enqueue_dma source(%dma_start3A_3 : memref<10000xi32, #tpu.memory_space<hbm>>) target(%arg6 : memref<10000xi32, #tpu.memory_space<vmem>>) target_semaphore(%arg10 : memref<!tpu.dma_semaphore, #tpu.memory_space<semaphore_mem>>)
    %dma_start3A_4 = tpu.memref_slice %arg3[%mul3A_2] : memref<320000xf32, #tpu.memory_space<hbm>> -> memref<10000xf32, #tpu.memory_space<hbm>>
    %dma_start3A_5 = tpu.memref_slice %arg3[%mul3A_2] : memref<320000xf32, #tpu.memory_space<hbm>> -> memref<10000xf32, #tpu.memory_space<hbm>>
    tpu.enqueue_dma source(%dma_start3A_5 : memref<10000xf32, #tpu.memory_space<hbm>>) target(%arg7 : memref<10000xf32, #tpu.memory_space<vmem>>) target_semaphore(%arg10 : memref<!tpu.dma_semaphore, #tpu.memory_space<semaphore_mem>>)
    tpu.enqueue_dma source(%arg4 : memref<10000xf32, #tpu.memory_space<hbm>>) target(%arg8 : memref<10000xf32, #tpu.memory_space<vmem>>) target_semaphore(%arg10 : memref<!tpu.dma_semaphore, #tpu.memory_space<semaphore_mem>>)
    %parallel_loop3A = arith.constant 0 : i32
    %parallel_loop3A_6 = arith.constant 625 : i32
    %parallel_loop3A_7 = arith.constant 1 : i32
    scf.for %parallel_loop3A_14 = %parallel_loop3A to %parallel_loop3A_6 step %parallel_loop3A_7  : i32 {
      %parallel_loop3A_15 = arith.constant 0.000000e+00 : f32
      %parallel_loop3A_16 = vector.broadcast %parallel_loop3A_15 : f32 to vector<16xf32>
      %parallel_loop3A_17 = arith.constant 16 : i32
      %parallel_loop3A_18 = arith.muli %parallel_loop3A_14, %parallel_loop3A_17 : i32
      %parallel_loop3A_19 = arith.index_cast %parallel_loop3A_18 : i32 to index
      %parallel_loop3A_20 = tpu.vector_load %arg9[%parallel_loop3A_19] {strides = array<i32>} : memref<10000xf32, #tpu.memory_space<vmem>>, vector<16xf32>,
      tpu.vector_store %arg9[%parallel_loop3A_19], %parallel_loop3A_16 {strides = array<i32>} : memref<10000xf32, #tpu.memory_space<vmem>>, vector<16xf32>,
    } {sc.loop_unroll_factor = 8 : i64, sc.parallel_access}
    %dma_wait3A = tpu.memref_slice %arg2[%mul3A_2] : memref<320000xi32, #tpu.memory_space<hbm>> -> memref<10000xi32, #tpu.memory_space<hbm>>
    %dma_wait3A_8 = tpu.memref_slice %arg2[%mul3A_2] : memref<320000xi32, #tpu.memory_space<hbm>> -> memref<10000xi32, #tpu.memory_space<hbm>>
    tpu.wait_dma2 semaphore(%arg10 : memref<!tpu.dma_semaphore, #tpu.memory_space<semaphore_mem>>) src(%dma_wait3A_8 : memref<10000xi32, #tpu.memory_space<hbm>>) dst(%arg6 : memref<10000xi32, #tpu.memory_space<vmem>>)
    %dma_wait3A_9 = tpu.memref_slice %arg3[%mul3A_2] : memref<320000xf32, #tpu.memory_space<hbm>> -> memref<10000xf32, #tpu.memory_space<hbm>>
    %dma_wait3A_10 = tpu.memref_slice %arg3[%mul3A_2] : memref<320000xf32, #tpu.memory_space<hbm>> -> memref<10000xf32, #tpu.memory_space<hbm>>
    tpu.wait_dma2 semaphore(%arg10 : memref<!tpu.dma_semaphore, #tpu.memory_space<semaphore_mem>>) src(%dma_wait3A_10 : memref<10000xf32, #tpu.memory_space<hbm>>) dst(%arg7 : memref<10000xf32, #tpu.memory_space<vmem>>)
    tpu.wait_dma2 semaphore(%arg10 : memref<!tpu.dma_semaphore, #tpu.memory_space<semaphore_mem>>) src(%arg4 : memref<10000xf32, #tpu.memory_space<hbm>>) dst(%arg8 : memref<10000xf32, #tpu.memory_space<vmem>>)
    %parallel_loop3A_11 = arith.constant 0 : i32
    %parallel_loop3A_12 = arith.constant 625 : i32
    %parallel_loop3A_13 = arith.constant 1 : i32
    scf.for %parallel_loop3A_14 = %parallel_loop3A_11 to %parallel_loop3A_12 step %parallel_loop3A_13  : i32 {
      %parallel_loop3A_15 = arith.constant 16 : i32
      %parallel_loop3A_16 = arith.muli %parallel_loop3A_14, %parallel_loop3A_15 : i32
      %parallel_loop3A_17 = arith.index_cast %parallel_loop3A_16 : i32 to index
      %parallel_loop3A_18 = tpu.vector_load %arg6[%parallel_loop3A_17] {strides = array<i32>} : memref<10000xi32, #tpu.memory_space<vmem>>, vector<16xi32>,
      %parallel_loop3A_19 = arith.constant 65535 : i32
      %parallel_loop3A_20 = vector.broadcast %parallel_loop3A_19 : i32 to vector<16xi32>
      %parallel_loop3A_21 = arith.andi %parallel_loop3A_18, %parallel_loop3A_20 : vector<16xi32>
      %parallel_loop3A_22 = arith.constant 16 : i32
      %parallel_loop3A_23 = vector.broadcast %parallel_loop3A_22 : i32 to vector<16xi32>
      %parallel_loop3A_24 = arith.shrui %parallel_loop3A_18, %parallel_loop3A_23 : vector<16xi32>
      %parallel_loop3A_25 = tpu.vector_load_idx %arg8[%parallel_loop3A_21] : memref<10000xf32, #tpu.memory_space<vmem>>[vector<16xi32>], vector<16xf32>,
      %parallel_loop3A_26 = arith.index_cast %parallel_loop3A_16 : i32 to index
      %parallel_loop3A_27 = tpu.vector_load %arg7[%parallel_loop3A_26] {strides = array<i32>} : memref<10000xf32, #tpu.memory_space<vmem>>, vector<16xf32>,
      %parallel_loop3A_28 = arith.mulf %parallel_loop3A_25, %parallel_loop3A_27 : vector<16xf32>
      tpu.vector_store_idx %arg9[%parallel_loop3A_24], %parallel_loop3A_28 {add = true} : memref<10000xf32, #tpu.memory_space<vmem>>[vector<16xi32>], vector<16xf32>,
    } {sc.loop_unroll_factor = 8 : i64, sc.parallel_access}
    "tpu.region"() ({
      %run_scoped3A = tpu.sem_alloc : memref<!tpu.dma_semaphore, #tpu.memory_space<semaphore_mem>>
      %dma_start3A_14 = arith.constant 0 : i32
      %dma_start3A_15 = tpu.memref_slice %arg5[%add3A, %dma_start3A_14] : memref<32x10000xf32, #tpu.memory_space<hbm>> -> memref<1x10000xf32, #tpu.memory_space<hbm>>
      %dma_start3A_16 = tpu.memref_squeeze %dma_start3A_15 : memref<1x10000xf32, #tpu.memory_space<hbm>> -> memref<10000xf32, #tpu.memory_space<hbm>>
      %dma_start3A_17 = arith.constant 0 : i32
      %dma_start3A_18 = tpu.memref_slice %arg5[%add3A, %dma_start3A_17] : memref<32x10000xf32, #tpu.memory_space<hbm>> -> memref<1x10000xf32, #tpu.memory_space<hbm>>
      %dma_start3A_19 = tpu.memref_squeeze %dma_start3A_18 : memref<1x10000xf32, #tpu.memory_space<hbm>> -> memref<10000xf32, #tpu.memory_space<hbm>>
      tpu.enqueue_dma source(%arg9 : memref<10000xf32, #tpu.memory_space<vmem>>) target(%dma_start3A_19 : memref<10000xf32, #tpu.memory_space<hbm>>) target_semaphore(%run_scoped3A : memref<!tpu.dma_semaphore, #tpu.memory_space<semaphore_mem>>)
      %dma_wait3A_20 = arith.constant 0 : i32
      %dma_wait3A_21 = tpu.memref_slice %arg5[%add3A, %dma_wait3A_20] : memref<32x10000xf32, #tpu.memory_space<hbm>> -> memref<1x10000xf32, #tpu.memory_space<hbm>>
      %dma_wait3A_22 = tpu.memref_squeeze %dma_wait3A_21 : memref<1x10000xf32, #tpu.memory_space<hbm>> -> memref<10000xf32, #tpu.memory_space<hbm>>
      %dma_wait3A_23 = arith.constant 0 : i32
      %dma_wait3A_24 = tpu.memref_slice %arg5[%add3A, %dma_wait3A_23] : memref<32x10000xf32, #tpu.memory_space<hbm>> -> memref<1x10000xf32, #tpu.memory_space<hbm>>
      %dma_wait3A_25 = tpu.memref_squeeze %dma_wait3A_24 : memref<1x10000xf32, #tpu.memory_space<hbm>> -> memref<10000xf32, #tpu.memory_space<hbm>>
      tpu.wait_dma2 semaphore(%run_scoped3A : memref<!tpu.dma_semaphore, #tpu.memory_space<semaphore_mem>>) src(%arg9 : memref<10000xf32, #tpu.memory_space<vmem>>) dst(%dma_wait3A_25 : memref<10000xf32, #tpu.memory_space<hbm>>)
      tpu.yield
    }) : () -> ()
    return
  }
}

module attributes {stable_mosaic.version = 14 : i64} {
  func.func @_tc_prep_body(%arg0: memref<10000x128xf32, #tpu.memory_space<vmem>>, %arg1: memref<128x16xf32, #tpu.memory_space<vmem>>, %arg2: memref<2500x128xi32, #tpu.memory_space<vmem>>, %arg3: memref<2500x128xi32, #tpu.memory_space<vmem>>, %arg4: memref<32x10000xf32, #tpu.memory_space<vmem>>, %arg5: memref<16x10000xf32, #tpu.memory_space<vmem>>, %arg6: memref<1x10000xf32, #tpu.memory_space<vmem>>, %arg7: memref<2500x128xi32, #tpu.memory_space<vmem>>) attributes {dimension_semantics = [], scalar_prefetch = 0 : i64, scratch_operands = 0 : i64, tpu.core_type = #tpu.core_type<tc>} {
    %get3A = arith.constant 0 : index
    %get3A_0 = arith.constant 0 : index
    %get3A_1 = vector.load %arg0[%get3A, %get3A_0] : memref<10000x128xf32, #tpu.memory_space<vmem>>, vector<10000x128xf32>
    %get3A_2 = arith.constant 0 : index
    %get3A_3 = arith.constant 0 : index
    %get3A_4 = vector.load %arg1[%get3A_2, %get3A_3] : memref<128x16xf32, #tpu.memory_space<vmem>>, vector<128x16xf32>
    %dot_general3A = arith.constant dense<0.000000e+00> : vector<10000x16xf32>
    %dot_general3A_5 = tpu.matmul %get3A_1, %get3A_4, %dot_general3A {dimension_numbers = #tpu.dot_dimension_numbers<[1], [0], [0], [1], [0, 0, 1, 1], [], []>, transpose_lhs_hint = false} : vector<10000x128xf32>, vector<128x16xf32>, vector<10000x16xf32> -> vector<10000x16xf32>
    %get3A_6 = arith.constant 0 : index
    %get3A_7 = arith.constant 0 : index
    %get3A_8 = vector.load %arg4[%get3A_6, %get3A_7] : memref<32x10000xf32, #tpu.memory_space<vmem>>, vector<32x10000xf32>
    %reduce_sum3A = arith.constant dense<0.000000e+00> : vector<10000xf32>
    %reduce_sum3A_9 = vector.multi_reduction <add>, %get3A_8, %reduce_sum3A [0] : vector<32x10000xf32> to vector<10000xf32>
    %broadcast_in_dim3A = vector.shape_cast %reduce_sum3A_9 : vector<10000xf32> to vector<1x10000xf32>
    %add3A = arith.constant 1.000000e+00 : f32
    %add3A_10 = vector.broadcast %add3A : f32 to vector<1x10000xf32>
    %add3A_11 = arith.addf %add3A_10, %broadcast_in_dim3A : vector<1x10000xf32>
    %rsqrt3A = math.rsqrt %add3A_11 : vector<1x10000xf32>
    %transpose3A = tpu.transpose %dot_general3A_5, [1, 0] : vector<10000x16xf32> -> vector<16x10000xf32>
    %mul3A = vector.broadcast %rsqrt3A : vector<1x10000xf32> to vector<16x10000xf32>
    %mul3A_12 = arith.mulf %transpose3A, %mul3A : vector<16x10000xf32>
    %swap3A = arith.constant 0 : index
    %swap3A_13 = arith.constant 0 : index
    %swap3A_14 = vector.load %arg5[%swap3A, %swap3A_13] : memref<16x10000xf32, #tpu.memory_space<vmem>>, vector<16x10000xf32>
    tpu.vector_store %arg5[%swap3A, %swap3A_13], %mul3A_12 {strides = array<i32>} : memref<16x10000xf32, #tpu.memory_space<vmem>>, vector<16x10000xf32>,
    %swap3A_15 = arith.constant 0 : index
    %swap3A_16 = arith.constant 0 : index
    %swap3A_17 = vector.load %arg6[%swap3A_15, %swap3A_16] : memref<1x10000xf32, #tpu.memory_space<vmem>>, vector<1x10000xf32>
    tpu.vector_store %arg6[%swap3A_15, %swap3A_16], %rsqrt3A {strides = array<i32>} : memref<1x10000xf32, #tpu.memory_space<vmem>>, vector<1x10000xf32>,
    %get3A_18 = arith.constant 0 : index
    %get3A_19 = arith.constant 0 : index
    %get3A_20 = vector.load %arg2[%get3A_18, %get3A_19] : memref<2500x128xi32, #tpu.memory_space<vmem>>, vector<2500x128xi32>
    %get3A_21 = arith.constant 0 : index
    %get3A_22 = arith.constant 0 : index
    %get3A_23 = vector.load %arg3[%get3A_21, %get3A_22] : memref<2500x128xi32, #tpu.memory_space<vmem>>, vector<2500x128xi32>
    %mul3A_24 = arith.constant 65536 : i32
    %mul3A_25 = vector.broadcast %mul3A_24 : i32 to vector<2500x128xi32>
    %mul3A_26 = arith.muli %get3A_23, %mul3A_25 : vector<2500x128xi32>
    %add3A_27 = arith.addi %get3A_20, %mul3A_26 : vector<2500x128xi32>
    %swap3A_28 = arith.constant 0 : index
    %swap3A_29 = arith.constant 0 : index
    %swap3A_30 = vector.load %arg7[%swap3A_28, %swap3A_29] : memref<2500x128xi32, #tpu.memory_space<vmem>>, vector<2500x128xi32>
    tpu.vector_store %arg7[%swap3A_28, %swap3A_29], %add3A_27 {strides = array<i32>} : memref<2500x128xi32, #tpu.memory_space<vmem>>, vector<2500x128xi32>,
    return
  }
}

module attributes {stable_mosaic.version = 14 : i64} {
  func.func @_tc_mid_body(%arg0: memref<32x10000xf32, #tpu.memory_space<vmem>>, %arg1: memref<16x10000xf32, #tpu.memory_space<vmem>>, %arg2: memref<1x10000xf32, #tpu.memory_space<vmem>>, %arg3: memref<16x1xf32, #tpu.memory_space<vmem>>, %arg4: memref<1x16xf32, #tpu.memory_space<vmem>>, %arg5: memref<1x10000xf32, #tpu.memory_space<vmem>>) attributes {dimension_semantics = [], scalar_prefetch = 0 : i64, scratch_operands = 0 : i64, tpu.core_type = #tpu.core_type<tc>} {
    %get3A = arith.constant 0 : index
    %get3A_0 = arith.constant 0 : index
    %get3A_1 = vector.load %arg0[%get3A, %get3A_0] : memref<32x10000xf32, #tpu.memory_space<vmem>>, vector<32x10000xf32>
    %slice3A = vector.extract_strided_slice %get3A_1 {offsets = [0, 0], sizes = [16, 10000], strides = [1, 1]} : vector<32x10000xf32> to vector<16x10000xf32>
    %slice3A_2 = vector.extract_strided_slice %get3A_1 {offsets = [16, 0], sizes = [16, 10000], strides = [1, 1]} : vector<32x10000xf32> to vector<16x10000xf32>
    %add3A = arith.addf %slice3A, %slice3A_2 : vector<16x10000xf32>
    %get3A_3 = arith.constant 0 : index
    %get3A_4 = arith.constant 0 : index
    %get3A_5 = vector.load %arg2[%get3A_3, %get3A_4] : memref<1x10000xf32, #tpu.memory_space<vmem>>, vector<1x10000xf32>
    %get3A_6 = arith.constant 0 : index
    %get3A_7 = arith.constant 0 : index
    %get3A_8 = vector.load %arg1[%get3A_6, %get3A_7] : memref<16x10000xf32, #tpu.memory_space<vmem>>, vector<16x10000xf32>
    %add3A_9 = arith.addf %add3A, %get3A_8 : vector<16x10000xf32>
    %mul3A = vector.broadcast %get3A_5 : vector<1x10000xf32> to vector<16x10000xf32>
    %mul3A_10 = arith.mulf %mul3A, %add3A_9 : vector<16x10000xf32>
    %get3A_11 = arith.constant 0 : index
    %get3A_12 = arith.constant 0 : index
    %get3A_13 = vector.load %arg3[%get3A_11, %get3A_12] : memref<16x1xf32, #tpu.memory_space<vmem>>, vector<16x1xf32>
    %add3A_14 = vector.broadcast %get3A_13 : vector<16x1xf32> to vector<16x10000xf32>
    %add3A_15 = arith.addf %mul3A_10, %add3A_14 : vector<16x10000xf32>
    %max3A = arith.constant 0.000000e+00 : f32
    %max3A_16 = vector.broadcast %max3A : f32 to vector<16x10000xf32>
    %max3A_17 = arith.maximumf %add3A_15, %max3A_16 : vector<16x10000xf32>
    %get3A_18 = arith.constant 0 : index
    %get3A_19 = arith.constant 0 : index
    %get3A_20 = vector.load %arg4[%get3A_18, %get3A_19] : memref<1x16xf32, #tpu.memory_space<vmem>>, vector<1x16xf32>
    %dot_general3A = arith.constant dense<0.000000e+00> : vector<1x10000xf32>
    %dot_general3A_21 = tpu.matmul %get3A_20, %max3A_17, %dot_general3A {dimension_numbers = #tpu.dot_dimension_numbers<[1], [0], [0], [1], [0, 0, 1, 1], [], []>, transpose_lhs_hint = false} : vector<1x16xf32>, vector<16x10000xf32>, vector<1x10000xf32> -> vector<1x10000xf32>
    %mul3A_22 = arith.mulf %get3A_5, %dot_general3A_21 : vector<1x10000xf32>
    %swap3A = arith.constant 0 : index
    %swap3A_23 = arith.constant 0 : index
    %swap3A_24 = vector.load %arg5[%swap3A, %swap3A_23] : memref<1x10000xf32, #tpu.memory_space<vmem>>, vector<1x10000xf32>
    tpu.vector_store %arg5[%swap3A, %swap3A_23], %mul3A_22 {strides = array<i32>} : memref<1x10000xf32, #tpu.memory_space<vmem>>, vector<1x10000xf32>,
    return
  }
}

module attributes {stable_mosaic.version = 14 : i64} {
  func.func @_tc_fin_body(%arg0: memref<32x10000xf32, #tpu.memory_space<vmem>>, %arg1: memref<1x10000xf32, #tpu.memory_space<vmem>>, %arg2: memref<1x10000xf32, #tpu.memory_space<vmem>>, %arg3: memref<1x1xf32, #tpu.memory_space<vmem>>, %arg4: memref<1x10000xf32, #tpu.memory_space<vmem>>) attributes {dimension_semantics = [], scalar_prefetch = 0 : i64, scratch_operands = 0 : i64, tpu.core_type = #tpu.core_type<tc>} {
    %get3A = arith.constant 0 : index
    %get3A_0 = arith.constant 0 : index
    %get3A_1 = vector.load %arg0[%get3A, %get3A_0] : memref<32x10000xf32, #tpu.memory_space<vmem>>, vector<32x10000xf32>
    %reduce_sum3A = arith.constant dense<0.000000e+00> : vector<10000xf32>
    %reduce_sum3A_2 = vector.multi_reduction <add>, %get3A_1, %reduce_sum3A [0] : vector<32x10000xf32> to vector<10000xf32>
    %broadcast_in_dim3A = vector.shape_cast %reduce_sum3A_2 : vector<10000xf32> to vector<1x10000xf32>
    %get3A_3 = arith.constant 0 : index
    %get3A_4 = arith.constant 0 : index
    %get3A_5 = vector.load %arg1[%get3A_3, %get3A_4] : memref<1x10000xf32, #tpu.memory_space<vmem>>, vector<1x10000xf32>
    %add3A = arith.addf %broadcast_in_dim3A, %get3A_5 : vector<1x10000xf32>
    %get3A_6 = arith.constant 0 : index
    %get3A_7 = arith.constant 0 : index
    %get3A_8 = vector.load %arg2[%get3A_6, %get3A_7] : memref<1x10000xf32, #tpu.memory_space<vmem>>, vector<1x10000xf32>
    %mul3A = arith.mulf %get3A_8, %add3A : vector<1x10000xf32>
    %get3A_9 = arith.constant 0 : index
    %get3A_10 = arith.constant 0 : index
    %get3A_11 = vector.load %arg3[%get3A_9, %get3A_10] : memref<1x1xf32, #tpu.memory_space<vmem>>, vector<1x1xf32>
    %add3A_12 = vector.broadcast %get3A_11 : vector<1x1xf32> to vector<1x10000xf32>
    %add3A_13 = arith.addf %mul3A, %add3A_12 : vector<1x10000xf32>
    %swap3A = arith.constant 0 : index
    %swap3A_14 = arith.constant 0 : index
    %swap3A_15 = vector.load %arg4[%swap3A, %swap3A_14] : memref<1x10000xf32, #tpu.memory_space<vmem>>, vector<1x10000xf32>
    tpu.vector_store %arg4[%swap3A, %swap3A_14], %add3A_13 {strides = array<i32>} : memref<1x10000xf32, #tpu.memory_space<vmem>>, vector<1x10000xf32>,
    return
  }
}

</mosaic_0001>

<sc_bundles>
// kernel: kernel.11.cloned.1.call-start
scs
__scs_entry_jumppad:
0x0: {  	(pc) =	sbr.rel $0x88, $3  }
0x1: {  	(tag) =	ssettag $0x0;
	lr =	simm.s32 $0x1  }
0x2: {  	[smem:$0x3F9A] =	sst lr;
	_ =	strace $0xD0000000  }
0x3: {  	_ = 	snop  }
0x4: {  	_ = 	snop  }
0x5: {  	_ = 	snop  }
0x6: {  	_ = 	snop  }
0x7: {  	_ = 	snop  }
__scs_overlays_trampoline_lowered:
0x8: {  	[smem:$0x3FA9] =	sst s0  }
0x9: {  	[smem:$0x3FAA] =	sst s1  }
0xa: {  	[smem:$0x3FAB] =	sst s2  }
0xb: {  	[smem:$0x3FAC] =	sst s3  }
0xc: {  	[smem:$0x3FAD] =	sst s4  }
0xd: {  	[smem:$0x3FAE] =	sst s5  }
0xe: {  	[smem:$0x3FAF] =	sst s6  }
0xf: {  	[smem:$0x3FB0] =	sst s7  }
0x10: {  	[smem:$0x3FB1] =	sst s8  }
0x11: {  	[smem:$0x3FB2] =	sst s9;
	s0 =	simm.s32 @!p0 $0x0  }
0x12: {  	s1 =	sld [smem:$0x3F98];
	s0 =	simm.s32 @p0 $0x1  }
0x13: {  	[smem:$0x3FB3] =	sst s0;
	s0 =	simm.s32 @!p1 $0x0  }
0x14: {  	s2 =	sld [smem:$0x3F97];
	s0 =	simm.s32 @p1 $0x1  }
0x15: {  	[smem:$0x3FB4] =	sst s0;
	s0 =	simm.s32 @!p2 $0x0  }
0x16: {  	s3 =	sld [smem:$0x3FDB];
	s0 =	simm.s32 @p2 $0x1  }
0x17: {  	s4 =	simm.s32 $0x1BF5;
	[smem:$0x3FB6] =	sst s0  }
0x18: {  	s0 =	sld [smem:$0x3F99];
	_ =	swait.ge [sflag:s4], $0x0  }
0x19: {  	s7 =	sld [smem:$0x3F9A]  }
0x1a: {  	s8 =	sadd.s32 $0xFFFFE003, lr  }
0x1b: {  	s9 =	sadd.s32 $0xFFFFFEF7, lr;
	s5 =	simm.s32 $0xFFFFFFFF;
	p2 =	slt.u32 s8, $0xFFFFF086  }
0x1c: {  	p1 =	slt.u32 s9, $0xF7A;
	s5 =	simm.s32 @!p2 $0x0  }
0x1d: {  	s5 =	simm.s32 @p1 $0x1;
	p0 =	seq.s32 s7, s2  }
0x1e: {  	s7 =	smul.u32 @!p0 $0xF7A, s2;
	p2 =	seq.s32 @!p0 s5, $0x0  }
0x1f: {  	s9 =	smul.u32 $0xF7A, s1;
	s8 =	simm.s32 @!p0 $0x1BF5;
	p2 =	por !p2, p0  }
0x20: {  	[sflag:s8] =	ssyncset.s32 @!p0 $0xFFFFF086;
	s6 =	sadd.s32 @!p0 s3, s7;
	s7 =	simm.s32 @!p0 $0x108  }
0x21: {  	s3 =	sadd.s32 s3, s9;
	s6 =	sadd.s32 @!p0 $0x88, s6;
	s7 =	simm.s32 @p2 $0x1082  }
0x22: {  	[simem:s7], [sflag:s8] =	dma.local @!p0 [hbm:s6], $0xF7A  }
0x23: {  	s9 =	sor.u32 $0xD0000000, s2;
	s6 =	simm.s32 $0x108;
	_ =	swait.ge @!p0 [sflag:s8], $0x0  }
0x24: {  	s3 =	sadd.s32 $0x88, s3;
	s6 =	simm.s32 @!p1 $0x1082;
	[sflag:s4] =	ssyncset.s32 $0xFFFFF086  }
0x25: {  	[simem:s6], [sflag:s4] =	dma.local [hbm:s3], $0xF7A  }
0x26: {  	[smem:$0x3F9A] =	sst s1;
	(tag) =	ssettag s2;
	_ =	strace s9  }
0x27: {  	s1 =	sld [smem:$0x3FAA]  }
0x28: {  	s2 =	sld [smem:$0x3FAB]  }
0x29: {  	s4 =	sld [smem:$0x3FAD]  }
0x2a: {  	p0 =	seq.s32 s5, $0x0;
	s5 =	sld [smem:$0x3FAE]  }
0x2b: {  	s6 =	sld [smem:$0x3FAF]  }
0x2c: {  	s7 =	sld [smem:$0x3FB0]  }
0x2d: {  	s3 =	simm.s32 $0x108;
	s8 =	sld [smem:$0x3FB1]  }
0x2e: {  	s3 =	simm.s32 @!p0 $0x1082;
	s9 =	sld [smem:$0x3FB2]  }
0x2f: {  	lr =	sadd.s32 s0, s3;
	s0 =	sld [smem:$0x3FA9]  }
0x30: {  	s3 =	sld [smem:$0x3FAC]  }
0x31: {  	[smem:$0x3FB5] =	sst s10  }
0x32: {  	s10 =	sld [smem:$0x3FB3];
	_ =	sdelay $0x3  }
0x33: {  	p0 =	seq.s32 s10, $0x1;
	s10 =	sld [smem:$0x3FB5];
	_ =	sdelay $0x3  }
0x34: {  	[smem:$0x3FB5] =	sst s10  }
0x35: {  	s10 =	sld [smem:$0x3FB4];
	_ =	sdelay $0x3  }
0x36: {  	p1 =	seq.s32 s10, $0x1;
	s10 =	sld [smem:$0x3FB5];
	_ =	sdelay $0x3  }
0x37: {  	[smem:$0x3FB5] =	sst s10  }
0x38: {  	s10 =	sld [smem:$0x3FB6]  }
0x39: {  	_ = 	snop;
	(pc) =	sbr.ind lr, $3  }
0x3a: {  	_ = 	snop  }
0x3b: {  	_ = 	snop  }
0x3c: {  	p2 =	seq.s32 s10, $0x1;
	s10 =	sld [smem:$0x3FB5]  }
0x3d: {  	_ =	shalt  }
0x3e: {  	_ =	shalt  }
0x3f: {  	_ =	shalt  }
0x40: {  	_ =	shalt  }
0x41: {  	_ =	shalt  }
0x42: {  	_ =	shalt  }
0x43: {  	_ =	shalt  }
0x44: {  	_ =	shalt  }
0x45: {  	_ =	shalt  }
0x46: {  	_ =	shalt  }
0x47: {  	_ =	shalt  }
0x48: {  	_ =	shalt  }
0x49: {  	_ =	shalt  }
0x4a: {  	_ =	shalt  }
0x4b: {  	_ =	shalt  }
0x4c: {  	_ =	shalt  }
0x4d: {  	_ =	shalt  }
0x4e: {  	_ =	shalt  }
0x4f: {  	_ =	shalt  }
0x50: {  	_ =	shalt  }
0x51: {  	_ =	shalt  }
0x52: {  	_ =	shalt  }
0x53: {  	_ =	shalt  }
0x54: {  	_ =	shalt  }
0x55: {  	_ =	shalt  }
0x56: {  	_ =	shalt  }
0x57: {  	_ =	shalt  }
0x58: {  	_ =	shalt  }
0x59: {  	_ =	shalt  }
0x5a: {  	_ =	shalt  }
0x5b: {  	_ =	shalt  }
0x5c: {  	_ =	shalt  }
0x5d: {  	_ =	shalt  }
0x5e: {  	_ =	shalt  }
0x5f: {  	_ =	shalt  }
0x60: {  	_ =	shalt  }
0x61: {  	_ =	shalt  }
0x62: {  	_ =	shalt  }
0x63: {  	_ =	shalt  }
0x64: {  	_ =	shalt  }
0x65: {  	_ =	shalt  }
0x66: {  	_ =	shalt  }
0x67: {  	_ =	shalt  }
0x68: {  	_ =	shalt  }
0x69: {  	_ =	shalt  }
0x6a: {  	_ =	shalt  }
0x6b: {  	_ =	shalt  }
0x6c: {  	_ =	shalt  }
0x6d: {  	_ =	shalt  }
0x6e: {  	_ =	shalt  }
0x6f: {  	_ =	shalt  }
0x70: {  	_ =	shalt  }
0x71: {  	_ =	shalt  }
0x72: {  	_ =	shalt  }
0x73: {  	_ =	shalt  }
0x74: {  	_ =	shalt  }
0x75: {  	_ =	shalt  }
0x76: {  	_ =	shalt  }
0x77: {  	_ =	shalt  }
0x78: {  	_ =	shalt  }
0x79: {  	_ =	shalt  }
0x7a: {  	_ =	shalt  }
0x7b: {  	_ =	shalt  }
0x7c: {  	_ =	shalt  }
0x7d: {  	_ =	shalt  }
0x7e: {  	_ =	shalt  }
0x7f: {  	_ =	shalt  }
0x80: {  	_ =	shalt  }
0x81: {  	_ =	shalt  }
0x82: {  	_ =	shalt  }
0x83: {  	_ =	shalt  }
0x84: {  	_ =	shalt  }
0x85: {  	_ =	shalt  }
0x86: {  	_ =	shalt  }
0x87: {  	_ =	shalt  }
.Lfunc_end0:
.L_simem_size_0:
called_computation.1_lowered:
.L_overlay_start_0:
0x88: {  	s2 =	sld [smem:$0x3FD9]  }
0x89: {  	s3 =	sld [smem:$0x3FFE];
	_ =	sdelay $0x1  }
0x8a: {  	s1 =	srdreg.scid  }
0x8b: {  	s0 =	sand.u32 $0x1, s1  }
0x8c: {  	s17 =	sshll.u32 s0, $0xA;
	s2 =	sadd.s32 s3, s2  }
0x8d: {  	s2 =	sadd.s32 s2, s17  }
0x8e: {  	[smem:$0x3FC1] =	sst s2  }
0x8f: {  	_ = 	snop  }
0x90: {  	s2 =	sld [smem:$0x3FC7];
	(tm) =	ssettm $0x1  }
0x91: {  	s18 =	sld [smem:$0x3FFB];
	_ =	sdelay $0x3  }
0x92: {  	_ =	strace s18  }
0x93: {  	s3 =	sld [smem:$0x3FFC];
	_ =	sdelay $0x3  }
0x94: {  	_ =	strace s3  }
0x95: {  	s3 =	sld [smem:$0x3FFD];
	_ =	sdelay $0x3  }
0x96: {  	_ =	strace s3  }
0x97: {  	_ =	strace $0x8FFFFFFF  }
0x98: {  	s19 =	sld [smem:$0x3FDB];
	_ =	sdelay $0x1  }
0x99: {  	s4 =	simm.s32 $_scs_section_size  }
0x9a: {  	s5 =	simm.s32 $_size__tile_overlayer_lowered;
	s6 =	simm.s32 $_tile_overlayer_lowered  }
0x9b: {  	s22 =	simm.s32 $0x1BFF;
	s21 =	sshll.u32 s6, $0x1;
	s3 =	sadd.s32 s4, s19  }
0x9c: {  	s7 =	simm.s32 $0x0;
	s20 =	sshll.u32 s5, $0x1;
	s5 =	sadd.s32 s21, s3  }
0x9d: {  	[timem:s7], [sflag:s22] =	dma.local [hbm:s5], s20  }
0x9e: {  	_ =	swait.ge [sflag:s22], s20  }
0x9f: {  	s4 =	ssub.s32 $0x0, s20;
	[sflag:s22] =	ssyncset.done $0x0  }
0xa0: {  	[sflag:s22] =	ssyncadd.s32 s4;
	_ =	sdelay $0x1  }
0xa1: {  	s23 =	simm.s32 $0x1B8B  }
0xa2: {  	_ =	swait.ge [sflag:s23], $0x1  }
0xa3: {  	[sflag:s23] =	ssyncset.done $0x0  }
0xa4: {  	s25 =	simm.s32 $0x1B8E;
	s24 =	sld [smem:$0x3FFE];
	[sflag:s23] =	ssyncadd.s32 $0xFFFFFFFF  }
0xa5: {  	s26 =	simm.s32 $execute0_lowered;
	[smem:$0x3FD2] =	sst s25  }
0xa6: {  	s5 =	sshll.u32 s26, $0x1;
	_ =	strace $0x80000049;
	[dreg:$0x1] =	wrdreg $0xFFFFFFFF  }
0xa7: {  	s28 =	simm.s32 $_size_execute0_lowered;
	s3 =	sadd.s32 s3, s5;
	[dreg:$0x0] =	wrdreg $0x0  }
0xa8: {  	s5 =	sshll.u32 s28, $0x1;
	[dreg:$0x2] =	wrdreg s3  }
0xa9: {  	[dreg:$0x3] =	wrdreg s5  }
0xaa: {  	[dreg:$0x4] =	wrdreg $0xC0  }
0xab: {  	_ =	task [dreg:s7], $0x5FFFF  }
0xac: {  	[dreg:$0x1] =	wrdreg $0xFFFFFFFF  }
0xad: {  	[dreg:$0x0] =	wrdreg $0x60  }
0xae: {  	[dreg:$0x2] =	wrdreg s24  }
0xaf: {  	[dreg:$0x3] =	wrdreg s2  }
0xb0: {  	[dreg:$0x4] =	wrdreg $0x9  }
0xb1: {  	_ =	task.clear_ibuf [dreg:s7], $0x5FFFF;
	_ =	strace $0x90000049  }
0xb2: {  	s29 =	simm.s32 $0x9;
	_ =	strace $0x8000004B  }
0xb3: {  	_ =	swait.ge [sflag:s29], $0x1  }
0xb4: {  	[sflag:s29] =	ssyncadd.s32 $0xFFFFFFFF  }
0xb5: {  	_ =	strace $0x9000004B  }
0xb6: {  	_ =	sfence  }
0xb7: {  	s30 =	sld [smem:$0x0];
	_ =	sdelay $0x2  }
0xb8: {  	s31 =	sshll.u32 s1, $0xD;
	s1 =	sshrl.u32 s1, $0x2  }
0xb9: {  	s3 =	sand.u32 $0x4000, s31;
	s1 =	sadd.s32 s1, s30  }
0xba: {  	s0 =	sor.u32 s3, s0;
	s1 =	sshll.u32 s1, $0x11  }
0xbb: {  	s0 =	sor.u32 s1, s0  }
0xbc: {  	s0 =	sadd.s32 $0x8F2B, s0  }
0xbd: {  	[sflag:s0] =	ssyncadd.remote.s32 $0x1  }
0xbe: {  	_ =	sfence.sel $0xFFFF  }
0xbf: {  	[dreg:$0x0] =	wrdreg $0xFFFFFFFF;
	(pc) =	sbr.abs _section_cstart, $3  }
0xc0: {  	[dreg:$0x1] =	wrdreg $0xFFFFFFFF  }
0xc1: {  	_ =	task.clear_ibuf [dreg:s7], $0x2FFFF;
	_ =	strace $0x9FFFFFFF  }
0xc2: {  	(tm) =	ssettm $0x7FFFFFFF  }
0xc3: {  	_ =	shalt  }
tec
execute0_lowered:
.L_overlay_start_1:
0x0: {  	(tag) =	ssettag $0x1  }
0x1: {  	s0 =	rddreg [dreg:$0x0];
	s9 =	stileid.u32  }
0x2: {  	s1 =	srdreg.scid;
	s3 =	rddreg [dreg:$0x1]  }
0x3: {  	s4 =	sand.u32 $0x1, s1;
	s2 =	sshll.u32 s9, $0x1;
	s1 =	simm.s32 $0x0  }
0x4: {  	s11 =	sshrl.u32 s9, $0x2;
	s8 =	sshll.u32 s9, $0x1D;
	s12 =	sshrl.u32 s9, $0x3  }
0x5: {  	s5 =	sor.u32 s4, s2;
	[smem:$0x7FF] =	sst s1;
	s6 =	smul.u32 $0x13C00, s11  }
0x6: {  	s2 =	sadd.s32 $0x1C00, s0;
	s8 =	sshra.s32 s8, $0x1F;
	s7 =	sshll.u32 s5, $0x7  }
0x7: {  	s13 =	ssub.s32 $0x2, s4;
	s8 =	sand.u32 $0x2780, s8;
	s7 =	sand.u32 $0x380, s7  }
0x8: {  	s4 =	sshrl.u32 s13, $0x1;
	s6 =	sor.u32 s6, s7;
	s7 =	smul.u32 $0x27100, s12  }
0x9: {  	s5 =	sshll.u32 s5, $0x4;
	s8 =	sadd.s32 s8, s0;
	s9 =	ssub.s32 s13, s4  }
0xa: {  	s14 =	sand.u32 $0x70, s5;
	s6 =	sshrl.u32 s6, $0x3;
	s7 =	sshrl.u32 s7, $0x3  }
0xb: {  	s5 =	sadd.s32 s14, s8;
	s6 =	sadd.s32 s6, s0;
	s15 =	sadd.s32 $0x4E2, s7  }
0xc: {  	s17 =	sadd.s32 $0x9C4, s7;
	s19 =	sadd.s32 $0xEA6, s7;
	s16 =	sadd.s32 s2, s15  }
0xd: {  	s21 =	sadd.s32 $0x1388, s7;
	s4 =	sadd.s32 s3, s15;
	[dreg:$0x3] =	wrdreg s16  }
0xe: {  	s23 =	sadd.s32 $0x186A, s7;
	s18 =	sadd.s32 s2, s17;
	[dreg:$0x4] =	wrdreg s4  }
0xf: {  	s25 =	sadd.s32 $0x1D4C, s7;
	s0 =	sadd.s32 s3, s17;
	[dreg:$0x5] =	wrdreg s18  }
0x10: {  	s8 =	sadd.s32 $0x222E, s7;
	s20 =	sadd.s32 s2, s19;
	[dreg:$0x6] =	wrdreg s0  }
0x11: {  	s11 =	sadd.s32 $0x2710, s7;
	s22 =	sadd.s32 s2, s21;
	[dreg:$0x7] =	wrdreg s20  }
0x12: {  	s13 =	sadd.s32 $0x2BF2, s7;
	s24 =	sadd.s32 s2, s23;
	[dreg:$0x9] =	wrdreg s22  }
0x13: {  	s30 =	sadd.s32 s2, s7;
	s26 =	sadd.s32 s2, s25;
	[dreg:$0xb] =	wrdreg s24  }
0x14: {  	s10 =	sadd.s32 s2, s8;
	s12 =	sadd.s32 s2, s11;
	[dreg:$0xd] =	wrdreg s26  }
0x15: {  	s14 =	sadd.s32 s2, s13;
	s15 =	sadd.s32 $0x30D4, s7;
	[dreg:$0xf] =	wrdreg s10  }
0x16: {  	s17 =	sadd.s32 $0x35B6, s7;
	s4 =	sadd.s32 s3, s19;
	[dreg:$0x11] =	wrdreg s12  }
0x17: {  	s0 =	sadd.s32 s3, s21;
	[dreg:$0x13] =	wrdreg s14;
	s16 =	sadd.s32 s2, s15  }
0x18: {  	s22 =	sadd.s32 s2, s17;
	s18 =	sadd.s32 $0x3A98, s7;
	s19 =	sadd.s32 $0x3F7A, s7  }
0x19: {  	s20 =	sadd.s32 $0x445C, s7;
	s21 =	sadd.s32 $0x493E, s7;
	s10 =	simm.s32 $0x1  }
0x1a: {  	s12 =	simm.s32 $0x9E00;
	s14 =	simm.s32 $0x2;
	[dreg:$0x8] =	wrdreg s4  }
0x1b: {  	[dreg:$0xa] =	wrdreg s0;
	s4 =	sadd.s32 s3, s23;
	s0 =	sadd.s32 s3, s25  }
0x1c: {  	[dreg:$0x15] =	wrdreg s16;
	s23 =	sadd.s32 s3, s17;
	s24 =	sadd.s32 s2, s18  }
0x1d: {  	s25 =	sadd.s32 s3, s18;
	s26 =	sadd.s32 s2, s19;
	s28 =	sadd.s32 s3, s19  }
0x1e: {  	s29 =	sadd.s32 s2, s20;
	s31 =	sadd.s32 s3, s20;
	s2 =	sadd.s32 s2, s21  }
0x1f: {  	s19 =	simm.s32 $0x80;
	s20 =	simm.s32 $0x400;
	s16 =	simm.s32 $0xC580  }
0x20: {  	s17 =	simm.s32 $0x3;
	s18 =	simm.s32 $0x0;
	[dreg:$0xc] =	wrdreg s4  }
0x21: {  	[dreg:$0xe] =	wrdreg s0;
	s4 =	sadd.s32 s3, s8;
	s0 =	sadd.s32 s3, s11  }
0x22: {  	s8 =	simm.s32 $0xED00;
	s11 =	simm.s32 $0x2780;
	[dreg:$0x10] =	wrdreg s4  }
0x23: {  	[dreg:$0x12] =	wrdreg s0;
	s4 =	sadd.s32 s3, s13;
	s0 =	sadd.s32 s3, s15  }
0x24: {  	s13 =	simm.s32 $0x11480;
	s15 =	simm.s32 $0x4F00;
	[dreg:$0x14] =	wrdreg s4  }
0x25: {  	[dreg:$0x16] =	wrdreg s0;
	s0 =	sadd.s32 s3, s7;
	s3 =	sadd.s32 s3, s21  }
0x26: {  	s4 =	sadd.s32 $0xBA00, s5;
	s5 =	sadd.s32 $0x10A00, s6;
	s6 =	smax.u32 s9, $0x1  }
0x27: {  	v0 =	vimm.f32 $0.0e+00;
	s7 =	simm.s32 $0x7680;
	s9 =	simm.s32 $0x4;
	_ =	strace $0x8000004A  }
.LBB2_1:
0x28: {  	[tilespmem:s1], [sflag:$0x1] =	stream.linear.gather [hbm4b:s30+s1], $0x2710, $0x38;
	[tilespmem:$0x13C00] =	vst v63  }
0x29: {  	_ = 	snop  }
0x2a: {  	[tilespmem:s7], [sflag:$0x1] =	stream.linear.gather [hbm4b:s0+s1], $0x2710, $0x38;
	[tilespmem:$0x13C00] =	vst v63  }
0x2b: {  	_ = 	snop  }
0x2c: {  	[tilespmem:s8], [sflag:$0x4] =	stream.strided.gather [hbm4b:s4+s19], $0x2780, s20, s19, $0x38;
	[tilespmem:$0x13C00] =	vst v63  }
0x2d: {  	_ =	swait.ge [sflag:s9], $0x2780  }
0x2e: {  	[sflag:s9] =	ssyncset.done $0x0  }
0x2f: {  	s19 =	simm.s32 $0x114C0;
	[sflag:s9] =	ssyncadd.s32 $0xFFFFD880  }
0x30: {  	[tilespmem:s19+$0xFFFFFFC0] =	vst v0  }
0x31: {  	[tilespmem:s19+$0x30] =	vst v0  }
0x32: {  	[tilespmem:s19+$0x20] =	vst v0  }
0x33: {  	[tilespmem:s19+$0x10] =	vst v0  }
0x34: {  	[tilespmem:s19+$0x0] =	vst v0  }
0x35: {  	[tilespmem:s19+$0xFFFFFFF0] =	vst v0  }
0x36: {  	s20 =	simm.s32 $0x0;
	[tilespmem:s19+$0xFFFFFFE0] =	vst v0  }
.LBB2_2:
0x37: {  	s20 =	sadd.s32 $0x8, s20;
	[tilespmem:s19+$0xFFFFFFD0] =	vst v0;
	s19 =	sadd.s32 $0x80, s19  }
0x38: {  	[tilespmem:s19+$0xFFFFFFC0] =	vst v0;
	p0 =	slt.u32 s20, $0x268  }
0x39: {  	[tilespmem:s19+$0x30] =	vst v0  }
.Ltmp0:
0x3a: {  	[tilespmem:s19+$0x20] =	vst v0;
	(pc) =	sbr.rel @p0 .LBB2_2-.Ltmp0, $4  }
0x3b: {  	[tilespmem:s19+$0x10] =	vst v0  }
0x3c: {  	[tilespmem:s19+$0x0] =	vst v0  }
0x3d: {  	[tilespmem:s19+$0xFFFFFFF0] =	vst v0  }
0x3e: {  	[tilespmem:s19+$0xFFFFFFE0] =	vst v0  }
0x3f: {  	[tilespmem:s19+$0xFFFFFFD0] =	vst v0  }
0x40: {  	[tilespmem:$0x13B80] =	vst v0  }
0x41: {  	_ =	swait.ge [sflag:s10], $0x2710  }
0x42: {  	[sflag:s10] =	ssyncset.done $0x0  }
0x43: {  	[sflag:s10] =	ssyncadd.s32 $0xFFFFD8F0  }
0x44: {  	_ =	swait.ge [sflag:s10], $0x2710  }
0x45: {  	[sflag:s10] =	ssyncset.done $0x0  }
0x46: {  	s21 =	rddreg [dreg:$0x3];
	[sflag:s10] =	ssyncadd.s32 $0xFFFFD8F0  }
0x47: {  	[tilespmem:s11], [sflag:$0x2] =	stream.linear.gather [hbm4b:s21+s1], $0x2710, $0x38;
	[tilespmem:$0x13C00] =	vst v63  }
0x48: {  	s20 =	rddreg [dreg:$0x4];
	s21 =	simm.s32 $0x40  }
0x49: {  	[tilespmem:s12], [sflag:$0x2] =	stream.linear.gather [hbm4b:s20+s1], $0x2710, $0x38;
	[tilespmem:$0x13C00] =	vst v63  }
0x4a: {  	v1 =	vld [tilespmem:s21+$0x30]  }
0x4b: {  	v2 =	vld [tilespmem:s21+$0xFFFFFFD0]  }
0x4c: {  	v3 =	vld [tilespmem:s21+$0xFFFFFFE0]  }
0x4d: {  	v4 =	vld [tilespmem:s21+$0xFFFFFFF0]  }
0x4e: {  	v5 =	vld [tilespmem:s21+$0x0]  }
0x4f: {  	v7 =	vld [tilespmem:s21+$0x10]  }
0x50: {  	v9 =	vld [tilespmem:s21+$0xFFFFFFC0]  }
0x51: {  	s19 =	simm.s32 $0x76C0;
	v11 =	vld [tilespmem:s21+$0x20];
	v6 =	vand.u32 $0xFFFF, v1  }
0x52: {  	v15 =	vld [tilespmem:s19+$0x30]  }
0x53: {  	v59 =	vld [tilespmem:s19+$0xFFFFFFD0]  }
0x54: {  	v60 =	vld [tilespmem:s19+$0xFFFFFFE0]  }
0x55: {  	v18 =	vld [tilespmem:s19+$0xFFFFFFF0];
	v8 =	vand.u32 $0xFFFF, v2  }
0x56: {  	v13 =	vand.u32 $0xFFFF, v5;
	v6 =	vld.idx.msk [tilespmem:v6+s8+$0x0], $0xffff  }
0x57: {  	v19 =	vld [tilespmem:s19+$0x0];
	v16 =	vand.u32 $0xFFFF, v9  }
0x58: {  	v61 =	vld [tilespmem:s19+$0x10];
	v1 =	vshrl.u32 v1, $0x10  }
0x59: {  	v62 =	vld [tilespmem:s19+$0x20]  }
0x5a: {  	v12 =	vand.u32 $0xFFFF, v4;
	v8 =	vld.idx.msk [tilespmem:v8+s8+$0x0], $0xffff  }
0x5b: {  	v10 =	vand.u32 $0xFFFF, v3;
	v13 =	vld.idx.msk [tilespmem:v13+s8+$0x0], $0xffff;
	v6 =	vmul.f32 v15, v6  }
0x5c: {  	v14 =	vand.u32 $0xFFFF, v7;
	v58 =	vld.idx.msk [tilespmem:v16+s8+$0x0], $0xffff  }
0x5d: {  	v17 =	vand.u32 $0xFFFF, v11;
	[tilespmem:v1+s13+$0x0] =	vst.idx.add.f32.msk $0xffff, v6  }
0x5e: {  	v2 =	vshrl.u32 v2, $0x10;
	v1 =	vld [tilespmem:s19+$0xFFFFFFC0]  }
0x5f: {  	v5 =	vshrl.u32 v5, $0x10;
	v12 =	vld.idx.msk [tilespmem:v12+s8+$0x0], $0xffff  }
0x60: {  	v9 =	vshrl.u32 v9, $0x10;
	v10 =	vld.idx.msk [tilespmem:v10+s8+$0x0], $0xffff  }
0x61: {  	v4 =	vshrl.u32 v4, $0x10;
	v14 =	vld.idx.msk [tilespmem:v14+s8+$0x0], $0xffff;
	v8 =	vmul.f32 v59, v8  }
0x62: {  	v3 =	vshrl.u32 v3, $0x10;
	v63 =	vmul.f32 v19, v13;
	v6 =	vld.idx.msk [tilespmem:v17+s8+$0x0], $0xffff  }
0x63: {  	[tilespmem:v2+s13+$0x0] =	vst.idx.add.f32.msk $0xffff, v8;
	v1 =	vmul.f32 v1, v58  }
0x64: {  	v2 =	vmul.f32 v18, v12;
	[tilespmem:v5+s13+$0x0] =	vst.idx.add.f32.msk $0xffff, v63  }
0x65: {  	[tilespmem:v9+s13+$0x0] =	vst.idx.add.f32.msk $0xffff, v1;
	v1 =	vmul.f32 v60, v10  }
0x66: {  	[tilespmem:v4+s13+$0x0] =	vst.idx.add.f32.msk $0xffff, v2;
	v2 =	vshrl.u32 v11, $0x10  }
0x67: {  	s20 =	simm.s32 $0x0;
	s21 =	simm.s32 $0xC0;
	v4 =	vmul.f32 v62, v6;
	[tilespmem:v3+s13+$0x0] =	vst.idx.add.f32.msk $0xffff, v1;
	v1 =	vshrl.u32 v7, $0x10;
	v3 =	vmul.f32 v61, v14  }
.LBB2_4:
0x68: {  	v5 =	vld [tilespmem:s21+$0x30];
	s20 =	sadd.s32 $0x8, s20  }
0x69: {  	v6 =	vld [tilespmem:s21+$0xFFFFFFD0];
	p0 =	slt.u32 s20, $0x268  }
0x6a: {  	v7 =	vld [tilespmem:s21+$0xFFFFFFE0]  }
0x6b: {  	v8 =	vld [tilespmem:s21+$0xFFFFFFF0]  }
0x6c: {  	v9 =	vld [tilespmem:s21+$0x0]  }
0x6d: {  	v10 =	vld [tilespmem:s21+$0x10];
	v11 =	vand.u32 $0xFFFF, v5  }
0x6e: {  	v12 =	vshrl.u32 v6, $0x10;
	v6 =	vand.u32 $0xFFFF, v6;
	v13 =	vld [tilespmem:s21+$0x20]  }
0x6f: {  	v14 =	vld [tilespmem:s21+$0xFFFFFFC0];
	v15 =	vshrl.u32 v7, $0x10;
	v7 =	vand.u32 $0xFFFF, v7  }
0x70: {  	v16 =	vshrl.u32 v8, $0x10;
	v8 =	vand.u32 $0xFFFF, v8;
	[tilespmem:v1+s13+$0x0] =	vst.idx.add.f32.msk $0xffff, v3  }
0x71: {  	v17 =	vshrl.u32 v9, $0x10;
	v3 =	vand.u32 $0xFFFF, v9;
	[tilespmem:v2+s13+$0x0] =	vst.idx.add.f32.msk $0xffff, v4  }
0x72: {  	s19 =	sadd.s32 $0x80, s19;
	v1 =	vshrl.u32 v10, $0x10;
	v4 =	vand.u32 $0xFFFF, v10;
	v9 =	vld.idx.msk [tilespmem:v11+s8+$0x0], $0xffff  }
0x73: {  	v2 =	vshrl.u32 v13, $0x10;
	v10 =	vand.u32 $0xFFFF, v13;
	v11 =	vld [tilespmem:s19+$0x30]  }
0x74: {  	v13 =	vshrl.u32 v14, $0x10;
	v14 =	vand.u32 $0xFFFF, v14;
	v6 =	vld.idx.msk [tilespmem:v6+s8+$0x0], $0xffff  }
0x75: {  	v5 =	vshrl.u32 v5, $0x10;
	v7 =	vld.idx.msk [tilespmem:v7+s8+$0x0], $0xffff  }
0x76: {  	v8 =	vld.idx.msk [tilespmem:v8+s8+$0x0], $0xffff  }
0x77: {  	v3 =	vld.idx.msk [tilespmem:v3+s8+$0x0], $0xffff  }
0x78: {  	v4 =	vld.idx.msk [tilespmem:v4+s8+$0x0], $0xffff;
	v9 =	vmul.f32 v11, v9  }
0x79: {  	v11 =	vld.idx.msk [tilespmem:v14+s8+$0x0], $0xffff  }
0x7a: {  	[tilespmem:v5+s13+$0x0] =	vst.idx.add.f32.msk $0xffff, v9  }
0x7b: {  	v5 =	vld.idx.msk [tilespmem:v10+s8+$0x0], $0xffff  }
0x7c: {  	v9 =	vld [tilespmem:s19+$0xFFFFFFC0]  }
0x7d: {  	v10 =	vld [tilespmem:s19+$0xFFFFFFD0]  }
0x7e: {  	v14 =	vld [tilespmem:s19+$0xFFFFFFE0]  }
0x7f: {  	v18 =	vld [tilespmem:s19+$0xFFFFFFF0]  }
0x80: {  	v19 =	vld [tilespmem:s19+$0x0]  }
0x81: {  	v9 =	vmul.f32 v9, v11;
	v11 =	vld [tilespmem:s19+$0x10]  }
0x82: {  	v6 =	vmul.f32 v10, v6;
	v10 =	vld [tilespmem:s19+$0x20]  }
.Ltmp1:
0x83: {  	[tilespmem:v13+s13+$0x0] =	vst.idx.add.f32.msk $0xffff, v9;
	v7 =	vmul.f32 v14, v7;
	(pc) =	sbr.rel @p0 .LBB2_4-.Ltmp1, $4  }
0x84: {  	[tilespmem:v12+s13+$0x0] =	vst.idx.add.f32.msk $0xffff, v6;
	v6 =	vmul.f32 v18, v8  }
0x85: {  	[tilespmem:v15+s13+$0x0] =	vst.idx.add.f32.msk $0xffff, v7;
	v7 =	vmul.f32 v19, v3  }
0x86: {  	[tilespmem:v16+s13+$0x0] =	vst.idx.add.f32.msk $0xffff, v6;
	v3 =	vmul.f32 v11, v4  }
0x87: {  	s21 =	sadd.s32 $0x80, s21;
	[tilespmem:v17+s13+$0x0] =	vst.idx.add.f32.msk $0xffff, v7;
	v4 =	vmul.f32 v10, v5  }
0x88: {  	_ =	sdelay $0x3  }
0x89: {  	[tilespmem:v1+s13+$0x0] =	vst.idx.add.f32.msk $0xffff, v3  }
0x8a: {  	[tilespmem:v2+s13+$0x0] =	vst.idx.add.f32.msk $0xffff, v4  }
0x8b: {  	v1 =	vld [tilespmem:$0x2700];
	_ =	sdelay $0x4  }
0x8c: {  	v2 =	vand.u32 $0xFFFF, v1;
	_ =	sdelay $0x3  }
0x8d: {  	v3 =	vld [tilespmem:$0x9D80]  }
0x8e: {  	v2 =	vld.idx.msk [tilespmem:v2+s8+$0x0], $0xffff;
	_ =	sdelay $0x1  }
0x8f: {  	v1 =	vshrl.u32 v1, $0x10;
	_ =	sdelay $0x2  }
0x90: {  	v2 =	vmul.f32 v3, v2;
	_ =	sdelay $0x1  }
0x91: {  	[tilespmem:v1+s13+$0x0] =	vst.idx.add.f32.msk $0xffff, v2  }
0x92: {  	_ =	swait.ge [sflag:s14], $0x2710  }
0x93: {  	[sflag:s14] =	ssyncset.done $0x0  }
0x94: {  	[sflag:s14] =	ssyncadd.s32 $0xFFFFD8F0  }
0x95: {  	_ =	swait.ge [sflag:s14], $0x2710  }
0x96: {  	[sflag:s14] =	ssyncset.done $0x0  }
0x97: {  	s19 =	rddreg [dreg:$0x5];
	[sflag:s14] =	ssyncadd.s32 $0xFFFFD8F0  }
0x98: {  	[tilespmem:s15], [sflag:$0x3] =	stream.linear.gather [hbm4b:s19+s1], $0x2710, $0x38;
	[tilespmem:$0x13C00] =	vst v63  }
0x99: {  	s21 =	simm.s32 $0x27C0;
	s20 =	rddreg [dreg:$0x6]  }
0x9a: {  	[tilespmem:s16], [sflag:$0x3] =	stream.linear.gather [hbm4b:s20+s1], $0x2710, $0x38;
	[tilespmem:$0x13C00] =	vst v63  }
0x9b: {  	v1 =	vld [tilespmem:s21+$0x30]  }
0x9c: {  	v2 =	vld [tilespmem:s21+$0xFFFFFFD0]  }
0x9d: {  	v3 =	vld [tilespmem:s21+$0xFFFFFFE0]  }
0x9e: {  	v4 =	vld [tilespmem:s21+$0xFFFFFFF0]  }
0x9f: {  	v5 =	vld [tilespmem:s21+$0x0]  }
0xa0: {  	v7 =	vld [tilespmem:s21+$0x10]  }
0xa1: {  	v9 =	vld [tilespmem:s21+$0xFFFFFFC0]  }
0xa2: {  	s19 =	simm.s32 $0x9E40;
	v11 =	vld [tilespmem:s21+$0x20];
	v6 =	vand.u32 $0xFFFF, v1  }
0xa3: {  	v15 =	vld [tilespmem:s19+$0x30]  }
0xa4: {  	v59 =	vld [tilespmem:s19+$0xFFFFFFD0]  }
0xa5: {  	v60 =	vld [tilespmem:s19+$0xFFFFFFE0]  }
0xa6: {  	v18 =	vld [tilespmem:s19+$0xFFFFFFF0];
	v8 =	vand.u32 $0xFFFF, v2  }
0xa7: {  	v13 =	vand.u32 $0xFFFF, v5;
	v6 =	vld.idx.msk [tilespmem:v6+s8+$0x0], $0xffff  }
0xa8: {  	v19 =	vld [tilespmem:s19+$0x0];
	v16 =	vand.u32 $0xFFFF, v9  }
0xa9: {  	v61 =	vld [tilespmem:s19+$0x10];
	v1 =	vshrl.u32 v1, $0x10  }
0xaa: {  	v62 =	vld [tilespmem:s19+$0x20]  }
0xab: {  	v12 =	vand.u32 $0xFFFF, v4;
	v8 =	vld.idx.msk [tilespmem:v8+s8+$0x0], $0xffff  }
0xac: {  	v10 =	vand.u32 $0xFFFF, v3;
	v13 =	vld.idx.msk [tilespmem:v13+s8+$0x0], $0xffff;
	v6 =	vmul.f32 v15, v6  }
0xad: {  	v14 =	vand.u32 $0xFFFF, v7;
	v58 =	vld.idx.msk [tilespmem:v16+s8+$0x0], $0xffff  }
0xae: {  	v17 =	vand.u32 $0xFFFF, v11;
	[tilespmem:v1+s13+$0x0] =	vst.idx.add.f32.msk $0xffff, v6  }
0xaf: {  	v2 =	vshrl.u32 v2, $0x10;
	v1 =	vld [tilespmem:s19+$0xFFFFFFC0]  }
0xb0: {  	v5 =	vshrl.u32 v5, $0x10;
	v12 =	vld.idx.msk [tilespmem:v12+s8+$0x0], $0xffff  }
0xb1: {  	v9 =	vshrl.u32 v9, $0x10;
	v10 =	vld.idx.msk [tilespmem:v10+s8+$0x0], $0xffff  }
0xb2: {  	v4 =	vshrl.u32 v4, $0x10;
	v14 =	vld.idx.msk [tilespmem:v14+s8+$0x0], $0xffff;
	v8 =	vmul.f32 v59, v8  }
0xb3: {  	v3 =	vshrl.u32 v3, $0x10;
	v63 =	vmul.f32 v19, v13;
	v6 =	vld.idx.msk [tilespmem:v17+s8+$0x0], $0xffff  }
0xb4: {  	[tilespmem:v2+s13+$0x0] =	vst.idx.add.f32.msk $0xffff, v8;
	v1 =	vmul.f32 v1, v58  }
0xb5: {  	v2 =	vmul.f32 v18, v12;
	[tilespmem:v5+s13+$0x0] =	vst.idx.add.f32.msk $0xffff, v63  }
0xb6: {  	[tilespmem:v9+s13+$0x0] =	vst.idx.add.f32.msk $0xffff, v1;
	v1 =	vmul.f32 v60, v10  }
0xb7: {  	[tilespmem:v4+s13+$0x0] =	vst.idx.add.f32.msk $0xffff, v2;
	v2 =	vshrl.u32 v11, $0x10  }
0xb8: {  	s20 =	simm.s32 $0x0;
	s21 =	simm.s32 $0x2840;
	v4 =	vmul.f32 v62, v6;
	[tilespmem:v3+s13+$0x0] =	vst.idx.add.f32.msk $0xffff, v1;
	v1 =	vshrl.u32 v7, $0x10;
	v3 =	vmul.f32 v61, v14  }
.LBB2_6:
0xb9: {  	v5 =	vld [tilespmem:s21+$0x30];
	s20 =	sadd.s32 $0x8, s20  }
0xba: {  	v6 =	vld [tilespmem:s21+$0xFFFFFFD0];
	p0 =	slt.u32 s20, $0x268  }
0xbb: {  	v7 =	vld [tilespmem:s21+$0xFFFFFFE0]  }
0xbc: {  	v8 =	vld [tilespmem:s21+$0xFFFFFFF0]  }
0xbd: {  	v9 =	vld [tilespmem:s21+$0x0]  }
0xbe: {  	v10 =	vld [tilespmem:s21+$0x10];
	v11 =	vand.u32 $0xFFFF, v5  }
0xbf: {  	v12 =	vshrl.u32 v6, $0x10;
	v6 =	vand.u32 $0xFFFF, v6;
	v13 =	vld [tilespmem:s21+$0x20]  }
0xc0: {  	v14 =	vld [tilespmem:s21+$0xFFFFFFC0];
	v15 =	vshrl.u32 v7, $0x10;
	v7 =	vand.u32 $0xFFFF, v7  }
0xc1: {  	v16 =	vshrl.u32 v8, $0x10;
	v8 =	vand.u32 $0xFFFF, v8;
	[tilespmem:v1+s13+$0x0] =	vst.idx.add.f32.msk $0xffff, v3  }
0xc2: {  	v17 =	vshrl.u32 v9, $0x10;
	v3 =	vand.u32 $0xFFFF, v9;
	[tilespmem:v2+s13+$0x0] =	vst.idx.add.f32.msk $0xffff, v4  }
0xc3: {  	s19 =	sadd.s32 $0x80, s19;
	v1 =	vshrl.u32 v10, $0x10;
	v4 =	vand.u32 $0xFFFF, v10;
	v9 =	vld.idx.msk [tilespmem:v11+s8+$0x0], $0xffff  }
0xc4: {  	v2 =	vshrl.u32 v13, $0x10;
	v10 =	vand.u32 $0xFFFF, v13;
	v11 =	vld [tilespmem:s19+$0x30]  }
0xc5: {  	v13 =	vshrl.u32 v14, $0x10;
	v14 =	vand.u32 $0xFFFF, v14;
	v6 =	vld.idx.msk [tilespmem:v6+s8+$0x0], $0xffff  }
0xc6: {  	v5 =	vshrl.u32 v5, $0x10;
	v7 =	vld.idx.msk [tilespmem:v7+s8+$0x0], $0xffff  }
0xc7: {  	v8 =	vld.idx.msk [tilespmem:v8+s8+$0x0], $0xffff  }
0xc8: {  	v3 =	vld.idx.msk [tilespmem:v3+s8+$0x0], $0xffff  }
0xc9: {  	v4 =	vld.idx.msk [tilespmem:v4+s8+$0x0], $0xffff;
	v9 =	vmul.f32 v11, v9  }
0xca: {  	v11 =	vld.idx.msk [tilespmem:v14+s8+$0x0], $0xffff  }
0xcb: {  	[tilespmem:v5+s13+$0x0] =	vst.idx.add.f32.msk $0xffff, v9  }
0xcc: {  	v5 =	vld.idx.msk [tilespmem:v10+s8+$0x0], $0xffff  }
0xcd: {  	v9 =	vld [tilespmem:s19+$0xFFFFFFC0]  }
0xce: {  	v10 =	vld [tilespmem:s19+$0xFFFFFFD0]  }
0xcf: {  	v14 =	vld [tilespmem:s19+$0xFFFFFFE0]  }
0xd0: {  	v18 =	vld [tilespmem:s19+$0xFFFFFFF0]  }
0xd1: {  	v19 =	vld [tilespmem:s19+$0x0]  }
0xd2: {  	v9 =	vmul.f32 v9, v11;
	v11 =	vld [tilespmem:s19+$0x10]  }
0xd3: {  	v6 =	vmul.f32 v10, v6;
	v10 =	vld [tilespmem:s19+$0x20]  }
.Ltmp2:
0xd4: {  	[tilespmem:v13+s13+$0x0] =	vst.idx.add.f32.msk $0xffff, v9;
	v7 =	vmul.f32 v14, v7;
	(pc) =	sbr.rel @p0 .LBB2_6-.Ltmp2, $4  }
0xd5: {  	[tilespmem:v12+s13+$0x0] =	vst.idx.add.f32.msk $0xffff, v6;
	v6 =	vmul.f32 v18, v8  }
0xd6: {  	[tilespmem:v15+s13+$0x0] =	vst.idx.add.f32.msk $0xffff, v7;
	v7 =	vmul.f32 v19, v3  }
0xd7: {  	[tilespmem:v16+s13+$0x0] =	vst.idx.add.f32.msk $0xffff, v6;
	v3 =	vmul.f32 v11, v4  }
0xd8: {  	s21 =	sadd.s32 $0x80, s21;
	[tilespmem:v17+s13+$0x0] =	vst.idx.add.f32.msk $0xffff, v7;
	v4 =	vmul.f32 v10, v5  }
0xd9: {  	_ =	sdelay $0x3  }
0xda: {  	[tilespmem:v1+s13+$0x0] =	vst.idx.add.f32.msk $0xffff, v3  }
0xdb: {  	[tilespmem:v2+s13+$0x0] =	vst.idx.add.f32.msk $0xffff, v4  }
0xdc: {  	v1 =	vld [tilespmem:$0x4E80];
	_ =	sdelay $0x4  }
0xdd: {  	v2 =	vand.u32 $0xFFFF, v1;
	_ =	sdelay $0x3  }
0xde: {  	v3 =	vld [tilespmem:$0xC500]  }
0xdf: {  	v2 =	vld.idx.msk [tilespmem:v2+s8+$0x0], $0xffff;
	_ =	sdelay $0x1  }
0xe0: {  	v1 =	vshrl.u32 v1, $0x10;
	_ =	sdelay $0x2  }
0xe1: {  	v2 =	vmul.f32 v3, v2;
	_ =	sdelay $0x1  }
0xe2: {  	[tilespmem:v1+s13+$0x0] =	vst.idx.add.f32.msk $0xffff, v2  }
0xe3: {  	_ =	swait.ge [sflag:s17], $0x2710  }
0xe4: {  	[sflag:s17] =	ssyncset.done $0x0  }
0xe5: {  	[sflag:s17] =	ssyncadd.s32 $0xFFFFD8F0  }
0xe6: {  	_ =	swait.ge [sflag:s17], $0x2710  }
0xe7: {  	[sflag:s17] =	ssyncset.done $0x0  }
0xe8: {  	s19 =	rddreg [dreg:$0x7];
	[sflag:s17] =	ssyncadd.s32 $0xFFFFD8F0  }
0xe9: {  	[tilespmem:s1], [sflag:$0x1] =	stream.linear.gather [hbm4b:s19+s1], $0x2710, $0x38;
	[tilespmem:$0x13C00] =	vst v63  }
0xea: {  	s21 =	simm.s32 $0x4F40;
	s20 =	rddreg [dreg:$0x8]  }
0xeb: {  	[tilespmem:s7], [sflag:$0x1] =	stream.linear.gather [hbm4b:s20+s1], $0x2710, $0x38;
	[tilespmem:$0x13C00] =	vst v63  }
0xec: {  	v1 =	vld [tilespmem:s21+$0x30]  }
0xed: {  	v2 =	vld [tilespmem:s21+$0xFFFFFFD0]  }
0xee: {  	v3 =	vld [tilespmem:s21+$0xFFFFFFE0]  }
0xef: {  	v4 =	vld [tilespmem:s21+$0xFFFFFFF0]  }
0xf0: {  	v5 =	vld [tilespmem:s21+$0x0]  }
0xf1: {  	v7 =	vld [tilespmem:s21+$0x10]  }
0xf2: {  	v9 =	vld [tilespmem:s21+$0xFFFFFFC0]  }
0xf3: {  	s19 =	simm.s32 $0xC5C0;
	v11 =	vld [tilespmem:s21+$0x20];
	v6 =	vand.u32 $0xFFFF, v1  }
0xf4: {  	v15 =	vld [tilespmem:s19+$0x30]  }
0xf5: {  	v59 =	vld [tilespmem:s19+$0xFFFFFFD0]  }
0xf6: {  	v60 =	vld [tilespmem:s19+$0xFFFFFFE0]  }
0xf7: {  	v18 =	vld [tilespmem:s19+$0xFFFFFFF0];
	v8 =	vand.u32 $0xFFFF, v2  }
0xf8: {  	v13 =	vand.u32 $0xFFFF, v5;
	v6 =	vld.idx.msk [tilespmem:v6+s8+$0x0], $0xffff  }
0xf9: {  	v19 =	vld [tilespmem:s19+$0x0];
	v16 =	vand.u32 $0xFFFF, v9  }
0xfa: {  	v61 =	vld [tilespmem:s19+$0x10];
	v1 =	vshrl.u32 v1, $0x10  }
0xfb: {  	v62 =	vld [tilespmem:s19+$0x20]  }
0xfc: {  	v12 =	vand.u32 $0xFFFF, v4;
	v8 =	vld.idx.msk [tilespmem:v8+s8+$0x0], $0xffff  }
0xfd: {  	v10 =	vand.u32 $0xFFFF, v3;
	v13 =	vld.idx.msk [tilespmem:v13+s8+$0x0], $0xffff;
	v6 =	vmul.f32 v15, v6  }
0xfe: {  	v14 =	vand.u32 $0xFFFF, v7;
	v58 =	vld.idx.msk [tilespmem:v16+s8+$0x0], $0xffff  }
0xff: {  	v17 =	vand.u32 $0xFFFF, v11;
	[tilespmem:v1+s13+$0x0] =	vst.idx.add.f32.msk $0xffff, v6  }
0x100: {  	v2 =	vshrl.u32 v2, $0x10;
	v1 =	vld [tilespmem:s19+$0xFFFFFFC0]  }
0x101: {  	v5 =	vshrl.u32 v5, $0x10;
	v12 =	vld.idx.msk [tilespmem:v12+s8+$0x0], $0xffff  }
0x102: {  	v9 =	vshrl.u32 v9, $0x10;
	v10 =	vld.idx.msk [tilespmem:v10+s8+$0x0], $0xffff  }
0x103: {  	v4 =	vshrl.u32 v4, $0x10;
	v14 =	vld.idx.msk [tilespmem:v14+s8+$0x0], $0xffff;
	v8 =	vmul.f32 v59, v8  }
0x104: {  	v3 =	vshrl.u32 v3, $0x10;
	v63 =	vmul.f32 v19, v13;
	v6 =	vld.idx.msk [tilespmem:v17+s8+$0x0], $0xffff  }
0x105: {  	[tilespmem:v2+s13+$0x0] =	vst.idx.add.f32.msk $0xffff, v8;
	v1 =	vmul.f32 v1, v58  }
0x106: {  	v2 =	vmul.f32 v18, v12;
	[tilespmem:v5+s13+$0x0] =	vst.idx.add.f32.msk $0xffff, v63  }
0x107: {  	[tilespmem:v9+s13+$0x0] =	vst.idx.add.f32.msk $0xffff, v1;
	v1 =	vmul.f32 v60, v10  }
0x108: {  	[tilespmem:v4+s13+$0x0] =	vst.idx.add.f32.msk $0xffff, v2;
	v2 =	vshrl.u32 v11, $0x10  }
0x109: {  	s20 =	simm.s32 $0x0;
	s21 =	simm.s32 $0x4FC0;
	v4 =	vmul.f32 v62, v6;
	[tilespmem:v3+s13+$0x0] =	vst.idx.add.f32.msk $0xffff, v1;
	v1 =	vshrl.u32 v7, $0x10;
	v3 =	vmul.f32 v61, v14  }
.LBB2_8:
0x10a: {  	v5 =	vld [tilespmem:s21+$0x30];
	s20 =	sadd.s32 $0x8, s20  }
0x10b: {  	v6 =	vld [tilespmem:s21+$0xFFFFFFD0];
	p0 =	slt.u32 s20, $0x268  }
0x10c: {  	v7 =	vld [tilespmem:s21+$0xFFFFFFE0]  }
0x10d: {  	v8 =	vld [tilespmem:s21+$0xFFFFFFF0]  }
0x10e: {  	v9 =	vld [tilespmem:s21+$0x0]  }
0x10f: {  	v10 =	vld [tilespmem:s21+$0x10];
	v11 =	vand.u32 $0xFFFF, v5  }
0x110: {  	v12 =	vshrl.u32 v6, $0x10;
	v6 =	vand.u32 $0xFFFF, v6;
	v13 =	vld [tilespmem:s21+$0x20]  }
0x111: {  	v14 =	vld [tilespmem:s21+$0xFFFFFFC0];
	v15 =	vshrl.u32 v7, $0x10;
	v7 =	vand.u32 $0xFFFF, v7  }
0x112: {  	v16 =	vshrl.u32 v8, $0x10;
	v8 =	vand.u32 $0xFFFF, v8;
	[tilespmem:v1+s13+$0x0] =	vst.idx.add.f32.msk $0xffff, v3  }
0x113: {  	v17 =	vshrl.u32 v9, $0x10;
	v3 =	vand.u32 $0xFFFF, v9;
	[tilespmem:v2+s13+$0x0] =	vst.idx.add.f32.msk $0xffff, v4  }
0x114: {  	s19 =	sadd.s32 $0x80, s19;
	v1 =	vshrl.u32 v10, $0x10;
	v4 =	vand.u32 $0xFFFF, v10;
	v9 =	vld.idx.msk [tilespmem:v11+s8+$0x0], $0xffff  }
0x115: {  	v2 =	vshrl.u32 v13, $0x10;
	v10 =	vand.u32 $0xFFFF, v13;
	v11 =	vld [tilespmem:s19+$0x30]  }
0x116: {  	v13 =	vshrl.u32 v14, $0x10;
	v14 =	vand.u32 $0xFFFF, v14;
	v6 =	vld.idx.msk [tilespmem:v6+s8+$0x0], $0xffff  }
0x117: {  	v5 =	vshrl.u32 v5, $0x10;
	v7 =	vld.idx.msk [tilespmem:v7+s8+$0x0], $0xffff  }
0x118: {  	v8 =	vld.idx.msk [tilespmem:v8+s8+$0x0], $0xffff  }
0x119: {  	v3 =	vld.idx.msk [tilespmem:v3+s8+$0x0], $0xffff  }
0x11a: {  	v4 =	vld.idx.msk [tilespmem:v4+s8+$0x0], $0xffff;
	v9 =	vmul.f32 v11, v9  }
0x11b: {  	v11 =	vld.idx.msk [tilespmem:v14+s8+$0x0], $0xffff  }
0x11c: {  	[tilespmem:v5+s13+$0x0] =	vst.idx.add.f32.msk $0xffff, v9  }
0x11d: {  	v5 =	vld.idx.msk [tilespmem:v10+s8+$0x0], $0xffff  }
0x11e: {  	v9 =	vld [tilespmem:s19+$0xFFFFFFC0]  }
0x11f: {  	v10 =	vld [tilespmem:s19+$0xFFFFFFD0]  }
0x120: {  	v14 =	vld [tilespmem:s19+$0xFFFFFFE0]  }
0x121: {  	v18 =	vld [tilespmem:s19+$0xFFFFFFF0]  }
0x122: {  	v19 =	vld [tilespmem:s19+$0x0]  }
0x123: {  	v9 =	vmul.f32 v9, v11;
	v11 =	vld [tilespmem:s19+$0x10]  }
0x124: {  	v6 =	vmul.f32 v10, v6;
	v10 =	vld [tilespmem:s19+$0x20]  }
.Ltmp3:
0x125: {  	[tilespmem:v13+s13+$0x0] =	vst.idx.add.f32.msk $0xffff, v9;
	v7 =	vmul.f32 v14, v7;
	(pc) =	sbr.rel @p0 .LBB2_8-.Ltmp3, $4  }
0x126: {  	[tilespmem:v12+s13+$0x0] =	vst.idx.add.f32.msk $0xffff, v6;
	v6 =	vmul.f32 v18, v8  }
0x127: {  	[tilespmem:v15+s13+$0x0] =	vst.idx.add.f32.msk $0xffff, v7;
	v7 =	vmul.f32 v19, v3  }
0x128: {  	[tilespmem:v16+s13+$0x0] =	vst.idx.add.f32.msk $0xffff, v6;
	v3 =	vmul.f32 v11, v4  }
0x129: {  	s21 =	sadd.s32 $0x80, s21;
	[tilespmem:v17+s13+$0x0] =	vst.idx.add.f32.msk $0xffff, v7;
	v4 =	vmul.f32 v10, v5  }
0x12a: {  	_ =	sdelay $0x3  }
0x12b: {  	[tilespmem:v1+s13+$0x0] =	vst.idx.add.f32.msk $0xffff, v3  }
0x12c: {  	[tilespmem:v2+s13+$0x0] =	vst.idx.add.f32.msk $0xffff, v4  }
0x12d: {  	v1 =	vld [tilespmem:$0x7600];
	_ =	sdelay $0x4  }
0x12e: {  	v2 =	vand.u32 $0xFFFF, v1;
	_ =	sdelay $0x3  }
0x12f: {  	v3 =	vld [tilespmem:$0xEC80]  }
0x130: {  	v2 =	vld.idx.msk [tilespmem:v2+s8+$0x0], $0xffff;
	_ =	sdelay $0x1  }
0x131: {  	v1 =	vshrl.u32 v1, $0x10;
	_ =	sdelay $0x2  }
0x132: {  	v2 =	vmul.f32 v3, v2;
	_ =	sdelay $0x1  }
0x133: {  	[tilespmem:v1+s13+$0x0] =	vst.idx.add.f32.msk $0xffff, v2  }
0x134: {  	_ =	swait.ge [sflag:s10], $0x2710  }
0x135: {  	[sflag:s10] =	ssyncset.done $0x0  }
0x136: {  	[sflag:s10] =	ssyncadd.s32 $0xFFFFD8F0  }
0x137: {  	_ =	swait.ge [sflag:s10], $0x2710  }
0x138: {  	[sflag:s10] =	ssyncset.done $0x0  }
0x139: {  	s19 =	rddreg [dreg:$0x9];
	[sflag:s10] =	ssyncadd.s32 $0xFFFFD8F0  }
0x13a: {  	[tilespmem:s11], [sflag:$0x2] =	stream.linear.gather [hbm4b:s19+s1], $0x2710, $0x38;
	[tilespmem:$0x13C00] =	vst v63  }
0x13b: {  	s21 =	simm.s32 $0x40;
	s20 =	rddreg [dreg:$0xa]  }
0x13c: {  	[tilespmem:s12], [sflag:$0x2] =	stream.linear.gather [hbm4b:s20+s1], $0x2710, $0x38;
	[tilespmem:$0x13C00] =	vst v63  }
0x13d: {  	v1 =	vld [tilespmem:s21+$0x30]  }
0x13e: {  	v2 =	vld [tilespmem:s21+$0xFFFFFFD0]  }
0x13f: {  	v3 =	vld [tilespmem:s21+$0xFFFFFFE0]  }
0x140: {  	v4 =	vld [tilespmem:s21+$0xFFFFFFF0]  }
0x141: {  	v5 =	vld [tilespmem:s21+$0x0]  }
0x142: {  	v7 =	vld [tilespmem:s21+$0x10]  }
0x143: {  	v9 =	vld [tilespmem:s21+$0xFFFFFFC0]  }
0x144: {  	s19 =	simm.s32 $0x76C0;
	v11 =	vld [tilespmem:s21+$0x20];
	v6 =	vand.u32 $0xFFFF, v1  }
0x145: {  	v15 =	vld [tilespmem:s19+$0x30]  }
0x146: {  	v59 =	vld [tilespmem:s19+$0xFFFFFFD0]  }
0x147: {  	v60 =	vld [tilespmem:s19+$0xFFFFFFE0]  }
0x148: {  	v18 =	vld [tilespmem:s19+$0xFFFFFFF0];
	v8 =	vand.u32 $0xFFFF, v2  }
0x149: {  	v13 =	vand.u32 $0xFFFF, v5;
	v6 =	vld.idx.msk [tilespmem:v6+s8+$0x0], $0xffff  }
0x14a: {  	v19 =	vld [tilespmem:s19+$0x0];
	v16 =	vand.u32 $0xFFFF, v9  }
0x14b: {  	v61 =	vld [tilespmem:s19+$0x10];
	v1 =	vshrl.u32 v1, $0x10  }
0x14c: {  	v62 =	vld [tilespmem:s19+$0x20]  }
0x14d: {  	v12 =	vand.u32 $0xFFFF, v4;
	v8 =	vld.idx.msk [tilespmem:v8+s8+$0x0], $0xffff  }
0x14e: {  	v10 =	vand.u32 $0xFFFF, v3;
	v13 =	vld.idx.msk [tilespmem:v13+s8+$0x0], $0xffff;
	v6 =	vmul.f32 v15, v6  }
0x14f: {  	v14 =	vand.u32 $0xFFFF, v7;
	v58 =	vld.idx.msk [tilespmem:v16+s8+$0x0], $0xffff  }
0x150: {  	v17 =	vand.u32 $0xFFFF, v11;
	[tilespmem:v1+s13+$0x0] =	vst.idx.add.f32.msk $0xffff, v6  }
0x151: {  	v2 =	vshrl.u32 v2, $0x10;
	v1 =	vld [tilespmem:s19+$0xFFFFFFC0]  }
0x152: {  	v5 =	vshrl.u32 v5, $0x10;
	v12 =	vld.idx.msk [tilespmem:v12+s8+$0x0], $0xffff  }
0x153: {  	v9 =	vshrl.u32 v9, $0x10;
	v10 =	vld.idx.msk [tilespmem:v10+s8+$0x0], $0xffff  }
0x154: {  	v4 =	vshrl.u32 v4, $0x10;
	v14 =	vld.idx.msk [tilespmem:v14+s8+$0x0], $0xffff;
	v8 =	vmul.f32 v59, v8  }
0x155: {  	v3 =	vshrl.u32 v3, $0x10;
	v63 =	vmul.f32 v19, v13;
	v6 =	vld.idx.msk [tilespmem:v17+s8+$0x0], $0xffff  }
0x156: {  	[tilespmem:v2+s13+$0x0] =	vst.idx.add.f32.msk $0xffff, v8;
	v1 =	vmul.f32 v1, v58  }
0x157: {  	v2 =	vmul.f32 v18, v12;
	[tilespmem:v5+s13+$0x0] =	vst.idx.add.f32.msk $0xffff, v63  }
0x158: {  	[tilespmem:v9+s13+$0x0] =	vst.idx.add.f32.msk $0xffff, v1;
	v1 =	vmul.f32 v60, v10  }
0x159: {  	[tilespmem:v4+s13+$0x0] =	vst.idx.add.f32.msk $0xffff, v2;
	v2 =	vshrl.u32 v11, $0x10  }
0x15a: {  	s20 =	simm.s32 $0x0;
	s21 =	simm.s32 $0xC0;
	v4 =	vmul.f32 v62, v6;
	[tilespmem:v3+s13+$0x0] =	vst.idx.add.f32.msk $0xffff, v1;
	v1 =	vshrl.u32 v7, $0x10;
	v3 =	vmul.f32 v61, v14  }
.LBB2_10:
0x15b: {  	v5 =	vld [tilespmem:s21+$0x30];
	s20 =	sadd.s32 $0x8, s20  }
0x15c: {  	v6 =	vld [tilespmem:s21+$0xFFFFFFD0];
	p0 =	slt.u32 s20, $0x268  }
0x15d: {  	v7 =	vld [tilespmem:s21+$0xFFFFFFE0]  }
0x15e: {  	v8 =	vld [tilespmem:s21+$0xFFFFFFF0]  }
0x15f: {  	v9 =	vld [tilespmem:s21+$0x0]  }
0x160: {  	v10 =	vld [tilespmem:s21+$0x10];
	v11 =	vand.u32 $0xFFFF, v5  }
0x161: {  	v12 =	vshrl.u32 v6, $0x10;
	v6 =	vand.u32 $0xFFFF, v6;
	v13 =	vld [tilespmem:s21+$0x20]  }
0x162: {  	v14 =	vld [tilespmem:s21+$0xFFFFFFC0];
	v15 =	vshrl.u32 v7, $0x10;
	v7 =	vand.u32 $0xFFFF, v7  }
0x163: {  	v16 =	vshrl.u32 v8, $0x10;
	v8 =	vand.u32 $0xFFFF, v8;
	[tilespmem:v1+s13+$0x0] =	vst.idx.add.f32.msk $0xffff, v3  }
0x164: {  	v17 =	vshrl.u32 v9, $0x10;
	v3 =	vand.u32 $0xFFFF, v9;
	[tilespmem:v2+s13+$0x0] =	vst.idx.add.f32.msk $0xffff, v4  }
0x165: {  	s19 =	sadd.s32 $0x80, s19;
	v1 =	vshrl.u32 v10, $0x10;
	v4 =	vand.u32 $0xFFFF, v10;
	v9 =	vld.idx.msk [tilespmem:v11+s8+$0x0], $0xffff  }
0x166: {  	v2 =	vshrl.u32 v13, $0x10;
	v10 =	vand.u32 $0xFFFF, v13;
	v11 =	vld [tilespmem:s19+$0x30]  }
0x167: {  	v13 =	vshrl.u32 v14, $0x10;
	v14 =	vand.u32 $0xFFFF, v14;
	v6 =	vld.idx.msk [tilespmem:v6+s8+$0x0], $0xffff  }
0x168: {  	v5 =	vshrl.u32 v5, $0x10;
	v7 =	vld.idx.msk [tilespmem:v7+s8+$0x0], $0xffff  }
0x169: {  	v8 =	vld.idx.msk [tilespmem:v8+s8+$0x0], $0xffff  }
0x16a: {  	v3 =	vld.idx.msk [tilespmem:v3+s8+$0x0], $0xffff  }
0x16b: {  	v4 =	vld.idx.msk [tilespmem:v4+s8+$0x0], $0xffff;
	v9 =	vmul.f32 v11, v9  }
0x16c: {  	v11 =	vld.idx.msk [tilespmem:v14+s8+$0x0], $0xffff  }
0x16d: {  	[tilespmem:v5+s13+$0x0] =	vst.idx.add.f32.msk $0xffff, v9  }
0x16e: {  	v5 =	vld.idx.msk [tilespmem:v10+s8+$0x0], $0xffff  }
0x16f: {  	v9 =	vld [tilespmem:s19+$0xFFFFFFC0]  }
0x170: {  	v10 =	vld [tilespmem:s19+$0xFFFFFFD0]  }
0x171: {  	v14 =	vld [tilespmem:s19+$0xFFFFFFE0]  }
0x172: {  	v18 =	vld [tilespmem:s19+$0xFFFFFFF0]  }
0x173: {  	v19 =	vld [tilespmem:s19+$0x0]  }
0x174: {  	v9 =	vmul.f32 v9, v11;
	v11 =	vld [tilespmem:s19+$0x10]  }
0x175: {  	v6 =	vmul.f32 v10, v6;
	v10 =	vld [tilespmem:s19+$0x20]  }
.Ltmp4:
0x176: {  	[tilespmem:v13+s13+$0x0] =	vst.idx.add.f32.msk $0xffff, v9;
	v7 =	vmul.f32 v14, v7;
	(pc) =	sbr.rel @p0 .LBB2_10-.Ltmp4, $4  }
0x177: {  	[tilespmem:v12+s13+$0x0] =	vst.idx.add.f32.msk $0xffff, v6;
	v6 =	vmul.f32 v18, v8  }
0x178: {  	[tilespmem:v15+s13+$0x0] =	vst.idx.add.f32.msk $0xffff, v7;
	v7 =	vmul.f32 v19, v3  }
0x179: {  	[tilespmem:v16+s13+$0x0] =	vst.idx.add.f32.msk $0xffff, v6;
	v3 =	vmul.f32 v11, v4  }
0x17a: {  	s21 =	sadd.s32 $0x80, s21;
	[tilespmem:v17+s13+$0x0] =	vst.idx.add.f32.msk $0xffff, v7;
	v4 =	vmul.f32 v10, v5  }
0x17b: {  	_ =	sdelay $0x3  }
0x17c: {  	[tilespmem:v1+s13+$0x0] =	vst.idx.add.f32.msk $0xffff, v3  }
0x17d: {  	[tilespmem:v2+s13+$0x0] =	vst.idx.add.f32.msk $0xffff, v4  }
0x17e: {  	v1 =	vld [tilespmem:$0x2700];
	_ =	sdelay $0x4  }
0x17f: {  	v2 =	vand.u32 $0xFFFF, v1;
	_ =	sdelay $0x3  }
0x180: {  	v3 =	vld [tilespmem:$0x9D80]  }
0x181: {  	v2 =	vld.idx.msk [tilespmem:v2+s8+$0x0], $0xffff;
	_ =	sdelay $0x1  }
0x182: {  	v1 =	vshrl.u32 v1, $0x10;
	_ =	sdelay $0x2  }
0x183: {  	v2 =	vmul.f32 v3, v2;
	_ =	sdelay $0x1  }
0x184: {  	[tilespmem:v1+s13+$0x0] =	vst.idx.add.f32.msk $0xffff, v2  }
0x185: {  	_ =	swait.ge [sflag:s14], $0x2710  }
0x186: {  	[sflag:s14] =	ssyncset.done $0x0  }
0x187: {  	[sflag:s14] =	ssyncadd.s32 $0xFFFFD8F0  }
0x188: {  	_ =	swait.ge [sflag:s14], $0x2710  }
0x189: {  	[sflag:s14] =	ssyncset.done $0x0  }
0x18a: {  	s19 =	rddreg [dreg:$0xb];
	[sflag:s14] =	ssyncadd.s32 $0xFFFFD8F0  }
0x18b: {  	[tilespmem:s15], [sflag:$0x3] =	stream.linear.gather [hbm4b:s19+s1], $0x2710, $0x38;
	[tilespmem:$0x13C00] =	vst v63  }
0x18c: {  	s21 =	simm.s32 $0x27C0;
	s20 =	rddreg [dreg:$0xc]  }
0x18d: {  	[tilespmem:s16], [sflag:$0x3] =	stream.linear.gather [hbm4b:s20+s1], $0x2710, $0x38;
	[tilespmem:$0x13C00] =	vst v63  }
0x18e: {  	v1 =	vld [tilespmem:s21+$0x30]  }
0x18f: {  	v2 =	vld [tilespmem:s21+$0xFFFFFFD0]  }
0x190: {  	v3 =	vld [tilespmem:s21+$0xFFFFFFE0]  }
0x191: {  	v4 =	vld [tilespmem:s21+$0xFFFFFFF0]  }
0x192: {  	v5 =	vld [tilespmem:s21+$0x0]  }
0x193: {  	v7 =	vld [tilespmem:s21+$0x10]  }
0x194: {  	v9 =	vld [tilespmem:s21+$0xFFFFFFC0]  }
0x195: {  	s19 =	simm.s32 $0x9E40;
	v11 =	vld [tilespmem:s21+$0x20];
	v6 =	vand.u32 $0xFFFF, v1  }
0x196: {  	v15 =	vld [tilespmem:s19+$0x30]  }
0x197: {  	v59 =	vld [tilespmem:s19+$0xFFFFFFD0]  }
0x198: {  	v60 =	vld [tilespmem:s19+$0xFFFFFFE0]  }
0x199: {  	v18 =	vld [tilespmem:s19+$0xFFFFFFF0];
	v8 =	vand.u32 $0xFFFF, v2  }
0x19a: {  	v13 =	vand.u32 $0xFFFF, v5;
	v6 =	vld.idx.msk [tilespmem:v6+s8+$0x0], $0xffff  }
0x19b: {  	v19 =	vld [tilespmem:s19+$0x0];
	v16 =	vand.u32 $0xFFFF, v9  }
0x19c: {  	v61 =	vld [tilespmem:s19+$0x10];
	v1 =	vshrl.u32 v1, $0x10  }
0x19d: {  	v62 =	vld [tilespmem:s19+$0x20]  }
0x19e: {  	v12 =	vand.u32 $0xFFFF, v4;
	v8 =	vld.idx.msk [tilespmem:v8+s8+$0x0], $0xffff  }
0x19f: {  	v10 =	vand.u32 $0xFFFF, v3;
	v13 =	vld.idx.msk [tilespmem:v13+s8+$0x0], $0xffff;
	v6 =	vmul.f32 v15, v6  }
0x1a0: {  	v14 =	vand.u32 $0xFFFF, v7;
	v58 =	vld.idx.msk [tilespmem:v16+s8+$0x0], $0xffff  }
0x1a1: {  	v17 =	vand.u32 $0xFFFF, v11;
	[tilespmem:v1+s13+$0x0] =	vst.idx.add.f32.msk $0xffff, v6  }
0x1a2: {  	v2 =	vshrl.u32 v2, $0x10;
	v1 =	vld [tilespmem:s19+$0xFFFFFFC0]  }
0x1a3: {  	v5 =	vshrl.u32 v5, $0x10;
	v12 =	vld.idx.msk [tilespmem:v12+s8+$0x0], $0xffff  }
0x1a4: {  	v9 =	vshrl.u32 v9, $0x10;
	v10 =	vld.idx.msk [tilespmem:v10+s8+$0x0], $0xffff  }
0x1a5: {  	v4 =	vshrl.u32 v4, $0x10;
	v14 =	vld.idx.msk [tilespmem:v14+s8+$0x0], $0xffff;
	v8 =	vmul.f32 v59, v8  }
0x1a6: {  	v3 =	vshrl.u32 v3, $0x10;
	v63 =	vmul.f32 v19, v13;
	v6 =	vld.idx.msk [tilespmem:v17+s8+$0x0], $0xffff  }
0x1a7: {  	[tilespmem:v2+s13+$0x0] =	vst.idx.add.f32.msk $0xffff, v8;
	v1 =	vmul.f32 v1, v58  }
0x1a8: {  	v2 =	vmul.f32 v18, v12;
	[tilespmem:v5+s13+$0x0] =	vst.idx.add.f32.msk $0xffff, v63  }
0x1a9: {  	[tilespmem:v9+s13+$0x0] =	vst.idx.add.f32.msk $0xffff, v1;
	v1 =	vmul.f32 v60, v10  }
0x1aa: {  	[tilespmem:v4+s13+$0x0] =	vst.idx.add.f32.msk $0xffff, v2;
	v2 =	vshrl.u32 v11, $0x10  }
0x1ab: {  	s20 =	simm.s32 $0x0;
	s21 =	simm.s32 $0x2840;
	v4 =	vmul.f32 v62, v6;
	[tilespmem:v3+s13+$0x0] =	vst.idx.add.f32.msk $0xffff, v1;
	v1 =	vshrl.u32 v7, $0x10;
	v3 =	vmul.f32 v61, v14  }
.LBB2_12:
0x1ac: {  	v5 =	vld [tilespmem:s21+$0x30];
	s20 =	sadd.s32 $0x8, s20  }
0x1ad: {  	v6 =	vld [tilespmem:s21+$0xFFFFFFD0];
	p0 =	slt.u32 s20, $0x268  }
0x1ae: {  	v7 =	vld [tilespmem:s21+$0xFFFFFFE0]  }
0x1af: {  	v8 =	vld [tilespmem:s21+$0xFFFFFFF0]  }
0x1b0: {  	v9 =	vld [tilespmem:s21+$0x0]  }
0x1b1: {  	v10 =	vld [tilespmem:s21+$0x10];
	v11 =	vand.u32 $0xFFFF, v5  }
0x1b2: {  	v12 =	vshrl.u32 v6, $0x10;
	v6 =	vand.u32 $0xFFFF, v6;
	v13 =	vld [tilespmem:s21+$0x20]  }
0x1b3: {  	v14 =	vld [tilespmem:s21+$0xFFFFFFC0];
	v15 =	vshrl.u32 v7, $0x10;
	v7 =	vand.u32 $0xFFFF, v7  }
0x1b4: {  	v16 =	vshrl.u32 v8, $0x10;
	v8 =	vand.u32 $0xFFFF, v8;
	[tilespmem:v1+s13+$0x0] =	vst.idx.add.f32.msk $0xffff, v3  }
0x1b5: {  	v17 =	vshrl.u32 v9, $0x10;
	v3 =	vand.u32 $0xFFFF, v9;
	[tilespmem:v2+s13+$0x0] =	vst.idx.add.f32.msk $0xffff, v4  }
0x1b6: {  	s19 =	sadd.s32 $0x80, s19;
	v1 =	vshrl.u32 v10, $0x10;
	v4 =	vand.u32 $0xFFFF, v10;
	v9 =	vld.idx.msk [tilespmem:v11+s8+$0x0], $0xffff  }
0x1b7: {  	v2 =	vshrl.u32 v13, $0x10;
	v10 =	vand.u32 $0xFFFF, v13;
	v11 =	vld [tilespmem:s19+$0x30]  }
0x1b8: {  	v13 =	vshrl.u32 v14, $0x10;
	v14 =	vand.u32 $0xFFFF, v14;
	v6 =	vld.idx.msk [tilespmem:v6+s8+$0x0], $0xffff  }
0x1b9: {  	v5 =	vshrl.u32 v5, $0x10;
	v7 =	vld.idx.msk [tilespmem:v7+s8+$0x0], $0xffff  }
0x1ba: {  	v8 =	vld.idx.msk [tilespmem:v8+s8+$0x0], $0xffff  }
0x1bb: {  	v3 =	vld.idx.msk [tilespmem:v3+s8+$0x0], $0xffff  }
0x1bc: {  	v4 =	vld.idx.msk [tilespmem:v4+s8+$0x0], $0xffff;
	v9 =	vmul.f32 v11, v9  }
0x1bd: {  	v11 =	vld.idx.msk [tilespmem:v14+s8+$0x0], $0xffff  }
0x1be: {  	[tilespmem:v5+s13+$0x0] =	vst.idx.add.f32.msk $0xffff, v9  }
0x1bf: {  	v5 =	vld.idx.msk [tilespmem:v10+s8+$0x0], $0xffff  }
0x1c0: {  	v9 =	vld [tilespmem:s19+$0xFFFFFFC0]  }
0x1c1: {  	v10 =	vld [tilespmem:s19+$0xFFFFFFD0]  }
0x1c2: {  	v14 =	vld [tilespmem:s19+$0xFFFFFFE0]  }
0x1c3: {  	v18 =	vld [tilespmem:s19+$0xFFFFFFF0]  }
0x1c4: {  	v19 =	vld [tilespmem:s19+$0x0]  }
0x1c5: {  	v9 =	vmul.f32 v9, v11;
	v11 =	vld [tilespmem:s19+$0x10]  }
0x1c6: {  	v6 =	vmul.f32 v10, v6;
	v10 =	vld [tilespmem:s19+$0x20]  }
.Ltmp5:
0x1c7: {  	[tilespmem:v13+s13+$0x0] =	vst.idx.add.f32.msk $0xffff, v9;
	v7 =	vmul.f32 v14, v7;
	(pc) =	sbr.rel @p0 .LBB2_12-.Ltmp5, $4  }
0x1c8: {  	[tilespmem:v12+s13+$0x0] =	vst.idx.add.f32.msk $0xffff, v6;
	v6 =	vmul.f32 v18, v8  }
0x1c9: {  	[tilespmem:v15+s13+$0x0] =	vst.idx.add.f32.msk $0xffff, v7;
	v7 =	vmul.f32 v19, v3  }
0x1ca: {  	[tilespmem:v16+s13+$0x0] =	vst.idx.add.f32.msk $0xffff, v6;
	v3 =	vmul.f32 v11, v4  }
0x1cb: {  	s21 =	sadd.s32 $0x80, s21;
	[tilespmem:v17+s13+$0x0] =	vst.idx.add.f32.msk $0xffff, v7;
	v4 =	vmul.f32 v10, v5  }
0x1cc: {  	_ =	sdelay $0x3  }
0x1cd: {  	[tilespmem:v1+s13+$0x0] =	vst.idx.add.f32.msk $0xffff, v3  }
0x1ce: {  	[tilespmem:v2+s13+$0x0] =	vst.idx.add.f32.msk $0xffff, v4  }
0x1cf: {  	v1 =	vld [tilespmem:$0x4E80];
	_ =	sdelay $0x4  }
0x1d0: {  	v2 =	vand.u32 $0xFFFF, v1;
	_ =	sdelay $0x3  }
0x1d1: {  	v3 =	vld [tilespmem:$0xC500]  }
0x1d2: {  	v2 =	vld.idx.msk [tilespmem:v2+s8+$0x0], $0xffff;
	_ =	sdelay $0x1  }
0x1d3: {  	v1 =	vshrl.u32 v1, $0x10;
	_ =	sdelay $0x2  }
0x1d4: {  	v2 =	vmul.f32 v3, v2;
	_ =	sdelay $0x1  }
0x1d5: {  	[tilespmem:v1+s13+$0x0] =	vst.idx.add.f32.msk $0xffff, v2  }
0x1d6: {  	_ =	swait.ge [sflag:s17], $0x2710  }
0x1d7: {  	[sflag:s17] =	ssyncset.done $0x0  }
0x1d8: {  	[sflag:s17] =	ssyncadd.s32 $0xFFFFD8F0  }
0x1d9: {  	_ =	swait.ge [sflag:s17], $0x2710  }
0x1da: {  	[sflag:s17] =	ssyncset.done $0x0  }
0x1db: {  	s19 =	rddreg [dreg:$0xd];
	[sflag:s17] =	ssyncadd.s32 $0xFFFFD8F0  }
0x1dc: {  	[tilespmem:s1], [sflag:$0x1] =	stream.linear.gather [hbm4b:s19+s1], $0x2710, $0x38;
	[tilespmem:$0x13C00] =	vst v63  }
0x1dd: {  	s21 =	simm.s32 $0x4F40;
	s20 =	rddreg [dreg:$0xe]  }
0x1de: {  	[tilespmem:s7], [sflag:$0x1] =	stream.linear.gather [hbm4b:s20+s1], $0x2710, $0x38;
	[tilespmem:$0x13C00] =	vst v63  }
0x1df: {  	v1 =	vld [tilespmem:s21+$0x30]  }
0x1e0: {  	v2 =	vld [tilespmem:s21+$0xFFFFFFD0]  }
0x1e1: {  	v3 =	vld [tilespmem:s21+$0xFFFFFFE0]  }
0x1e2: {  	v4 =	vld [tilespmem:s21+$0xFFFFFFF0]  }
0x1e3: {  	v5 =	vld [tilespmem:s21+$0x0]  }
0x1e4: {  	v7 =	vld [tilespmem:s21+$0x10]  }
0x1e5: {  	v9 =	vld [tilespmem:s21+$0xFFFFFFC0]  }
0x1e6: {  	s19 =	simm.s32 $0xC5C0;
	v11 =	vld [tilespmem:s21+$0x20];
	v6 =	vand.u32 $0xFFFF, v1  }
0x1e7: {  	v15 =	vld [tilespmem:s19+$0x30]  }
0x1e8: {  	v59 =	vld [tilespmem:s19+$0xFFFFFFD0]  }
0x1e9: {  	v60 =	vld [tilespmem:s19+$0xFFFFFFE0]  }
0x1ea: {  	v18 =	vld [tilespmem:s19+$0xFFFFFFF0];
	v8 =	vand.u32 $0xFFFF, v2  }
0x1eb: {  	v13 =	vand.u32 $0xFFFF, v5;
	v6 =	vld.idx.msk [tilespmem:v6+s8+$0x0], $0xffff  }
0x1ec: {  	v19 =	vld [tilespmem:s19+$0x0];
	v16 =	vand.u32 $0xFFFF, v9  }
0x1ed: {  	v61 =	vld [tilespmem:s19+$0x10];
	v1 =	vshrl.u32 v1, $0x10  }
0x1ee: {  	v62 =	vld [tilespmem:s19+$0x20]  }
0x1ef: {  	v12 =	vand.u32 $0xFFFF, v4;
	v8 =	vld.idx.msk [tilespmem:v8+s8+$0x0], $0xffff  }
0x1f0: {  	v10 =	vand.u32 $0xFFFF, v3;
	v13 =	vld.idx.msk [tilespmem:v13+s8+$0x0], $0xffff;
	v6 =	vmul.f32 v15, v6  }
0x1f1: {  	v14 =	vand.u32 $0xFFFF, v7;
	v58 =	vld.idx.msk [tilespmem:v16+s8+$0x0], $0xffff  }
0x1f2: {  	v17 =	vand.u32 $0xFFFF, v11;
	[tilespmem:v1+s13+$0x0] =	vst.idx.add.f32.msk $0xffff, v6  }
0x1f3: {  	v2 =	vshrl.u32 v2, $0x10;
	v1 =	vld [tilespmem:s19+$0xFFFFFFC0]  }
0x1f4: {  	v5 =	vshrl.u32 v5, $0x10;
	v12 =	vld.idx.msk [tilespmem:v12+s8+$0x0], $0xffff  }
0x1f5: {  	v9 =	vshrl.u32 v9, $0x10;
	v10 =	vld.idx.msk [tilespmem:v10+s8+$0x0], $0xffff  }
0x1f6: {  	v4 =	vshrl.u32 v4, $0x10;
	v14 =	vld.idx.msk [tilespmem:v14+s8+$0x0], $0xffff;
	v8 =	vmul.f32 v59, v8  }
0x1f7: {  	v3 =	vshrl.u32 v3, $0x10;
	v63 =	vmul.f32 v19, v13;
	v6 =	vld.idx.msk [tilespmem:v17+s8+$0x0], $0xffff  }
0x1f8: {  	[tilespmem:v2+s13+$0x0] =	vst.idx.add.f32.msk $0xffff, v8;
	v1 =	vmul.f32 v1, v58  }
0x1f9: {  	v2 =	vmul.f32 v18, v12;
	[tilespmem:v5+s13+$0x0] =	vst.idx.add.f32.msk $0xffff, v63  }
0x1fa: {  	[tilespmem:v9+s13+$0x0] =	vst.idx.add.f32.msk $0xffff, v1;
	v1 =	vmul.f32 v60, v10  }
0x1fb: {  	[tilespmem:v4+s13+$0x0] =	vst.idx.add.f32.msk $0xffff, v2;
	v2 =	vshrl.u32 v11, $0x10  }
0x1fc: {  	s20 =	simm.s32 $0x0;
	s21 =	simm.s32 $0x4FC0;
	v4 =	vmul.f32 v62, v6;
	[tilespmem:v3+s13+$0x0] =	vst.idx.add.f32.msk $0xffff, v1;
	v1 =	vshrl.u32 v7, $0x10;
	v3 =	vmul.f32 v61, v14  }
.LBB2_14:
0x1fd: {  	v5 =	vld [tilespmem:s21+$0x30];
	s20 =	sadd.s32 $0x8, s20  }
0x1fe: {  	v6 =	vld [tilespmem:s21+$0xFFFFFFD0];
	p0 =	slt.u32 s20, $0x268  }
0x1ff: {  	v7 =	vld [tilespmem:s21+$0xFFFFFFE0]  }
0x200: {  	v8 =	vld [tilespmem:s21+$0xFFFFFFF0]  }
0x201: {  	v9 =	vld [tilespmem:s21+$0x0]  }
0x202: {  	v10 =	vld [tilespmem:s21+$0x10];
	v11 =	vand.u32 $0xFFFF, v5  }
0x203: {  	v12 =	vshrl.u32 v6, $0x10;
	v6 =	vand.u32 $0xFFFF, v6;
	v13 =	vld [tilespmem:s21+$0x20]  }
0x204: {  	v14 =	vld [tilespmem:s21+$0xFFFFFFC0];
	v15 =	vshrl.u32 v7, $0x10;
	v7 =	vand.u32 $0xFFFF, v7  }
0x205: {  	v16 =	vshrl.u32 v8, $0x10;
	v8 =	vand.u32 $0xFFFF, v8;
	[tilespmem:v1+s13+$0x0] =	vst.idx.add.f32.msk $0xffff, v3  }
0x206: {  	v17 =	vshrl.u32 v9, $0x10;
	v3 =	vand.u32 $0xFFFF, v9;
	[tilespmem:v2+s13+$0x0] =	vst.idx.add.f32.msk $0xffff, v4  }
0x207: {  	s19 =	sadd.s32 $0x80, s19;
	v1 =	vshrl.u32 v10, $0x10;
	v4 =	vand.u32 $0xFFFF, v10;
	v9 =	vld.idx.msk [tilespmem:v11+s8+$0x0], $0xffff  }
0x208: {  	v2 =	vshrl.u32 v13, $0x10;
	v10 =	vand.u32 $0xFFFF, v13;
	v11 =	vld [tilespmem:s19+$0x30]  }
0x209: {  	v13 =	vshrl.u32 v14, $0x10;
	v14 =	vand.u32 $0xFFFF, v14;
	v6 =	vld.idx.msk [tilespmem:v6+s8+$0x0], $0xffff  }
0x20a: {  	v5 =	vshrl.u32 v5, $0x10;
	v7 =	vld.idx.msk [tilespmem:v7+s8+$0x0], $0xffff  }
0x20b: {  	v8 =	vld.idx.msk [tilespmem:v8+s8+$0x0], $0xffff  }
0x20c: {  	v3 =	vld.idx.msk [tilespmem:v3+s8+$0x0], $0xffff  }
0x20d: {  	v4 =	vld.idx.msk [tilespmem:v4+s8+$0x0], $0xffff;
	v9 =	vmul.f32 v11, v9  }
0x20e: {  	v11 =	vld.idx.msk [tilespmem:v14+s8+$0x0], $0xffff  }
0x20f: {  	[tilespmem:v5+s13+$0x0] =	vst.idx.add.f32.msk $0xffff, v9  }
0x210: {  	v5 =	vld.idx.msk [tilespmem:v10+s8+$0x0], $0xffff  }
0x211: {  	v9 =	vld [tilespmem:s19+$0xFFFFFFC0]  }
0x212: {  	v10 =	vld [tilespmem:s19+$0xFFFFFFD0]  }
0x213: {  	v14 =	vld [tilespmem:s19+$0xFFFFFFE0]  }
0x214: {  	v18 =	vld [tilespmem:s19+$0xFFFFFFF0]  }
0x215: {  	v19 =	vld [tilespmem:s19+$0x0]  }
0x216: {  	v9 =	vmul.f32 v9, v11;
	v11 =	vld [tilespmem:s19+$0x10]  }
0x217: {  	v6 =	vmul.f32 v10, v6;
	v10 =	vld [tilespmem:s19+$0x20]  }
.Ltmp6:
0x218: {  	[tilespmem:v13+s13+$0x0] =	vst.idx.add.f32.msk $0xffff, v9;
	v7 =	vmul.f32 v14, v7;
	(pc) =	sbr.rel @p0 .LBB2_14-.Ltmp6, $4  }
0x219: {  	[tilespmem:v12+s13+$0x0] =	vst.idx.add.f32.msk $0xffff, v6;
	v6 =	vmul.f32 v18, v8  }
0x21a: {  	[tilespmem:v15+s13+$0x0] =	vst.idx.add.f32.msk $0xffff, v7;
	v7 =	vmul.f32 v19, v3  }
0x21b: {  	[tilespmem:v16+s13+$0x0] =	vst.idx.add.f32.msk $0xffff, v6;
	v3 =	vmul.f32 v11, v4  }
0x21c: {  	s21 =	sadd.s32 $0x80, s21;
	[tilespmem:v17+s13+$0x0] =	vst.idx.add.f32.msk $0xffff, v7;
	v4 =	vmul.f32 v10, v5  }
0x21d: {  	_ =	sdelay $0x3  }
0x21e: {  	[tilespmem:v1+s13+$0x0] =	vst.idx.add.f32.msk $0xffff, v3  }
0x21f: {  	[tilespmem:v2+s13+$0x0] =	vst.idx.add.f32.msk $0xffff, v4  }
0x220: {  	v1 =	vld [tilespmem:$0x7600];
	_ =	sdelay $0x4  }
0x221: {  	v2 =	vand.u32 $0xFFFF, v1;
	_ =	sdelay $0x3  }
0x222: {  	v3 =	vld [tilespmem:$0xEC80]  }
0x223: {  	v2 =	vld.idx.msk [tilespmem:v2+s8+$0x0], $0xffff;
	_ =	sdelay $0x1  }
0x224: {  	v1 =	vshrl.u32 v1, $0x10;
	_ =	sdelay $0x2  }
0x225: {  	v2 =	vmul.f32 v3, v2;
	_ =	sdelay $0x1  }
0x226: {  	[tilespmem:v1+s13+$0x0] =	vst.idx.add.f32.msk $0xffff, v2  }
0x227: {  	_ =	swait.ge [sflag:s10], $0x2710  }
0x228: {  	[sflag:s10] =	ssyncset.done $0x0  }
0x229: {  	[sflag:s10] =	ssyncadd.s32 $0xFFFFD8F0  }
0x22a: {  	_ =	swait.ge [sflag:s10], $0x2710  }
0x22b: {  	[sflag:s10] =	ssyncset.done $0x0  }
0x22c: {  	s19 =	rddreg [dreg:$0xf];
	[sflag:s10] =	ssyncadd.s32 $0xFFFFD8F0  }
0x22d: {  	[tilespmem:s11], [sflag:$0x2] =	stream.linear.gather [hbm4b:s19+s1], $0x2710, $0x38;
	[tilespmem:$0x13C00] =	vst v63  }
0x22e: {  	s21 =	simm.s32 $0x40;
	s20 =	rddreg [dreg:$0x10]  }
0x22f: {  	[tilespmem:s12], [sflag:$0x2] =	stream.linear.gather [hbm4b:s20+s1], $0x2710, $0x38;
	[tilespmem:$0x13C00] =	vst v63  }
0x230: {  	v1 =	vld [tilespmem:s21+$0x30]  }
0x231: {  	v2 =	vld [tilespmem:s21+$0xFFFFFFD0]  }
0x232: {  	v3 =	vld [tilespmem:s21+$0xFFFFFFE0]  }
0x233: {  	v4 =	vld [tilespmem:s21+$0xFFFFFFF0]  }
0x234: {  	v5 =	vld [tilespmem:s21+$0x0]  }
0x235: {  	v7 =	vld [tilespmem:s21+$0x10]  }
0x236: {  	v9 =	vld [tilespmem:s21+$0xFFFFFFC0]  }
0x237: {  	s19 =	simm.s32 $0x76C0;
	v11 =	vld [tilespmem:s21+$0x20];
	v6 =	vand.u32 $0xFFFF, v1  }
0x238: {  	v15 =	vld [tilespmem:s19+$0x30]  }
0x239: {  	v59 =	vld [tilespmem:s19+$0xFFFFFFD0]  }
0x23a: {  	v60 =	vld [tilespmem:s19+$0xFFFFFFE0]  }
0x23b: {  	v18 =	vld [tilespmem:s19+$0xFFFFFFF0];
	v8 =	vand.u32 $0xFFFF, v2  }
0x23c: {  	v13 =	vand.u32 $0xFFFF, v5;
	v6 =	vld.idx.msk [tilespmem:v6+s8+$0x0], $0xffff  }
0x23d: {  	v19 =	vld [tilespmem:s19+$0x0];
	v16 =	vand.u32 $0xFFFF, v9  }
0x23e: {  	v61 =	vld [tilespmem:s19+$0x10];
	v1 =	vshrl.u32 v1, $0x10  }
0x23f: {  	v62 =	vld [tilespmem:s19+$0x20]  }
0x240: {  	v12 =	vand.u32 $0xFFFF, v4;
	v8 =	vld.idx.msk [tilespmem:v8+s8+$0x0], $0xffff  }
0x241: {  	v10 =	vand.u32 $0xFFFF, v3;
	v13 =	vld.idx.msk [tilespmem:v13+s8+$0x0], $0xffff;
	v6 =	vmul.f32 v15, v6  }
0x242: {  	v14 =	vand.u32 $0xFFFF, v7;
	v58 =	vld.idx.msk [tilespmem:v16+s8+$0x0], $0xffff  }
0x243: {  	v17 =	vand.u32 $0xFFFF, v11;
	[tilespmem:v1+s13+$0x0] =	vst.idx.add.f32.msk $0xffff, v6  }
0x244: {  	v2 =	vshrl.u32 v2, $0x10;
	v1 =	vld [tilespmem:s19+$0xFFFFFFC0]  }
0x245: {  	v5 =	vshrl.u32 v5, $0x10;
	v12 =	vld.idx.msk [tilespmem:v12+s8+$0x0], $0xffff  }
0x246: {  	v9 =	vshrl.u32 v9, $0x10;
	v10 =	vld.idx.msk [tilespmem:v10+s8+$0x0], $0xffff  }
0x247: {  	v4 =	vshrl.u32 v4, $0x10;
	v14 =	vld.idx.msk [tilespmem:v14+s8+$0x0], $0xffff;
	v8 =	vmul.f32 v59, v8  }
0x248: {  	v3 =	vshrl.u32 v3, $0x10;
	v63 =	vmul.f32 v19, v13;
	v6 =	vld.idx.msk [tilespmem:v17+s8+$0x0], $0xffff  }
0x249: {  	[tilespmem:v2+s13+$0x0] =	vst.idx.add.f32.msk $0xffff, v8;
	v1 =	vmul.f32 v1, v58  }
0x24a: {  	v2 =	vmul.f32 v18, v12;
	[tilespmem:v5+s13+$0x0] =	vst.idx.add.f32.msk $0xffff, v63  }
0x24b: {  	[tilespmem:v9+s13+$0x0] =	vst.idx.add.f32.msk $0xffff, v1;
	v1 =	vmul.f32 v60, v10  }
0x24c: {  	[tilespmem:v4+s13+$0x0] =	vst.idx.add.f32.msk $0xffff, v2;
	v2 =	vshrl.u32 v11, $0x10  }
0x24d: {  	s20 =	simm.s32 $0x0;
	s21 =	simm.s32 $0xC0;
	v4 =	vmul.f32 v62, v6;
	[tilespmem:v3+s13+$0x0] =	vst.idx.add.f32.msk $0xffff, v1;
	v1 =	vshrl.u32 v7, $0x10;
	v3 =	vmul.f32 v61, v14  }
.LBB2_16:
0x24e: {  	v5 =	vld [tilespmem:s21+$0x30];
	s20 =	sadd.s32 $0x8, s20  }
0x24f: {  	v6 =	vld [tilespmem:s21+$0xFFFFFFD0];
	p0 =	slt.u32 s20, $0x268  }
0x250: {  	v7 =	vld [tilespmem:s21+$0xFFFFFFE0]  }
0x251: {  	v8 =	vld [tilespmem:s21+$0xFFFFFFF0]  }
0x252: {  	v9 =	vld [tilespmem:s21+$0x0]  }
0x253: {  	v10 =	vld [tilespmem:s21+$0x10];
	v11 =	vand.u32 $0xFFFF, v5  }
0x254: {  	v12 =	vshrl.u32 v6, $0x10;
	v6 =	vand.u32 $0xFFFF, v6;
	v13 =	vld [tilespmem:s21+$0x20]  }
0x255: {  	v14 =	vld [tilespmem:s21+$0xFFFFFFC0];
	v15 =	vshrl.u32 v7, $0x10;
	v7 =	vand.u32 $0xFFFF, v7  }
0x256: {  	v16 =	vshrl.u32 v8, $0x10;
	v8 =	vand.u32 $0xFFFF, v8;
	[tilespmem:v1+s13+$0x0] =	vst.idx.add.f32.msk $0xffff, v3  }
0x257: {  	v17 =	vshrl.u32 v9, $0x10;
	v3 =	vand.u32 $0xFFFF, v9;
	[tilespmem:v2+s13+$0x0] =	vst.idx.add.f32.msk $0xffff, v4  }
0x258: {  	s19 =	sadd.s32 $0x80, s19;
	v1 =	vshrl.u32 v10, $0x10;
	v4 =	vand.u32 $0xFFFF, v10;
	v9 =	vld.idx.msk [tilespmem:v11+s8+$0x0], $0xffff  }
0x259: {  	v2 =	vshrl.u32 v13, $0x10;
	v10 =	vand.u32 $0xFFFF, v13;
	v11 =	vld [tilespmem:s19+$0x30]  }
0x25a: {  	v13 =	vshrl.u32 v14, $0x10;
	v14 =	vand.u32 $0xFFFF, v14;
	v6 =	vld.idx.msk [tilespmem:v6+s8+$0x0], $0xffff  }
0x25b: {  	v5 =	vshrl.u32 v5, $0x10;
	v7 =	vld.idx.msk [tilespmem:v7+s8+$0x0], $0xffff  }
0x25c: {  	v8 =	vld.idx.msk [tilespmem:v8+s8+$0x0], $0xffff  }
0x25d: {  	v3 =	vld.idx.msk [tilespmem:v3+s8+$0x0], $0xffff  }
0x25e: {  	v4 =	vld.idx.msk [tilespmem:v4+s8+$0x0], $0xffff;
	v9 =	vmul.f32 v11, v9  }
0x25f: {  	v11 =	vld.idx.msk [tilespmem:v14+s8+$0x0], $0xffff  }
0x260: {  	[tilespmem:v5+s13+$0x0] =	vst.idx.add.f32.msk $0xffff, v9  }
0x261: {  	v5 =	vld.idx.msk [tilespmem:v10+s8+$0x0], $0xffff  }
0x262: {  	v9 =	vld [tilespmem:s19+$0xFFFFFFC0]  }
0x263: {  	v10 =	vld [tilespmem:s19+$0xFFFFFFD0]  }
0x264: {  	v14 =	vld [tilespmem:s19+$0xFFFFFFE0]  }
0x265: {  	v18 =	vld [tilespmem:s19+$0xFFFFFFF0]  }
0x266: {  	v19 =	vld [tilespmem:s19+$0x0]  }
0x267: {  	v9 =	vmul.f32 v9, v11;
	v11 =	vld [tilespmem:s19+$0x10]  }
0x268: {  	v6 =	vmul.f32 v10, v6;
	v10 =	vld [tilespmem:s19+$0x20]  }
.Ltmp7:
0x269: {  	[tilespmem:v13+s13+$0x0] =	vst.idx.add.f32.msk $0xffff, v9;
	v7 =	vmul.f32 v14, v7;
	(pc) =	sbr.rel @p0 .LBB2_16-.Ltmp7, $4  }
0x26a: {  	[tilespmem:v12+s13+$0x0] =	vst.idx.add.f32.msk $0xffff, v6;
	v6 =	vmul.f32 v18, v8  }
0x26b: {  	[tilespmem:v15+s13+$0x0] =	vst.idx.add.f32.msk $0xffff, v7;
	v7 =	vmul.f32 v19, v3  }
0x26c: {  	[tilespmem:v16+s13+$0x0] =	vst.idx.add.f32.msk $0xffff, v6;
	v3 =	vmul.f32 v11, v4  }
0x26d: {  	s21 =	sadd.s32 $0x80, s21;
	[tilespmem:v17+s13+$0x0] =	vst.idx.add.f32.msk $0xffff, v7;
	v4 =	vmul.f32 v10, v5  }
0x26e: {  	_ =	sdelay $0x3  }
0x26f: {  	[tilespmem:v1+s13+$0x0] =	vst.idx.add.f32.msk $0xffff, v3  }
0x270: {  	[tilespmem:v2+s13+$0x0] =	vst.idx.add.f32.msk $0xffff, v4  }
0x271: {  	v1 =	vld [tilespmem:$0x2700];
	_ =	sdelay $0x4  }
0x272: {  	v2 =	vand.u32 $0xFFFF, v1;
	_ =	sdelay $0x3  }
0x273: {  	v3 =	vld [tilespmem:$0x9D80]  }
0x274: {  	v2 =	vld.idx.msk [tilespmem:v2+s8+$0x0], $0xffff;
	_ =	sdelay $0x1  }
0x275: {  	v1 =	vshrl.u32 v1, $0x10;
	_ =	sdelay $0x2  }
0x276: {  	v2 =	vmul.f32 v3, v2;
	_ =	sdelay $0x1  }
0x277: {  	[tilespmem:v1+s13+$0x0] =	vst.idx.add.f32.msk $0xffff, v2  }
0x278: {  	_ =	swait.ge [sflag:s14], $0x2710  }
0x279: {  	[sflag:s14] =	ssyncset.done $0x0  }
0x27a: {  	[sflag:s14] =	ssyncadd.s32 $0xFFFFD8F0  }
0x27b: {  	_ =	swait.ge [sflag:s14], $0x2710  }
0x27c: {  	[sflag:s14] =	ssyncset.done $0x0  }
0x27d: {  	s19 =	rddreg [dreg:$0x11];
	[sflag:s14] =	ssyncadd.s32 $0xFFFFD8F0  }
0x27e: {  	[tilespmem:s15], [sflag:$0x3] =	stream.linear.gather [hbm4b:s19+s1], $0x2710, $0x38;
	[tilespmem:$0x13C00] =	vst v63  }
0x27f: {  	s21 =	simm.s32 $0x27C0;
	s20 =	rddreg [dreg:$0x12]  }
0x280: {  	[tilespmem:s16], [sflag:$0x3] =	stream.linear.gather [hbm4b:s20+s1], $0x2710, $0x38;
	[tilespmem:$0x13C00] =	vst v63  }
0x281: {  	v1 =	vld [tilespmem:s21+$0x30]  }
0x282: {  	v2 =	vld [tilespmem:s21+$0xFFFFFFD0]  }
0x283: {  	v3 =	vld [tilespmem:s21+$0xFFFFFFE0]  }
0x284: {  	v4 =	vld [tilespmem:s21+$0xFFFFFFF0]  }
0x285: {  	v5 =	vld [tilespmem:s21+$0x0]  }
0x286: {  	v7 =	vld [tilespmem:s21+$0x10]  }
0x287: {  	v9 =	vld [tilespmem:s21+$0xFFFFFFC0]  }
0x288: {  	s19 =	simm.s32 $0x9E40;
	v11 =	vld [tilespmem:s21+$0x20];
	v6 =	vand.u32 $0xFFFF, v1  }
0x289: {  	v15 =	vld [tilespmem:s19+$0x30]  }
0x28a: {  	v59 =	vld [tilespmem:s19+$0xFFFFFFD0]  }
0x28b: {  	v60 =	vld [tilespmem:s19+$0xFFFFFFE0]  }
0x28c: {  	v18 =	vld [tilespmem:s19+$0xFFFFFFF0];
	v8 =	vand.u32 $0xFFFF, v2  }
0x28d: {  	v13 =	vand.u32 $0xFFFF, v5;
	v6 =	vld.idx.msk [tilespmem:v6+s8+$0x0], $0xffff  }
0x28e: {  	v19 =	vld [tilespmem:s19+$0x0];
	v16 =	vand.u32 $0xFFFF, v9  }
0x28f: {  	v61 =	vld [tilespmem:s19+$0x10];
	v1 =	vshrl.u32 v1, $0x10  }
0x290: {  	v62 =	vld [tilespmem:s19+$0x20]  }
0x291: {  	v12 =	vand.u32 $0xFFFF, v4;
	v8 =	vld.idx.msk [tilespmem:v8+s8+$0x0], $0xffff  }
0x292: {  	v10 =	vand.u32 $0xFFFF, v3;
	v13 =	vld.idx.msk [tilespmem:v13+s8+$0x0], $0xffff;
	v6 =	vmul.f32 v15, v6  }
0x293: {  	v14 =	vand.u32 $0xFFFF, v7;
	v58 =	vld.idx.msk [tilespmem:v16+s8+$0x0], $0xffff  }
0x294: {  	v17 =	vand.u32 $0xFFFF, v11;
	[tilespmem:v1+s13+$0x0] =	vst.idx.add.f32.msk $0xffff, v6  }
0x295: {  	v2 =	vshrl.u32 v2, $0x10;
	v1 =	vld [tilespmem:s19+$0xFFFFFFC0]  }
0x296: {  	v5 =	vshrl.u32 v5, $0x10;
	v12 =	vld.idx.msk [tilespmem:v12+s8+$0x0], $0xffff  }
0x297: {  	v9 =	vshrl.u32 v9, $0x10;
	v10 =	vld.idx.msk [tilespmem:v10+s8+$0x0], $0xffff  }
0x298: {  	v4 =	vshrl.u32 v4, $0x10;
	v14 =	vld.idx.msk [tilespmem:v14+s8+$0x0], $0xffff;
	v8 =	vmul.f32 v59, v8  }
0x299: {  	v3 =	vshrl.u32 v3, $0x10;
	v63 =	vmul.f32 v19, v13;
	v6 =	vld.idx.msk [tilespmem:v17+s8+$0x0], $0xffff  }
0x29a: {  	[tilespmem:v2+s13+$0x0] =	vst.idx.add.f32.msk $0xffff, v8;
	v1 =	vmul.f32 v1, v58  }
0x29b: {  	v2 =	vmul.f32 v18, v12;
	[tilespmem:v5+s13+$0x0] =	vst.idx.add.f32.msk $0xffff, v63  }
0x29c: {  	[tilespmem:v9+s13+$0x0] =	vst.idx.add.f32.msk $0xffff, v1;
	v1 =	vmul.f32 v60, v10  }
0x29d: {  	[tilespmem:v4+s13+$0x0] =	vst.idx.add.f32.msk $0xffff, v2;
	v2 =	vshrl.u32 v11, $0x10  }
0x29e: {  	s20 =	simm.s32 $0x0;
	s21 =	simm.s32 $0x2840;
	v4 =	vmul.f32 v62, v6;
	[tilespmem:v3+s13+$0x0] =	vst.idx.add.f32.msk $0xffff, v1;
	v1 =	vshrl.u32 v7, $0x10;
	v3 =	vmul.f32 v61, v14  }
.LBB2_18:
0x29f: {  	v5 =	vld [tilespmem:s21+$0x30];
	s20 =	sadd.s32 $0x8, s20  }
0x2a0: {  	v6 =	vld [tilespmem:s21+$0xFFFFFFD0];
	p0 =	slt.u32 s20, $0x268  }
0x2a1: {  	v7 =	vld [tilespmem:s21+$0xFFFFFFE0]  }
0x2a2: {  	v8 =	vld [tilespmem:s21+$0xFFFFFFF0]  }
0x2a3: {  	v9 =	vld [tilespmem:s21+$0x0]  }
0x2a4: {  	v10 =	vld [tilespmem:s21+$0x10];
	v11 =	vand.u32 $0xFFFF, v5  }
0x2a5: {  	v12 =	vshrl.u32 v6, $0x10;
	v6 =	vand.u32 $0xFFFF, v6;
	v13 =	vld [tilespmem:s21+$0x20]  }
0x2a6: {  	v14 =	vld [tilespmem:s21+$0xFFFFFFC0];
	v15 =	vshrl.u32 v7, $0x10;
	v7 =	vand.u32 $0xFFFF, v7  }
0x2a7: {  	v16 =	vshrl.u32 v8, $0x10;
	v8 =	vand.u32 $0xFFFF, v8;
	[tilespmem:v1+s13+$0x0] =	vst.idx.add.f32.msk $0xffff, v3  }
0x2a8: {  	v17 =	vshrl.u32 v9, $0x10;
	v3 =	vand.u32 $0xFFFF, v9;
	[tilespmem:v2+s13+$0x0] =	vst.idx.add.f32.msk $0xffff, v4  }
0x2a9: {  	s19 =	sadd.s32 $0x80, s19;
	v1 =	vshrl.u32 v10, $0x10;
	v4 =	vand.u32 $0xFFFF, v10;
	v9 =	vld.idx.msk [tilespmem:v11+s8+$0x0], $0xffff  }
0x2aa: {  	v2 =	vshrl.u32 v13, $0x10;
	v10 =	vand.u32 $0xFFFF, v13;
	v11 =	vld [tilespmem:s19+$0x30]  }
0x2ab: {  	v13 =	vshrl.u32 v14, $0x10;
	v14 =	vand.u32 $0xFFFF, v14;
	v6 =	vld.idx.msk [tilespmem:v6+s8+$0x0], $0xffff  }
0x2ac: {  	v5 =	vshrl.u32 v5, $0x10;
	v7 =	vld.idx.msk [tilespmem:v7+s8+$0x0], $0xffff  }
0x2ad: {  	v8 =	vld.idx.msk [tilespmem:v8+s8+$0x0], $0xffff  }
0x2ae: {  	v3 =	vld.idx.msk [tilespmem:v3+s8+$0x0], $0xffff  }
0x2af: {  	v4 =	vld.idx.msk [tilespmem:v4+s8+$0x0], $0xffff;
	v9 =	vmul.f32 v11, v9  }
0x2b0: {  	v11 =	vld.idx.msk [tilespmem:v14+s8+$0x0], $0xffff  }
0x2b1: {  	[tilespmem:v5+s13+$0x0] =	vst.idx.add.f32.msk $0xffff, v9  }
0x2b2: {  	v5 =	vld.idx.msk [tilespmem:v10+s8+$0x0], $0xffff  }
0x2b3: {  	v9 =	vld [tilespmem:s19+$0xFFFFFFC0]  }
0x2b4: {  	v10 =	vld [tilespmem:s19+$0xFFFFFFD0]  }
0x2b5: {  	v14 =	vld [tilespmem:s19+$0xFFFFFFE0]  }
0x2b6: {  	v18 =	vld [tilespmem:s19+$0xFFFFFFF0]  }
0x2b7: {  	v19 =	vld [tilespmem:s19+$0x0]  }
0x2b8: {  	v9 =	vmul.f32 v9, v11;
	v11 =	vld [tilespmem:s19+$0x10]  }
0x2b9: {  	v6 =	vmul.f32 v10, v6;
	v10 =	vld [tilespmem:s19+$0x20]  }
.Ltmp8:
0x2ba: {  	[tilespmem:v13+s13+$0x0] =	vst.idx.add.f32.msk $0xffff, v9;
	v7 =	vmul.f32 v14, v7;
	(pc) =	sbr.rel @p0 .LBB2_18-.Ltmp8, $4  }
0x2bb: {  	[tilespmem:v12+s13+$0x0] =	vst.idx.add.f32.msk $0xffff, v6;
	v6 =	vmul.f32 v18, v8  }
0x2bc: {  	[tilespmem:v15+s13+$0x0] =	vst.idx.add.f32.msk $0xffff, v7;
	v7 =	vmul.f32 v19, v3  }
0x2bd: {  	[tilespmem:v16+s13+$0x0] =	vst.idx.add.f32.msk $0xffff, v6;
	v3 =	vmul.f32 v11, v4  }
0x2be: {  	s21 =	sadd.s32 $0x80, s21;
	[tilespmem:v17+s13+$0x0] =	vst.idx.add.f32.msk $0xffff, v7;
	v4 =	vmul.f32 v10, v5  }
0x2bf: {  	_ =	sdelay $0x3  }
0x2c0: {  	[tilespmem:v1+s13+$0x0] =	vst.idx.add.f32.msk $0xffff, v3  }
0x2c1: {  	[tilespmem:v2+s13+$0x0] =	vst.idx.add.f32.msk $0xffff, v4  }
0x2c2: {  	v1 =	vld [tilespmem:$0x4E80];
	_ =	sdelay $0x4  }
0x2c3: {  	v2 =	vand.u32 $0xFFFF, v1;
	_ =	sdelay $0x3  }
0x2c4: {  	v3 =	vld [tilespmem:$0xC500]  }
0x2c5: {  	v2 =	vld.idx.msk [tilespmem:v2+s8+$0x0], $0xffff;
	_ =	sdelay $0x1  }
0x2c6: {  	v1 =	vshrl.u32 v1, $0x10;
	_ =	sdelay $0x2  }
0x2c7: {  	v2 =	vmul.f32 v3, v2;
	_ =	sdelay $0x1  }
0x2c8: {  	[tilespmem:v1+s13+$0x0] =	vst.idx.add.f32.msk $0xffff, v2  }
0x2c9: {  	_ =	swait.ge [sflag:s17], $0x2710  }
0x2ca: {  	[sflag:s17] =	ssyncset.done $0x0  }
0x2cb: {  	[sflag:s17] =	ssyncadd.s32 $0xFFFFD8F0  }
0x2cc: {  	_ =	swait.ge [sflag:s17], $0x2710  }
0x2cd: {  	[sflag:s17] =	ssyncset.done $0x0  }
0x2ce: {  	s19 =	rddreg [dreg:$0x13];
	[sflag:s17] =	ssyncadd.s32 $0xFFFFD8F0  }
0x2cf: {  	[tilespmem:s1], [sflag:$0x1] =	stream.linear.gather [hbm4b:s19+s1], $0x2710, $0x38;
	[tilespmem:$0x13C00] =	vst v63  }
0x2d0: {  	s21 =	simm.s32 $0x4F40;
	s20 =	rddreg [dreg:$0x14]  }
0x2d1: {  	[tilespmem:s7], [sflag:$0x1] =	stream.linear.gather [hbm4b:s20+s1], $0x2710, $0x38;
	[tilespmem:$0x13C00] =	vst v63  }
0x2d2: {  	v1 =	vld [tilespmem:s21+$0x30]  }
0x2d3: {  	v2 =	vld [tilespmem:s21+$0xFFFFFFD0]  }
0x2d4: {  	v3 =	vld [tilespmem:s21+$0xFFFFFFE0]  }
0x2d5: {  	v4 =	vld [tilespmem:s21+$0xFFFFFFF0]  }
0x2d6: {  	v5 =	vld [tilespmem:s21+$0x0]  }
0x2d7: {  	v7 =	vld [tilespmem:s21+$0x10]  }
0x2d8: {  	v9 =	vld [tilespmem:s21+$0xFFFFFFC0]  }
0x2d9: {  	s19 =	simm.s32 $0xC5C0;
	v11 =	vld [tilespmem:s21+$0x20];
	v6 =	vand.u32 $0xFFFF, v1  }
0x2da: {  	v15 =	vld [tilespmem:s19+$0x30]  }
0x2db: {  	v59 =	vld [tilespmem:s19+$0xFFFFFFD0]  }
0x2dc: {  	v60 =	vld [tilespmem:s19+$0xFFFFFFE0]  }
0x2dd: {  	v18 =	vld [tilespmem:s19+$0xFFFFFFF0];
	v8 =	vand.u32 $0xFFFF, v2  }
0x2de: {  	v13 =	vand.u32 $0xFFFF, v5;
	v6 =	vld.idx.msk [tilespmem:v6+s8+$0x0], $0xffff  }
0x2df: {  	v19 =	vld [tilespmem:s19+$0x0];
	v16 =	vand.u32 $0xFFFF, v9  }
0x2e0: {  	v61 =	vld [tilespmem:s19+$0x10];
	v1 =	vshrl.u32 v1, $0x10  }
0x2e1: {  	v62 =	vld [tilespmem:s19+$0x20]  }
0x2e2: {  	v12 =	vand.u32 $0xFFFF, v4;
	v8 =	vld.idx.msk [tilespmem:v8+s8+$0x0], $0xffff  }
0x2e3: {  	v10 =	vand.u32 $0xFFFF, v3;
	v13 =	vld.idx.msk [tilespmem:v13+s8+$0x0], $0xffff;
	v6 =	vmul.f32 v15, v6  }
0x2e4: {  	v14 =	vand.u32 $0xFFFF, v7;
	v58 =	vld.idx.msk [tilespmem:v16+s8+$0x0], $0xffff  }
0x2e5: {  	v17 =	vand.u32 $0xFFFF, v11;
	[tilespmem:v1+s13+$0x0] =	vst.idx.add.f32.msk $0xffff, v6  }
0x2e6: {  	v2 =	vshrl.u32 v2, $0x10;
	v1 =	vld [tilespmem:s19+$0xFFFFFFC0]  }
0x2e7: {  	v5 =	vshrl.u32 v5, $0x10;
	v12 =	vld.idx.msk [tilespmem:v12+s8+$0x0], $0xffff  }
0x2e8: {  	v9 =	vshrl.u32 v9, $0x10;
	v10 =	vld.idx.msk [tilespmem:v10+s8+$0x0], $0xffff  }
0x2e9: {  	v4 =	vshrl.u32 v4, $0x10;
	v14 =	vld.idx.msk [tilespmem:v14+s8+$0x0], $0xffff;
	v8 =	vmul.f32 v59, v8  }
0x2ea: {  	v3 =	vshrl.u32 v3, $0x10;
	v63 =	vmul.f32 v19, v13;
	v6 =	vld.idx.msk [tilespmem:v17+s8+$0x0], $0xffff  }
0x2eb: {  	[tilespmem:v2+s13+$0x0] =	vst.idx.add.f32.msk $0xffff, v8;
	v1 =	vmul.f32 v1, v58  }
0x2ec: {  	v2 =	vmul.f32 v18, v12;
	[tilespmem:v5+s13+$0x0] =	vst.idx.add.f32.msk $0xffff, v63  }
0x2ed: {  	[tilespmem:v9+s13+$0x0] =	vst.idx.add.f32.msk $0xffff, v1;
	v1 =	vmul.f32 v60, v10  }
0x2ee: {  	[tilespmem:v4+s13+$0x0] =	vst.idx.add.f32.msk $0xffff, v2;
	v2 =	vshrl.u32 v11, $0x10  }
0x2ef: {  	s20 =	simm.s32 $0x0;
	s21 =	simm.s32 $0x4FC0;
	v4 =	vmul.f32 v62, v6;
	[tilespmem:v3+s13+$0x0] =	vst.idx.add.f32.msk $0xffff, v1;
	v1 =	vshrl.u32 v7, $0x10;
	v3 =	vmul.f32 v61, v14  }
.LBB2_20:
0x2f0: {  	v5 =	vld [tilespmem:s21+$0x30];
	s20 =	sadd.s32 $0x8, s20  }
0x2f1: {  	v6 =	vld [tilespmem:s21+$0xFFFFFFD0];
	p0 =	slt.u32 s20, $0x268  }
0x2f2: {  	v7 =	vld [tilespmem:s21+$0xFFFFFFE0]  }
0x2f3: {  	v8 =	vld [tilespmem:s21+$0xFFFFFFF0]  }
0x2f4: {  	v9 =	vld [tilespmem:s21+$0x0]  }
0x2f5: {  	v10 =	vld [tilespmem:s21+$0x10];
	v11 =	vand.u32 $0xFFFF, v5  }
0x2f6: {  	v12 =	vshrl.u32 v6, $0x10;
	v6 =	vand.u32 $0xFFFF, v6;
	v13 =	vld [tilespmem:s21+$0x20]  }
0x2f7: {  	v14 =	vld [tilespmem:s21+$0xFFFFFFC0];
	v15 =	vshrl.u32 v7, $0x10;
	v7 =	vand.u32 $0xFFFF, v7  }
0x2f8: {  	v16 =	vshrl.u32 v8, $0x10;
	v8 =	vand.u32 $0xFFFF, v8;
	[tilespmem:v1+s13+$0x0] =	vst.idx.add.f32.msk $0xffff, v3  }
0x2f9: {  	v17 =	vshrl.u32 v9, $0x10;
	v3 =	vand.u32 $0xFFFF, v9;
	[tilespmem:v2+s13+$0x0] =	vst.idx.add.f32.msk $0xffff, v4  }
0x2fa: {  	s19 =	sadd.s32 $0x80, s19;
	v1 =	vshrl.u32 v10, $0x10;
	v4 =	vand.u32 $0xFFFF, v10;
	v9 =	vld.idx.msk [tilespmem:v11+s8+$0x0], $0xffff  }
0x2fb: {  	v2 =	vshrl.u32 v13, $0x10;
	v10 =	vand.u32 $0xFFFF, v13;
	v11 =	vld [tilespmem:s19+$0x30]  }
0x2fc: {  	v13 =	vshrl.u32 v14, $0x10;
	v14 =	vand.u32 $0xFFFF, v14;
	v6 =	vld.idx.msk [tilespmem:v6+s8+$0x0], $0xffff  }
0x2fd: {  	v5 =	vshrl.u32 v5, $0x10;
	v7 =	vld.idx.msk [tilespmem:v7+s8+$0x0], $0xffff  }
0x2fe: {  	v8 =	vld.idx.msk [tilespmem:v8+s8+$0x0], $0xffff  }
0x2ff: {  	v3 =	vld.idx.msk [tilespmem:v3+s8+$0x0], $0xffff  }
0x300: {  	v4 =	vld.idx.msk [tilespmem:v4+s8+$0x0], $0xffff;
	v9 =	vmul.f32 v11, v9  }
0x301: {  	v11 =	vld.idx.msk [tilespmem:v14+s8+$0x0], $0xffff  }
0x302: {  	[tilespmem:v5+s13+$0x0] =	vst.idx.add.f32.msk $0xffff, v9  }
0x303: {  	v5 =	vld.idx.msk [tilespmem:v10+s8+$0x0], $0xffff  }
0x304: {  	v9 =	vld [tilespmem:s19+$0xFFFFFFC0]  }
0x305: {  	v10 =	vld [tilespmem:s19+$0xFFFFFFD0]  }
0x306: {  	v14 =	vld [tilespmem:s19+$0xFFFFFFE0]  }
0x307: {  	v18 =	vld [tilespmem:s19+$0xFFFFFFF0]  }
0x308: {  	v19 =	vld [tilespmem:s19+$0x0]  }
0x309: {  	v9 =	vmul.f32 v9, v11;
	v11 =	vld [tilespmem:s19+$0x10]  }
0x30a: {  	v6 =	vmul.f32 v10, v6;
	v10 =	vld [tilespmem:s19+$0x20]  }
.Ltmp9:
0x30b: {  	[tilespmem:v13+s13+$0x0] =	vst.idx.add.f32.msk $0xffff, v9;
	v7 =	vmul.f32 v14, v7;
	(pc) =	sbr.rel @p0 .LBB2_20-.Ltmp9, $4  }
0x30c: {  	[tilespmem:v12+s13+$0x0] =	vst.idx.add.f32.msk $0xffff, v6;
	v6 =	vmul.f32 v18, v8  }
0x30d: {  	[tilespmem:v15+s13+$0x0] =	vst.idx.add.f32.msk $0xffff, v7;
	v7 =	vmul.f32 v19, v3  }
0x30e: {  	[tilespmem:v16+s13+$0x0] =	vst.idx.add.f32.msk $0xffff, v6;
	v3 =	vmul.f32 v11, v4  }
0x30f: {  	s21 =	sadd.s32 $0x80, s21;
	[tilespmem:v17+s13+$0x0] =	vst.idx.add.f32.msk $0xffff, v7;
	v4 =	vmul.f32 v10, v5  }
0x310: {  	_ =	sdelay $0x3  }
0x311: {  	[tilespmem:v1+s13+$0x0] =	vst.idx.add.f32.msk $0xffff, v3  }
0x312: {  	[tilespmem:v2+s13+$0x0] =	vst.idx.add.f32.msk $0xffff, v4  }
0x313: {  	v1 =	vld [tilespmem:$0x7600];
	_ =	sdelay $0x4  }
0x314: {  	v2 =	vand.u32 $0xFFFF, v1;
	_ =	sdelay $0x3  }
0x315: {  	v3 =	vld [tilespmem:$0xEC80]  }
0x316: {  	v2 =	vld.idx.msk [tilespmem:v2+s8+$0x0], $0xffff;
	_ =	sdelay $0x1  }
0x317: {  	v1 =	vshrl.u32 v1, $0x10;
	_ =	sdelay $0x2  }
0x318: {  	v2 =	vmul.f32 v3, v2;
	_ =	sdelay $0x1  }
0x319: {  	[tilespmem:v1+s13+$0x0] =	vst.idx.add.f32.msk $0xffff, v2  }
0x31a: {  	_ =	swait.ge [sflag:s10], $0x2710  }
0x31b: {  	[sflag:s10] =	ssyncset.done $0x0  }
0x31c: {  	[sflag:s10] =	ssyncadd.s32 $0xFFFFD8F0  }
0x31d: {  	_ =	swait.ge [sflag:s10], $0x2710  }
0x31e: {  	[sflag:s10] =	ssyncset.done $0x0  }
0x31f: {  	s19 =	rddreg [dreg:$0x15];
	[sflag:s10] =	ssyncadd.s32 $0xFFFFD8F0  }
0x320: {  	[tilespmem:s11], [sflag:$0x2] =	stream.linear.gather [hbm4b:s19+s1], $0x2710, $0x38;
	[tilespmem:$0x13C00] =	vst v63  }
0x321: {  	s21 =	simm.s32 $0x40;
	s20 =	rddreg [dreg:$0x16]  }
0x322: {  	[tilespmem:s12], [sflag:$0x2] =	stream.linear.gather [hbm4b:s20+s1], $0x2710, $0x38;
	[tilespmem:$0x13C00] =	vst v63  }
0x323: {  	v1 =	vld [tilespmem:s21+$0x30]  }
0x324: {  	v2 =	vld [tilespmem:s21+$0xFFFFFFD0]  }
0x325: {  	v3 =	vld [tilespmem:s21+$0xFFFFFFE0]  }
0x326: {  	v4 =	vld [tilespmem:s21+$0xFFFFFFF0]  }
0x327: {  	v5 =	vld [tilespmem:s21+$0x0]  }
0x328: {  	v7 =	vld [tilespmem:s21+$0x10]  }
0x329: {  	v9 =	vld [tilespmem:s21+$0xFFFFFFC0]  }
0x32a: {  	s19 =	simm.s32 $0x76C0;
	v11 =	vld [tilespmem:s21+$0x20];
	v6 =	vand.u32 $0xFFFF, v1  }
0x32b: {  	v15 =	vld [tilespmem:s19+$0x30]  }
0x32c: {  	v59 =	vld [tilespmem:s19+$0xFFFFFFD0]  }
0x32d: {  	v60 =	vld [tilespmem:s19+$0xFFFFFFE0]  }
0x32e: {  	v18 =	vld [tilespmem:s19+$0xFFFFFFF0];
	v8 =	vand.u32 $0xFFFF, v2  }
0x32f: {  	v13 =	vand.u32 $0xFFFF, v5;
	v6 =	vld.idx.msk [tilespmem:v6+s8+$0x0], $0xffff  }
0x330: {  	v19 =	vld [tilespmem:s19+$0x0];
	v16 =	vand.u32 $0xFFFF, v9  }
0x331: {  	v61 =	vld [tilespmem:s19+$0x10];
	v1 =	vshrl.u32 v1, $0x10  }
0x332: {  	v62 =	vld [tilespmem:s19+$0x20]  }
0x333: {  	v12 =	vand.u32 $0xFFFF, v4;
	v8 =	vld.idx.msk [tilespmem:v8+s8+$0x0], $0xffff  }
0x334: {  	v10 =	vand.u32 $0xFFFF, v3;
	v13 =	vld.idx.msk [tilespmem:v13+s8+$0x0], $0xffff;
	v6 =	vmul.f32 v15, v6  }
0x335: {  	v14 =	vand.u32 $0xFFFF, v7;
	v58 =	vld.idx.msk [tilespmem:v16+s8+$0x0], $0xffff  }
0x336: {  	v17 =	vand.u32 $0xFFFF, v11;
	[tilespmem:v1+s13+$0x0] =	vst.idx.add.f32.msk $0xffff, v6  }
0x337: {  	v2 =	vshrl.u32 v2, $0x10;
	v1 =	vld [tilespmem:s19+$0xFFFFFFC0]  }
0x338: {  	v5 =	vshrl.u32 v5, $0x10;
	v12 =	vld.idx.msk [tilespmem:v12+s8+$0x0], $0xffff  }
0x339: {  	v9 =	vshrl.u32 v9, $0x10;
	v10 =	vld.idx.msk [tilespmem:v10+s8+$0x0], $0xffff  }
0x33a: {  	v4 =	vshrl.u32 v4, $0x10;
	v14 =	vld.idx.msk [tilespmem:v14+s8+$0x0], $0xffff;
	v8 =	vmul.f32 v59, v8  }
0x33b: {  	v3 =	vshrl.u32 v3, $0x10;
	v63 =	vmul.f32 v19, v13;
	v6 =	vld.idx.msk [tilespmem:v17+s8+$0x0], $0xffff  }
0x33c: {  	[tilespmem:v2+s13+$0x0] =	vst.idx.add.f32.msk $0xffff, v8;
	v1 =	vmul.f32 v1, v58  }
0x33d: {  	v2 =	vmul.f32 v18, v12;
	[tilespmem:v5+s13+$0x0] =	vst.idx.add.f32.msk $0xffff, v63  }
0x33e: {  	[tilespmem:v9+s13+$0x0] =	vst.idx.add.f32.msk $0xffff, v1;
	v1 =	vmul.f32 v60, v10  }
0x33f: {  	[tilespmem:v4+s13+$0x0] =	vst.idx.add.f32.msk $0xffff, v2;
	v2 =	vshrl.u32 v11, $0x10  }
0x340: {  	s20 =	simm.s32 $0x0;
	s21 =	simm.s32 $0xC0;
	v4 =	vmul.f32 v62, v6;
	[tilespmem:v3+s13+$0x0] =	vst.idx.add.f32.msk $0xffff, v1;
	v1 =	vshrl.u32 v7, $0x10;
	v3 =	vmul.f32 v61, v14  }
.LBB2_22:
0x341: {  	v5 =	vld [tilespmem:s21+$0x30];
	s20 =	sadd.s32 $0x8, s20  }
0x342: {  	v6 =	vld [tilespmem:s21+$0xFFFFFFD0];
	p0 =	slt.u32 s20, $0x268  }
0x343: {  	v7 =	vld [tilespmem:s21+$0xFFFFFFE0]  }
0x344: {  	v8 =	vld [tilespmem:s21+$0xFFFFFFF0]  }
0x345: {  	v9 =	vld [tilespmem:s21+$0x0]  }
0x346: {  	v10 =	vld [tilespmem:s21+$0x10];
	v11 =	vand.u32 $0xFFFF, v5  }
0x347: {  	v12 =	vshrl.u32 v6, $0x10;
	v6 =	vand.u32 $0xFFFF, v6;
	v13 =	vld [tilespmem:s21+$0x20]  }
0x348: {  	v14 =	vld [tilespmem:s21+$0xFFFFFFC0];
	v15 =	vshrl.u32 v7, $0x10;
	v7 =	vand.u32 $0xFFFF, v7  }
0x349: {  	v16 =	vshrl.u32 v8, $0x10;
	v8 =	vand.u32 $0xFFFF, v8;
	[tilespmem:v1+s13+$0x0] =	vst.idx.add.f32.msk $0xffff, v3  }
0x34a: {  	v17 =	vshrl.u32 v9, $0x10;
	v3 =	vand.u32 $0xFFFF, v9;
	[tilespmem:v2+s13+$0x0] =	vst.idx.add.f32.msk $0xffff, v4  }
0x34b: {  	s19 =	sadd.s32 $0x80, s19;
	v1 =	vshrl.u32 v10, $0x10;
	v4 =	vand.u32 $0xFFFF, v10;
	v9 =	vld.idx.msk [tilespmem:v11+s8+$0x0], $0xffff  }
0x34c: {  	v2 =	vshrl.u32 v13, $0x10;
	v10 =	vand.u32 $0xFFFF, v13;
	v11 =	vld [tilespmem:s19+$0x30]  }
0x34d: {  	v13 =	vshrl.u32 v14, $0x10;
	v14 =	vand.u32 $0xFFFF, v14;
	v6 =	vld.idx.msk [tilespmem:v6+s8+$0x0], $0xffff  }
0x34e: {  	v5 =	vshrl.u32 v5, $0x10;
	v7 =	vld.idx.msk [tilespmem:v7+s8+$0x0], $0xffff  }
0x34f: {  	v8 =	vld.idx.msk [tilespmem:v8+s8+$0x0], $0xffff  }
0x350: {  	v3 =	vld.idx.msk [tilespmem:v3+s8+$0x0], $0xffff  }
0x351: {  	v4 =	vld.idx.msk [tilespmem:v4+s8+$0x0], $0xffff;
	v9 =	vmul.f32 v11, v9  }
0x352: {  	v11 =	vld.idx.msk [tilespmem:v14+s8+$0x0], $0xffff  }
0x353: {  	[tilespmem:v5+s13+$0x0] =	vst.idx.add.f32.msk $0xffff, v9  }
0x354: {  	v5 =	vld.idx.msk [tilespmem:v10+s8+$0x0], $0xffff  }
0x355: {  	v9 =	vld [tilespmem:s19+$0xFFFFFFC0]  }
0x356: {  	v10 =	vld [tilespmem:s19+$0xFFFFFFD0]  }
0x357: {  	v14 =	vld [tilespmem:s19+$0xFFFFFFE0]  }
0x358: {  	v18 =	vld [tilespmem:s19+$0xFFFFFFF0]  }
0x359: {  	v19 =	vld [tilespmem:s19+$0x0]  }
0x35a: {  	v9 =	vmul.f32 v9, v11;
	v11 =	vld [tilespmem:s19+$0x10]  }
0x35b: {  	v6 =	vmul.f32 v10, v6;
	v10 =	vld [tilespmem:s19+$0x20]  }
.Ltmp10:
0x35c: {  	[tilespmem:v13+s13+$0x0] =	vst.idx.add.f32.msk $0xffff, v9;
	v7 =	vmul.f32 v14, v7;
	(pc) =	sbr.rel @p0 .LBB2_22-.Ltmp10, $4  }
0x35d: {  	[tilespmem:v12+s13+$0x0] =	vst.idx.add.f32.msk $0xffff, v6;
	v6 =	vmul.f32 v18, v8  }
0x35e: {  	[tilespmem:v15+s13+$0x0] =	vst.idx.add.f32.msk $0xffff, v7;
	v7 =	vmul.f32 v19, v3  }
0x35f: {  	[tilespmem:v16+s13+$0x0] =	vst.idx.add.f32.msk $0xffff, v6;
	v3 =	vmul.f32 v11, v4  }
0x360: {  	s21 =	sadd.s32 $0x80, s21;
	[tilespmem:v17+s13+$0x0] =	vst.idx.add.f32.msk $0xffff, v7;
	v4 =	vmul.f32 v10, v5  }
0x361: {  	_ =	sdelay $0x3  }
0x362: {  	[tilespmem:v1+s13+$0x0] =	vst.idx.add.f32.msk $0xffff, v3  }
0x363: {  	[tilespmem:v2+s13+$0x0] =	vst.idx.add.f32.msk $0xffff, v4  }
0x364: {  	v1 =	vld [tilespmem:$0x2700];
	_ =	sdelay $0x4  }
0x365: {  	v2 =	vand.u32 $0xFFFF, v1;
	_ =	sdelay $0x3  }
0x366: {  	v3 =	vld [tilespmem:$0x9D80]  }
0x367: {  	v2 =	vld.idx.msk [tilespmem:v2+s8+$0x0], $0xffff;
	_ =	sdelay $0x1  }
0x368: {  	v1 =	vshrl.u32 v1, $0x10;
	_ =	sdelay $0x2  }
0x369: {  	v2 =	vmul.f32 v3, v2;
	_ =	sdelay $0x1  }
0x36a: {  	[tilespmem:v1+s13+$0x0] =	vst.idx.add.f32.msk $0xffff, v2  }
0x36b: {  	_ =	swait.ge [sflag:s14], $0x2710  }
0x36c: {  	[sflag:s14] =	ssyncset.done $0x0  }
0x36d: {  	[sflag:s14] =	ssyncadd.s32 $0xFFFFD8F0  }
0x36e: {  	_ =	swait.ge [sflag:s14], $0x2710  }
0x36f: {  	[sflag:s14] =	ssyncset.done $0x0  }
0x370: {  	[sflag:s14] =	ssyncadd.s32 $0xFFFFD8F0  }
0x371: {  	[tilespmem:s15], [sflag:$0x3] =	stream.linear.gather [hbm4b:s22+s1], $0x2710, $0x38;
	[tilespmem:$0x13C00] =	vst v63  }
0x372: {  	s19 =	simm.s32 $0x27C0  }
0x373: {  	[tilespmem:s16], [sflag:$0x3] =	stream.linear.gather [hbm4b:s23+s1], $0x2710, $0x38;
	[tilespmem:$0x13C00] =	vst v63  }
0x374: {  	v1 =	vld [tilespmem:s19+$0x30]  }
0x375: {  	v2 =	vld [tilespmem:s19+$0xFFFFFFD0]  }
0x376: {  	v3 =	vld [tilespmem:s19+$0xFFFFFFE0]  }
0x377: {  	v4 =	vld [tilespmem:s19+$0xFFFFFFF0]  }
0x378: {  	v5 =	vld [tilespmem:s19+$0x0]  }
0x379: {  	v7 =	vld [tilespmem:s19+$0x10]  }
0x37a: {  	v9 =	vld [tilespmem:s19+$0xFFFFFFC0]  }
0x37b: {  	v11 =	vld [tilespmem:s19+$0x20];
	s19 =	simm.s32 $0x9E40;
	v6 =	vand.u32 $0xFFFF, v1  }
0x37c: {  	v15 =	vld [tilespmem:s19+$0x30]  }
0x37d: {  	v59 =	vld [tilespmem:s19+$0xFFFFFFD0]  }
0x37e: {  	v60 =	vld [tilespmem:s19+$0xFFFFFFE0]  }
0x37f: {  	v18 =	vld [tilespmem:s19+$0xFFFFFFF0];
	v8 =	vand.u32 $0xFFFF, v2  }
0x380: {  	v13 =	vand.u32 $0xFFFF, v5;
	v6 =	vld.idx.msk [tilespmem:v6+s8+$0x0], $0xffff  }
0x381: {  	v19 =	vld [tilespmem:s19+$0x0];
	v16 =	vand.u32 $0xFFFF, v9  }
0x382: {  	v61 =	vld [tilespmem:s19+$0x10];
	v1 =	vshrl.u32 v1, $0x10  }
0x383: {  	v62 =	vld [tilespmem:s19+$0x20]  }
0x384: {  	v12 =	vand.u32 $0xFFFF, v4;
	v8 =	vld.idx.msk [tilespmem:v8+s8+$0x0], $0xffff  }
0x385: {  	v10 =	vand.u32 $0xFFFF, v3;
	v13 =	vld.idx.msk [tilespmem:v13+s8+$0x0], $0xffff;
	v6 =	vmul.f32 v15, v6  }
0x386: {  	v14 =	vand.u32 $0xFFFF, v7;
	v58 =	vld.idx.msk [tilespmem:v16+s8+$0x0], $0xffff  }
0x387: {  	v17 =	vand.u32 $0xFFFF, v11;
	[tilespmem:v1+s13+$0x0] =	vst.idx.add.f32.msk $0xffff, v6  }
0x388: {  	v2 =	vshrl.u32 v2, $0x10;
	v1 =	vld [tilespmem:s19+$0xFFFFFFC0]  }
0x389: {  	v5 =	vshrl.u32 v5, $0x10;
	v12 =	vld.idx.msk [tilespmem:v12+s8+$0x0], $0xffff  }
0x38a: {  	v9 =	vshrl.u32 v9, $0x10;
	v10 =	vld.idx.msk [tilespmem:v10+s8+$0x0], $0xffff  }
0x38b: {  	v4 =	vshrl.u32 v4, $0x10;
	v14 =	vld.idx.msk [tilespmem:v14+s8+$0x0], $0xffff;
	v8 =	vmul.f32 v59, v8  }
0x38c: {  	v3 =	vshrl.u32 v3, $0x10;
	v63 =	vmul.f32 v19, v13;
	v6 =	vld.idx.msk [tilespmem:v17+s8+$0x0], $0xffff  }
0x38d: {  	[tilespmem:v2+s13+$0x0] =	vst.idx.add.f32.msk $0xffff, v8;
	v1 =	vmul.f32 v1, v58  }
0x38e: {  	v2 =	vmul.f32 v18, v12;
	[tilespmem:v5+s13+$0x0] =	vst.idx.add.f32.msk $0xffff, v63  }
0x38f: {  	[tilespmem:v9+s13+$0x0] =	vst.idx.add.f32.msk $0xffff, v1;
	v1 =	vmul.f32 v60, v10  }
0x390: {  	[tilespmem:v4+s13+$0x0] =	vst.idx.add.f32.msk $0xffff, v2;
	v2 =	vshrl.u32 v11, $0x10  }
0x391: {  	s20 =	simm.s32 $0x0;
	s21 =	simm.s32 $0x2840;
	v4 =	vmul.f32 v62, v6;
	[tilespmem:v3+s13+$0x0] =	vst.idx.add.f32.msk $0xffff, v1;
	v1 =	vshrl.u32 v7, $0x10;
	v3 =	vmul.f32 v61, v14  }
.LBB2_24:
0x392: {  	v5 =	vld [tilespmem:s21+$0x30];
	s20 =	sadd.s32 $0x8, s20  }
0x393: {  	v6 =	vld [tilespmem:s21+$0xFFFFFFD0];
	p0 =	slt.u32 s20, $0x268  }
0x394: {  	v7 =	vld [tilespmem:s21+$0xFFFFFFE0]  }
0x395: {  	v8 =	vld [tilespmem:s21+$0xFFFFFFF0]  }
0x396: {  	v9 =	vld [tilespmem:s21+$0x0]  }
0x397: {  	v10 =	vld [tilespmem:s21+$0x10];
	v11 =	vand.u32 $0xFFFF, v5  }
0x398: {  	v12 =	vshrl.u32 v6, $0x10;
	v6 =	vand.u32 $0xFFFF, v6;
	v13 =	vld [tilespmem:s21+$0x20]  }
0x399: {  	v14 =	vld [tilespmem:s21+$0xFFFFFFC0];
	v15 =	vshrl.u32 v7, $0x10;
	v7 =	vand.u32 $0xFFFF, v7  }
0x39a: {  	v16 =	vshrl.u32 v8, $0x10;
	v8 =	vand.u32 $0xFFFF, v8;
	[tilespmem:v1+s13+$0x0] =	vst.idx.add.f32.msk $0xffff, v3  }
0x39b: {  	v17 =	vshrl.u32 v9, $0x10;
	v3 =	vand.u32 $0xFFFF, v9;
	[tilespmem:v2+s13+$0x0] =	vst.idx.add.f32.msk $0xffff, v4  }
0x39c: {  	s19 =	sadd.s32 $0x80, s19;
	v1 =	vshrl.u32 v10, $0x10;
	v4 =	vand.u32 $0xFFFF, v10;
	v9 =	vld.idx.msk [tilespmem:v11+s8+$0x0], $0xffff  }
0x39d: {  	v2 =	vshrl.u32 v13, $0x10;
	v10 =	vand.u32 $0xFFFF, v13;
	v11 =	vld [tilespmem:s19+$0x30]  }
0x39e: {  	v13 =	vshrl.u32 v14, $0x10;
	v14 =	vand.u32 $0xFFFF, v14;
	v6 =	vld.idx.msk [tilespmem:v6+s8+$0x0], $0xffff  }
0x39f: {  	v5 =	vshrl.u32 v5, $0x10;
	v7 =	vld.idx.msk [tilespmem:v7+s8+$0x0], $0xffff  }
0x3a0: {  	v8 =	vld.idx.msk [tilespmem:v8+s8+$0x0], $0xffff  }
0x3a1: {  	v3 =	vld.idx.msk [tilespmem:v3+s8+$0x0], $0xffff  }
0x3a2: {  	v4 =	vld.idx.msk [tilespmem:v4+s8+$0x0], $0xffff;
	v9 =	vmul.f32 v11, v9  }
0x3a3: {  	v11 =	vld.idx.msk [tilespmem:v14+s8+$0x0], $0xffff  }
0x3a4: {  	[tilespmem:v5+s13+$0x0] =	vst.idx.add.f32.msk $0xffff, v9  }
0x3a5: {  	v5 =	vld.idx.msk [tilespmem:v10+s8+$0x0], $0xffff  }
0x3a6: {  	v9 =	vld [tilespmem:s19+$0xFFFFFFC0]  }
0x3a7: {  	v10 =	vld [tilespmem:s19+$0xFFFFFFD0]  }
0x3a8: {  	v14 =	vld [tilespmem:s19+$0xFFFFFFE0]  }
0x3a9: {  	v18 =	vld [tilespmem:s19+$0xFFFFFFF0]  }
0x3aa: {  	v19 =	vld [tilespmem:s19+$0x0]  }
0x3ab: {  	v9 =	vmul.f32 v9, v11;
	v11 =	vld [tilespmem:s19+$0x10]  }
0x3ac: {  	v6 =	vmul.f32 v10, v6;
	v10 =	vld [tilespmem:s19+$0x20]  }
.Ltmp11:
0x3ad: {  	[tilespmem:v13+s13+$0x0] =	vst.idx.add.f32.msk $0xffff, v9;
	v7 =	vmul.f32 v14, v7;
	(pc) =	sbr.rel @p0 .LBB2_24-.Ltmp11, $4  }
0x3ae: {  	[tilespmem:v12+s13+$0x0] =	vst.idx.add.f32.msk $0xffff, v6;
	v6 =	vmul.f32 v18, v8  }
0x3af: {  	[tilespmem:v15+s13+$0x0] =	vst.idx.add.f32.msk $0xffff, v7;
	v7 =	vmul.f32 v19, v3  }
0x3b0: {  	[tilespmem:v16+s13+$0x0] =	vst.idx.add.f32.msk $0xffff, v6;
	v3 =	vmul.f32 v11, v4  }
0x3b1: {  	s21 =	sadd.s32 $0x80, s21;
	[tilespmem:v17+s13+$0x0] =	vst.idx.add.f32.msk $0xffff, v7;
	v4 =	vmul.f32 v10, v5  }
0x3b2: {  	_ =	sdelay $0x3  }
0x3b3: {  	[tilespmem:v1+s13+$0x0] =	vst.idx.add.f32.msk $0xffff, v3  }
0x3b4: {  	[tilespmem:v2+s13+$0x0] =	vst.idx.add.f32.msk $0xffff, v4  }
0x3b5: {  	v1 =	vld [tilespmem:$0x4E80];
	_ =	sdelay $0x4  }
0x3b6: {  	v2 =	vand.u32 $0xFFFF, v1;
	_ =	sdelay $0x3  }
0x3b7: {  	v3 =	vld [tilespmem:$0xC500]  }
0x3b8: {  	v2 =	vld.idx.msk [tilespmem:v2+s8+$0x0], $0xffff;
	_ =	sdelay $0x1  }
0x3b9: {  	v1 =	vshrl.u32 v1, $0x10;
	_ =	sdelay $0x2  }
0x3ba: {  	v2 =	vmul.f32 v3, v2;
	_ =	sdelay $0x1  }
0x3bb: {  	[tilespmem:v1+s13+$0x0] =	vst.idx.add.f32.msk $0xffff, v2  }
0x3bc: {  	_ =	swait.ge [sflag:s17], $0x2710  }
0x3bd: {  	[sflag:s17] =	ssyncset.done $0x0  }
0x3be: {  	[sflag:s17] =	ssyncadd.s32 $0xFFFFD8F0  }
0x3bf: {  	_ =	swait.ge [sflag:s17], $0x2710  }
0x3c0: {  	[sflag:s17] =	ssyncset.done $0x0  }
0x3c1: {  	[sflag:s17] =	ssyncadd.s32 $0xFFFFD8F0  }
0x3c2: {  	[tilespmem:s1], [sflag:$0x1] =	stream.linear.gather [hbm4b:s24+s1], $0x2710, $0x38;
	[tilespmem:$0x13C00] =	vst v63  }
0x3c3: {  	s19 =	simm.s32 $0x4F40  }
0x3c4: {  	[tilespmem:s7], [sflag:$0x1] =	stream.linear.gather [hbm4b:s25+s1], $0x2710, $0x38;
	[tilespmem:$0x13C00] =	vst v63  }
0x3c5: {  	v1 =	vld [tilespmem:s19+$0x30]  }
0x3c6: {  	v2 =	vld [tilespmem:s19+$0xFFFFFFD0]  }
0x3c7: {  	v3 =	vld [tilespmem:s19+$0xFFFFFFE0]  }
0x3c8: {  	v4 =	vld [tilespmem:s19+$0xFFFFFFF0]  }
0x3c9: {  	v5 =	vld [tilespmem:s19+$0x0]  }
0x3ca: {  	v7 =	vld [tilespmem:s19+$0x10]  }
0x3cb: {  	v9 =	vld [tilespmem:s19+$0xFFFFFFC0]  }
0x3cc: {  	v11 =	vld [tilespmem:s19+$0x20];
	s19 =	simm.s32 $0xC5C0;
	v6 =	vand.u32 $0xFFFF, v1  }
0x3cd: {  	v15 =	vld [tilespmem:s19+$0x30]  }
0x3ce: {  	v59 =	vld [tilespmem:s19+$0xFFFFFFD0]  }
0x3cf: {  	v60 =	vld [tilespmem:s19+$0xFFFFFFE0]  }
0x3d0: {  	v18 =	vld [tilespmem:s19+$0xFFFFFFF0];
	v8 =	vand.u32 $0xFFFF, v2  }
0x3d1: {  	v13 =	vand.u32 $0xFFFF, v5;
	v6 =	vld.idx.msk [tilespmem:v6+s8+$0x0], $0xffff  }
0x3d2: {  	v19 =	vld [tilespmem:s19+$0x0];
	v16 =	vand.u32 $0xFFFF, v9  }
0x3d3: {  	v61 =	vld [tilespmem:s19+$0x10];
	v1 =	vshrl.u32 v1, $0x10  }
0x3d4: {  	v62 =	vld [tilespmem:s19+$0x20]  }
0x3d5: {  	v12 =	vand.u32 $0xFFFF, v4;
	v8 =	vld.idx.msk [tilespmem:v8+s8+$0x0], $0xffff  }
0x3d6: {  	v10 =	vand.u32 $0xFFFF, v3;
	v13 =	vld.idx.msk [tilespmem:v13+s8+$0x0], $0xffff;
	v6 =	vmul.f32 v15, v6  }
0x3d7: {  	v14 =	vand.u32 $0xFFFF, v7;
	v58 =	vld.idx.msk [tilespmem:v16+s8+$0x0], $0xffff  }
0x3d8: {  	v17 =	vand.u32 $0xFFFF, v11;
	[tilespmem:v1+s13+$0x0] =	vst.idx.add.f32.msk $0xffff, v6  }
0x3d9: {  	v2 =	vshrl.u32 v2, $0x10;
	v1 =	vld [tilespmem:s19+$0xFFFFFFC0]  }
0x3da: {  	v5 =	vshrl.u32 v5, $0x10;
	v12 =	vld.idx.msk [tilespmem:v12+s8+$0x0], $0xffff  }
0x3db: {  	v9 =	vshrl.u32 v9, $0x10;
	v10 =	vld.idx.msk [tilespmem:v10+s8+$0x0], $0xffff  }
0x3dc: {  	v4 =	vshrl.u32 v4, $0x10;
	v14 =	vld.idx.msk [tilespmem:v14+s8+$0x0], $0xffff;
	v8 =	vmul.f32 v59, v8  }
0x3dd: {  	v3 =	vshrl.u32 v3, $0x10;
	v63 =	vmul.f32 v19, v13;
	v6 =	vld.idx.msk [tilespmem:v17+s8+$0x0], $0xffff  }
0x3de: {  	[tilespmem:v2+s13+$0x0] =	vst.idx.add.f32.msk $0xffff, v8;
	v1 =	vmul.f32 v1, v58  }
0x3df: {  	v2 =	vmul.f32 v18, v12;
	[tilespmem:v5+s13+$0x0] =	vst.idx.add.f32.msk $0xffff, v63  }
0x3e0: {  	[tilespmem:v9+s13+$0x0] =	vst.idx.add.f32.msk $0xffff, v1;
	v1 =	vmul.f32 v60, v10  }
0x3e1: {  	[tilespmem:v4+s13+$0x0] =	vst.idx.add.f32.msk $0xffff, v2;
	v2 =	vshrl.u32 v11, $0x10  }
0x3e2: {  	s20 =	simm.s32 $0x0;
	s21 =	simm.s32 $0x4FC0;
	v4 =	vmul.f32 v62, v6;
	[tilespmem:v3+s13+$0x0] =	vst.idx.add.f32.msk $0xffff, v1;
	v1 =	vshrl.u32 v7, $0x10;
	v3 =	vmul.f32 v61, v14  }
.LBB2_26:
0x3e3: {  	v5 =	vld [tilespmem:s21+$0x30];
	s20 =	sadd.s32 $0x8, s20  }
0x3e4: {  	v6 =	vld [tilespmem:s21+$0xFFFFFFD0];
	p0 =	slt.u32 s20, $0x268  }
0x3e5: {  	v7 =	vld [tilespmem:s21+$0xFFFFFFE0]  }
0x3e6: {  	v8 =	vld [tilespmem:s21+$0xFFFFFFF0]  }
0x3e7: {  	v9 =	vld [tilespmem:s21+$0x0]  }
0x3e8: {  	v10 =	vld [tilespmem:s21+$0x10];
	v11 =	vand.u32 $0xFFFF, v5  }
0x3e9: {  	v12 =	vshrl.u32 v6, $0x10;
	v6 =	vand.u32 $0xFFFF, v6;
	v13 =	vld [tilespmem:s21+$0x20]  }
0x3ea: {  	v14 =	vld [tilespmem:s21+$0xFFFFFFC0];
	v15 =	vshrl.u32 v7, $0x10;
	v7 =	vand.u32 $0xFFFF, v7  }
0x3eb: {  	v16 =	vshrl.u32 v8, $0x10;
	v8 =	vand.u32 $0xFFFF, v8;
	[tilespmem:v1+s13+$0x0] =	vst.idx.add.f32.msk $0xffff, v3  }
0x3ec: {  	v17 =	vshrl.u32 v9, $0x10;
	v3 =	vand.u32 $0xFFFF, v9;
	[tilespmem:v2+s13+$0x0] =	vst.idx.add.f32.msk $0xffff, v4  }
0x3ed: {  	s19 =	sadd.s32 $0x80, s19;
	v1 =	vshrl.u32 v10, $0x10;
	v4 =	vand.u32 $0xFFFF, v10;
	v9 =	vld.idx.msk [tilespmem:v11+s8+$0x0], $0xffff  }
0x3ee: {  	v2 =	vshrl.u32 v13, $0x10;
	v10 =	vand.u32 $0xFFFF, v13;
	v11 =	vld [tilespmem:s19+$0x30]  }
0x3ef: {  	v13 =	vshrl.u32 v14, $0x10;
	v14 =	vand.u32 $0xFFFF, v14;
	v6 =	vld.idx.msk [tilespmem:v6+s8+$0x0], $0xffff  }
0x3f0: {  	v5 =	vshrl.u32 v5, $0x10;
	v7 =	vld.idx.msk [tilespmem:v7+s8+$0x0], $0xffff  }
0x3f1: {  	v8 =	vld.idx.msk [tilespmem:v8+s8+$0x0], $0xffff  }
0x3f2: {  	v3 =	vld.idx.msk [tilespmem:v3+s8+$0x0], $0xffff  }
0x3f3: {  	v4 =	vld.idx.msk [tilespmem:v4+s8+$0x0], $0xffff;
	v9 =	vmul.f32 v11, v9  }
0x3f4: {  	v11 =	vld.idx.msk [tilespmem:v14+s8+$0x0], $0xffff  }
0x3f5: {  	[tilespmem:v5+s13+$0x0] =	vst.idx.add.f32.msk $0xffff, v9  }
0x3f6: {  	v5 =	vld.idx.msk [tilespmem:v10+s8+$0x0], $0xffff  }
0x3f7: {  	v9 =	vld [tilespmem:s19+$0xFFFFFFC0]  }
0x3f8: {  	v10 =	vld [tilespmem:s19+$0xFFFFFFD0]  }
0x3f9: {  	v14 =	vld [tilespmem:s19+$0xFFFFFFE0]  }
0x3fa: {  	v18 =	vld [tilespmem:s19+$0xFFFFFFF0]  }
0x3fb: {  	v19 =	vld [tilespmem:s19+$0x0]  }
0x3fc: {  	v9 =	vmul.f32 v9, v11;
	v11 =	vld [tilespmem:s19+$0x10]  }
0x3fd: {  	v6 =	vmul.f32 v10, v6;
	v10 =	vld [tilespmem:s19+$0x20]  }
.Ltmp12:
0x3fe: {  	[tilespmem:v13+s13+$0x0] =	vst.idx.add.f32.msk $0xffff, v9;
	v7 =	vmul.f32 v14, v7;
	(pc) =	sbr.rel @p0 .LBB2_26-.Ltmp12, $4  }
0x3ff: {  	[tilespmem:v12+s13+$0x0] =	vst.idx.add.f32.msk $0xffff, v6;
	v6 =	vmul.f32 v18, v8  }
0x400: {  	[tilespmem:v15+s13+$0x0] =	vst.idx.add.f32.msk $0xffff, v7;
	v7 =	vmul.f32 v19, v3  }
0x401: {  	[tilespmem:v16+s13+$0x0] =	vst.idx.add.f32.msk $0xffff, v6;
	v3 =	vmul.f32 v11, v4  }
0x402: {  	s21 =	sadd.s32 $0x80, s21;
	[tilespmem:v17+s13+$0x0] =	vst.idx.add.f32.msk $0xffff, v7;
	v4 =	vmul.f32 v10, v5  }
0x403: {  	_ =	sdelay $0x3  }
0x404: {  	[tilespmem:v1+s13+$0x0] =	vst.idx.add.f32.msk $0xffff, v3  }
0x405: {  	[tilespmem:v2+s13+$0x0] =	vst.idx.add.f32.msk $0xffff, v4  }
0x406: {  	v1 =	vld [tilespmem:$0x7600];
	_ =	sdelay $0x4  }
0x407: {  	v2 =	vand.u32 $0xFFFF, v1;
	_ =	sdelay $0x3  }
0x408: {  	v3 =	vld [tilespmem:$0xEC80]  }
0x409: {  	v2 =	vld.idx.msk [tilespmem:v2+s8+$0x0], $0xffff;
	_ =	sdelay $0x1  }
0x40a: {  	v1 =	vshrl.u32 v1, $0x10;
	_ =	sdelay $0x2  }
0x40b: {  	v2 =	vmul.f32 v3, v2;
	_ =	sdelay $0x1  }
0x40c: {  	[tilespmem:v1+s13+$0x0] =	vst.idx.add.f32.msk $0xffff, v2  }
0x40d: {  	_ =	swait.ge [sflag:s10], $0x2710  }
0x40e: {  	[sflag:s10] =	ssyncset.done $0x0  }
0x40f: {  	[sflag:s10] =	ssyncadd.s32 $0xFFFFD8F0  }
0x410: {  	_ =	swait.ge [sflag:s10], $0x2710  }
0x411: {  	[sflag:s10] =	ssyncset.done $0x0  }
0x412: {  	[sflag:s10] =	ssyncadd.s32 $0xFFFFD8F0  }
0x413: {  	[tilespmem:s11], [sflag:$0x2] =	stream.linear.gather [hbm4b:s26+s1], $0x2710, $0x38;
	[tilespmem:$0x13C00] =	vst v63  }
0x414: {  	s19 =	simm.s32 $0x40  }
0x415: {  	[tilespmem:s12], [sflag:$0x2] =	stream.linear.gather [hbm4b:s28+s1], $0x2710, $0x38;
	[tilespmem:$0x13C00] =	vst v63  }
0x416: {  	v1 =	vld [tilespmem:s19+$0x30]  }
0x417: {  	v2 =	vld [tilespmem:s19+$0xFFFFFFD0]  }
0x418: {  	v3 =	vld [tilespmem:s19+$0xFFFFFFE0]  }
0x419: {  	v4 =	vld [tilespmem:s19+$0xFFFFFFF0]  }
0x41a: {  	v5 =	vld [tilespmem:s19+$0x0]  }
0x41b: {  	v7 =	vld [tilespmem:s19+$0x10]  }
0x41c: {  	v9 =	vld [tilespmem:s19+$0xFFFFFFC0]  }
0x41d: {  	v11 =	vld [tilespmem:s19+$0x20];
	s19 =	simm.s32 $0x76C0;
	v6 =	vand.u32 $0xFFFF, v1  }
0x41e: {  	v15 =	vld [tilespmem:s19+$0x30]  }
0x41f: {  	v59 =	vld [tilespmem:s19+$0xFFFFFFD0]  }
0x420: {  	v60 =	vld [tilespmem:s19+$0xFFFFFFE0]  }
0x421: {  	v18 =	vld [tilespmem:s19+$0xFFFFFFF0];
	v8 =	vand.u32 $0xFFFF, v2  }
0x422: {  	v13 =	vand.u32 $0xFFFF, v5;
	v6 =	vld.idx.msk [tilespmem:v6+s8+$0x0], $0xffff  }
0x423: {  	v19 =	vld [tilespmem:s19+$0x0];
	v16 =	vand.u32 $0xFFFF, v9  }
0x424: {  	v61 =	vld [tilespmem:s19+$0x10];
	v1 =	vshrl.u32 v1, $0x10  }
0x425: {  	v62 =	vld [tilespmem:s19+$0x20]  }
0x426: {  	v12 =	vand.u32 $0xFFFF, v4;
	v8 =	vld.idx.msk [tilespmem:v8+s8+$0x0], $0xffff  }
0x427: {  	v10 =	vand.u32 $0xFFFF, v3;
	v13 =	vld.idx.msk [tilespmem:v13+s8+$0x0], $0xffff;
	v6 =	vmul.f32 v15, v6  }
0x428: {  	v14 =	vand.u32 $0xFFFF, v7;
	v58 =	vld.idx.msk [tilespmem:v16+s8+$0x0], $0xffff  }
0x429: {  	v17 =	vand.u32 $0xFFFF, v11;
	[tilespmem:v1+s13+$0x0] =	vst.idx.add.f32.msk $0xffff, v6  }
0x42a: {  	v2 =	vshrl.u32 v2, $0x10;
	v1 =	vld [tilespmem:s19+$0xFFFFFFC0]  }
0x42b: {  	v5 =	vshrl.u32 v5, $0x10;
	v12 =	vld.idx.msk [tilespmem:v12+s8+$0x0], $0xffff  }
0x42c: {  	v9 =	vshrl.u32 v9, $0x10;
	v10 =	vld.idx.msk [tilespmem:v10+s8+$0x0], $0xffff  }
0x42d: {  	v4 =	vshrl.u32 v4, $0x10;
	v14 =	vld.idx.msk [tilespmem:v14+s8+$0x0], $0xffff;
	v8 =	vmul.f32 v59, v8  }
0x42e: {  	v3 =	vshrl.u32 v3, $0x10;
	v63 =	vmul.f32 v19, v13;
	v6 =	vld.idx.msk [tilespmem:v17+s8+$0x0], $0xffff  }
0x42f: {  	[tilespmem:v2+s13+$0x0] =	vst.idx.add.f32.msk $0xffff, v8;
	v1 =	vmul.f32 v1, v58  }
0x430: {  	v2 =	vmul.f32 v18, v12;
	[tilespmem:v5+s13+$0x0] =	vst.idx.add.f32.msk $0xffff, v63  }
0x431: {  	[tilespmem:v9+s13+$0x0] =	vst.idx.add.f32.msk $0xffff, v1;
	v1 =	vmul.f32 v60, v10  }
0x432: {  	[tilespmem:v4+s13+$0x0] =	vst.idx.add.f32.msk $0xffff, v2;
	v2 =	vshrl.u32 v11, $0x10  }
0x433: {  	s20 =	simm.s32 $0x0;
	s21 =	simm.s32 $0xC0;
	v4 =	vmul.f32 v62, v6;
	[tilespmem:v3+s13+$0x0] =	vst.idx.add.f32.msk $0xffff, v1;
	v1 =	vshrl.u32 v7, $0x10;
	v3 =	vmul.f32 v61, v14  }
.LBB2_28:
0x434: {  	v5 =	vld [tilespmem:s21+$0x30];
	s20 =	sadd.s32 $0x8, s20  }
0x435: {  	v6 =	vld [tilespmem:s21+$0xFFFFFFD0];
	p0 =	slt.u32 s20, $0x268  }
0x436: {  	v7 =	vld [tilespmem:s21+$0xFFFFFFE0]  }
0x437: {  	v8 =	vld [tilespmem:s21+$0xFFFFFFF0]  }
0x438: {  	v9 =	vld [tilespmem:s21+$0x0]  }
0x439: {  	v10 =	vld [tilespmem:s21+$0x10];
	v11 =	vand.u32 $0xFFFF, v5  }
0x43a: {  	v12 =	vshrl.u32 v6, $0x10;
	v6 =	vand.u32 $0xFFFF, v6;
	v13 =	vld [tilespmem:s21+$0x20]  }
0x43b: {  	v14 =	vld [tilespmem:s21+$0xFFFFFFC0];
	v15 =	vshrl.u32 v7, $0x10;
	v7 =	vand.u32 $0xFFFF, v7  }
0x43c: {  	v16 =	vshrl.u32 v8, $0x10;
	v8 =	vand.u32 $0xFFFF, v8;
	[tilespmem:v1+s13+$0x0] =	vst.idx.add.f32.msk $0xffff, v3  }
0x43d: {  	v17 =	vshrl.u32 v9, $0x10;
	v3 =	vand.u32 $0xFFFF, v9;
	[tilespmem:v2+s13+$0x0] =	vst.idx.add.f32.msk $0xffff, v4  }
0x43e: {  	s19 =	sadd.s32 $0x80, s19;
	v1 =	vshrl.u32 v10, $0x10;
	v4 =	vand.u32 $0xFFFF, v10;
	v9 =	vld.idx.msk [tilespmem:v11+s8+$0x0], $0xffff  }
0x43f: {  	v2 =	vshrl.u32 v13, $0x10;
	v10 =	vand.u32 $0xFFFF, v13;
	v11 =	vld [tilespmem:s19+$0x30]  }
0x440: {  	v13 =	vshrl.u32 v14, $0x10;
	v14 =	vand.u32 $0xFFFF, v14;
	v6 =	vld.idx.msk [tilespmem:v6+s8+$0x0], $0xffff  }
0x441: {  	v5 =	vshrl.u32 v5, $0x10;
	v7 =	vld.idx.msk [tilespmem:v7+s8+$0x0], $0xffff  }
0x442: {  	v8 =	vld.idx.msk [tilespmem:v8+s8+$0x0], $0xffff  }
0x443: {  	v3 =	vld.idx.msk [tilespmem:v3+s8+$0x0], $0xffff  }
0x444: {  	v4 =	vld.idx.msk [tilespmem:v4+s8+$0x0], $0xffff;
	v9 =	vmul.f32 v11, v9  }
0x445: {  	v11 =	vld.idx.msk [tilespmem:v14+s8+$0x0], $0xffff  }
0x446: {  	[tilespmem:v5+s13+$0x0] =	vst.idx.add.f32.msk $0xffff, v9  }
0x447: {  	v5 =	vld.idx.msk [tilespmem:v10+s8+$0x0], $0xffff  }
0x448: {  	v9 =	vld [tilespmem:s19+$0xFFFFFFC0]  }
0x449: {  	v10 =	vld [tilespmem:s19+$0xFFFFFFD0]  }
0x44a: {  	v14 =	vld [tilespmem:s19+$0xFFFFFFE0]  }
0x44b: {  	v18 =	vld [tilespmem:s19+$0xFFFFFFF0]  }
0x44c: {  	v19 =	vld [tilespmem:s19+$0x0]  }
0x44d: {  	v9 =	vmul.f32 v9, v11;
	v11 =	vld [tilespmem:s19+$0x10]  }
0x44e: {  	v6 =	vmul.f32 v10, v6;
	v10 =	vld [tilespmem:s19+$0x20]  }
.Ltmp13:
0x44f: {  	[tilespmem:v13+s13+$0x0] =	vst.idx.add.f32.msk $0xffff, v9;
	v7 =	vmul.f32 v14, v7;
	(pc) =	sbr.rel @p0 .LBB2_28-.Ltmp13, $4  }
0x450: {  	[tilespmem:v12+s13+$0x0] =	vst.idx.add.f32.msk $0xffff, v6;
	v6 =	vmul.f32 v18, v8  }
0x451: {  	[tilespmem:v15+s13+$0x0] =	vst.idx.add.f32.msk $0xffff, v7;
	v7 =	vmul.f32 v19, v3  }
0x452: {  	[tilespmem:v16+s13+$0x0] =	vst.idx.add.f32.msk $0xffff, v6;
	v3 =	vmul.f32 v11, v4  }
0x453: {  	s21 =	sadd.s32 $0x80, s21;
	[tilespmem:v17+s13+$0x0] =	vst.idx.add.f32.msk $0xffff, v7;
	v4 =	vmul.f32 v10, v5  }
0x454: {  	_ =	sdelay $0x3  }
0x455: {  	[tilespmem:v1+s13+$0x0] =	vst.idx.add.f32.msk $0xffff, v3  }
0x456: {  	[tilespmem:v2+s13+$0x0] =	vst.idx.add.f32.msk $0xffff, v4  }
0x457: {  	v1 =	vld [tilespmem:$0x2700];
	_ =	sdelay $0x4  }
0x458: {  	v2 =	vand.u32 $0xFFFF, v1;
	_ =	sdelay $0x3  }
0x459: {  	v3 =	vld [tilespmem:$0x9D80]  }
0x45a: {  	v2 =	vld.idx.msk [tilespmem:v2+s8+$0x0], $0xffff;
	_ =	sdelay $0x1  }
0x45b: {  	v1 =	vshrl.u32 v1, $0x10;
	_ =	sdelay $0x2  }
0x45c: {  	v2 =	vmul.f32 v3, v2;
	_ =	sdelay $0x1  }
0x45d: {  	[tilespmem:v1+s13+$0x0] =	vst.idx.add.f32.msk $0xffff, v2  }
0x45e: {  	_ =	swait.ge [sflag:s14], $0x2710  }
0x45f: {  	[sflag:s14] =	ssyncset.done $0x0  }
0x460: {  	[sflag:s14] =	ssyncadd.s32 $0xFFFFD8F0  }
0x461: {  	_ =	swait.ge [sflag:s14], $0x2710  }
0x462: {  	[sflag:s14] =	ssyncset.done $0x0  }
0x463: {  	[sflag:s14] =	ssyncadd.s32 $0xFFFFD8F0  }
0x464: {  	[tilespmem:s15], [sflag:$0x3] =	stream.linear.gather [hbm4b:s29+s1], $0x2710, $0x38;
	[tilespmem:$0x13C00] =	vst v63  }
0x465: {  	s19 =	simm.s32 $0x27C0  }
0x466: {  	[tilespmem:s16], [sflag:$0x3] =	stream.linear.gather [hbm4b:s31+s1], $0x2710, $0x38;
	[tilespmem:$0x13C00] =	vst v63  }
0x467: {  	v1 =	vld [tilespmem:s19+$0x30]  }
0x468: {  	v2 =	vld [tilespmem:s19+$0xFFFFFFD0]  }
0x469: {  	v3 =	vld [tilespmem:s19+$0xFFFFFFE0]  }
0x46a: {  	v4 =	vld [tilespmem:s19+$0xFFFFFFF0]  }
0x46b: {  	v5 =	vld [tilespmem:s19+$0x0]  }
0x46c: {  	v7 =	vld [tilespmem:s19+$0x10]  }
0x46d: {  	v9 =	vld [tilespmem:s19+$0xFFFFFFC0]  }
0x46e: {  	v11 =	vld [tilespmem:s19+$0x20];
	s19 =	simm.s32 $0x9E40;
	v6 =	vand.u32 $0xFFFF, v1  }
0x46f: {  	v15 =	vld [tilespmem:s19+$0x30]  }
0x470: {  	v59 =	vld [tilespmem:s19+$0xFFFFFFD0]  }
0x471: {  	v60 =	vld [tilespmem:s19+$0xFFFFFFE0]  }
0x472: {  	v18 =	vld [tilespmem:s19+$0xFFFFFFF0];
	v8 =	vand.u32 $0xFFFF, v2  }
0x473: {  	v13 =	vand.u32 $0xFFFF, v5;
	v6 =	vld.idx.msk [tilespmem:v6+s8+$0x0], $0xffff  }
0x474: {  	v19 =	vld [tilespmem:s19+$0x0];
	v16 =	vand.u32 $0xFFFF, v9  }
0x475: {  	v61 =	vld [tilespmem:s19+$0x10];
	v1 =	vshrl.u32 v1, $0x10  }
0x476: {  	v62 =	vld [tilespmem:s19+$0x20]  }
0x477: {  	v12 =	vand.u32 $0xFFFF, v4;
	v8 =	vld.idx.msk [tilespmem:v8+s8+$0x0], $0xffff  }
0x478: {  	v10 =	vand.u32 $0xFFFF, v3;
	v13 =	vld.idx.msk [tilespmem:v13+s8+$0x0], $0xffff;
	v6 =	vmul.f32 v15, v6  }
0x479: {  	v14 =	vand.u32 $0xFFFF, v7;
	v58 =	vld.idx.msk [tilespmem:v16+s8+$0x0], $0xffff  }
0x47a: {  	v17 =	vand.u32 $0xFFFF, v11;
	[tilespmem:v1+s13+$0x0] =	vst.idx.add.f32.msk $0xffff, v6  }
0x47b: {  	v2 =	vshrl.u32 v2, $0x10;
	v1 =	vld [tilespmem:s19+$0xFFFFFFC0]  }
0x47c: {  	v5 =	vshrl.u32 v5, $0x10;
	v12 =	vld.idx.msk [tilespmem:v12+s8+$0x0], $0xffff  }
0x47d: {  	v9 =	vshrl.u32 v9, $0x10;
	v10 =	vld.idx.msk [tilespmem:v10+s8+$0x0], $0xffff  }
0x47e: {  	v4 =	vshrl.u32 v4, $0x10;
	v14 =	vld.idx.msk [tilespmem:v14+s8+$0x0], $0xffff;
	v8 =	vmul.f32 v59, v8  }
0x47f: {  	v3 =	vshrl.u32 v3, $0x10;
	v63 =	vmul.f32 v19, v13;
	v6 =	vld.idx.msk [tilespmem:v17+s8+$0x0], $0xffff  }
0x480: {  	[tilespmem:v2+s13+$0x0] =	vst.idx.add.f32.msk $0xffff, v8;
	v1 =	vmul.f32 v1, v58  }
0x481: {  	v2 =	vmul.f32 v18, v12;
	[tilespmem:v5+s13+$0x0] =	vst.idx.add.f32.msk $0xffff, v63  }
0x482: {  	[tilespmem:v9+s13+$0x0] =	vst.idx.add.f32.msk $0xffff, v1;
	v1 =	vmul.f32 v60, v10  }
0x483: {  	[tilespmem:v4+s13+$0x0] =	vst.idx.add.f32.msk $0xffff, v2;
	v2 =	vshrl.u32 v11, $0x10  }
0x484: {  	s20 =	simm.s32 $0x0;
	s21 =	simm.s32 $0x2840;
	v4 =	vmul.f32 v62, v6;
	[tilespmem:v3+s13+$0x0] =	vst.idx.add.f32.msk $0xffff, v1;
	v1 =	vshrl.u32 v7, $0x10;
	v3 =	vmul.f32 v61, v14  }
.LBB2_30:
0x485: {  	v5 =	vld [tilespmem:s21+$0x30];
	s20 =	sadd.s32 $0x8, s20  }
0x486: {  	v6 =	vld [tilespmem:s21+$0xFFFFFFD0];
	p0 =	slt.u32 s20, $0x268  }
0x487: {  	v7 =	vld [tilespmem:s21+$0xFFFFFFE0]  }
0x488: {  	v8 =	vld [tilespmem:s21+$0xFFFFFFF0]  }
0x489: {  	v9 =	vld [tilespmem:s21+$0x0]  }
0x48a: {  	v10 =	vld [tilespmem:s21+$0x10];
	v11 =	vand.u32 $0xFFFF, v5  }
0x48b: {  	v12 =	vshrl.u32 v6, $0x10;
	v6 =	vand.u32 $0xFFFF, v6;
	v13 =	vld [tilespmem:s21+$0x20]  }
0x48c: {  	v14 =	vld [tilespmem:s21+$0xFFFFFFC0];
	v15 =	vshrl.u32 v7, $0x10;
	v7 =	vand.u32 $0xFFFF, v7  }
0x48d: {  	v16 =	vshrl.u32 v8, $0x10;
	v8 =	vand.u32 $0xFFFF, v8;
	[tilespmem:v1+s13+$0x0] =	vst.idx.add.f32.msk $0xffff, v3  }
0x48e: {  	v17 =	vshrl.u32 v9, $0x10;
	v3 =	vand.u32 $0xFFFF, v9;
	[tilespmem:v2+s13+$0x0] =	vst.idx.add.f32.msk $0xffff, v4  }
0x48f: {  	s19 =	sadd.s32 $0x80, s19;
	v1 =	vshrl.u32 v10, $0x10;
	v4 =	vand.u32 $0xFFFF, v10;
	v9 =	vld.idx.msk [tilespmem:v11+s8+$0x0], $0xffff  }
0x490: {  	v2 =	vshrl.u32 v13, $0x10;
	v10 =	vand.u32 $0xFFFF, v13;
	v11 =	vld [tilespmem:s19+$0x30]  }
0x491: {  	v13 =	vshrl.u32 v14, $0x10;
	v14 =	vand.u32 $0xFFFF, v14;
	v6 =	vld.idx.msk [tilespmem:v6+s8+$0x0], $0xffff  }
0x492: {  	v5 =	vshrl.u32 v5, $0x10;
	v7 =	vld.idx.msk [tilespmem:v7+s8+$0x0], $0xffff  }
0x493: {  	v8 =	vld.idx.msk [tilespmem:v8+s8+$0x0], $0xffff  }
0x494: {  	v3 =	vld.idx.msk [tilespmem:v3+s8+$0x0], $0xffff  }
0x495: {  	v4 =	vld.idx.msk [tilespmem:v4+s8+$0x0], $0xffff;
	v9 =	vmul.f32 v11, v9  }
0x496: {  	v11 =	vld.idx.msk [tilespmem:v14+s8+$0x0], $0xffff  }
0x497: {  	[tilespmem:v5+s13+$0x0] =	vst.idx.add.f32.msk $0xffff, v9  }
0x498: {  	v5 =	vld.idx.msk [tilespmem:v10+s8+$0x0], $0xffff  }
0x499: {  	v9 =	vld [tilespmem:s19+$0xFFFFFFC0]  }
0x49a: {  	v10 =	vld [tilespmem:s19+$0xFFFFFFD0]  }
0x49b: {  	v14 =	vld [tilespmem:s19+$0xFFFFFFE0]  }
0x49c: {  	v18 =	vld [tilespmem:s19+$0xFFFFFFF0]  }
0x49d: {  	v19 =	vld [tilespmem:s19+$0x0]  }
0x49e: {  	v9 =	vmul.f32 v9, v11;
	v11 =	vld [tilespmem:s19+$0x10]  }
0x49f: {  	v6 =	vmul.f32 v10, v6;
	v10 =	vld [tilespmem:s19+$0x20]  }
.Ltmp14:
0x4a0: {  	[tilespmem:v13+s13+$0x0] =	vst.idx.add.f32.msk $0xffff, v9;
	v7 =	vmul.f32 v14, v7;
	(pc) =	sbr.rel @p0 .LBB2_30-.Ltmp14, $4  }
0x4a1: {  	[tilespmem:v12+s13+$0x0] =	vst.idx.add.f32.msk $0xffff, v6;
	v6 =	vmul.f32 v18, v8  }
0x4a2: {  	[tilespmem:v15+s13+$0x0] =	vst.idx.add.f32.msk $0xffff, v7;
	v7 =	vmul.f32 v19, v3  }
0x4a3: {  	[tilespmem:v16+s13+$0x0] =	vst.idx.add.f32.msk $0xffff, v6;
	v3 =	vmul.f32 v11, v4  }
0x4a4: {  	s21 =	sadd.s32 $0x80, s21;
	[tilespmem:v17+s13+$0x0] =	vst.idx.add.f32.msk $0xffff, v7;
	v4 =	vmul.f32 v10, v5  }
0x4a5: {  	_ =	sdelay $0x3  }
0x4a6: {  	[tilespmem:v1+s13+$0x0] =	vst.idx.add.f32.msk $0xffff, v3  }
0x4a7: {  	[tilespmem:v2+s13+$0x0] =	vst.idx.add.f32.msk $0xffff, v4  }
0x4a8: {  	v1 =	vld [tilespmem:$0x4E80];
	_ =	sdelay $0x4  }
0x4a9: {  	v2 =	vand.u32 $0xFFFF, v1;
	_ =	sdelay $0x3  }
0x4aa: {  	v3 =	vld [tilespmem:$0xC500]  }
0x4ab: {  	v2 =	vld.idx.msk [tilespmem:v2+s8+$0x0], $0xffff;
	_ =	sdelay $0x1  }
0x4ac: {  	v1 =	vshrl.u32 v1, $0x10;
	_ =	sdelay $0x2  }
0x4ad: {  	v2 =	vmul.f32 v3, v2;
	_ =	sdelay $0x1  }
0x4ae: {  	[tilespmem:v1+s13+$0x0] =	vst.idx.add.f32.msk $0xffff, v2  }
0x4af: {  	_ =	swait.ge [sflag:s17], $0x2710  }
0x4b0: {  	[sflag:s17] =	ssyncset.done $0x0  }
0x4b1: {  	[sflag:s17] =	ssyncadd.s32 $0xFFFFD8F0  }
0x4b2: {  	_ =	swait.ge [sflag:s17], $0x2710  }
0x4b3: {  	[sflag:s17] =	ssyncset.done $0x0  }
0x4b4: {  	[sflag:s17] =	ssyncadd.s32 $0xFFFFD8F0  }
0x4b5: {  	[tilespmem:s1], [sflag:$0x1] =	stream.linear.gather [hbm4b:s2+s1], $0x2710, $0x38;
	[tilespmem:$0x13C00] =	vst v63  }
0x4b6: {  	s19 =	simm.s32 $0x4F40  }
0x4b7: {  	[tilespmem:s7], [sflag:$0x1] =	stream.linear.gather [hbm4b:s3+s1], $0x2710, $0x38;
	[tilespmem:$0x13C00] =	vst v63  }
0x4b8: {  	v1 =	vld [tilespmem:s19+$0x30]  }
0x4b9: {  	v2 =	vld [tilespmem:s19+$0xFFFFFFD0]  }
0x4ba: {  	v3 =	vld [tilespmem:s19+$0xFFFFFFE0]  }
0x4bb: {  	v4 =	vld [tilespmem:s19+$0xFFFFFFF0]  }
0x4bc: {  	v5 =	vld [tilespmem:s19+$0x0]  }
0x4bd: {  	v7 =	vld [tilespmem:s19+$0x10]  }
0x4be: {  	v9 =	vld [tilespmem:s19+$0xFFFFFFC0]  }
0x4bf: {  	v11 =	vld [tilespmem:s19+$0x20];
	s19 =	simm.s32 $0xC5C0;
	v6 =	vand.u32 $0xFFFF, v1  }
0x4c0: {  	v15 =	vld [tilespmem:s19+$0x30]  }
0x4c1: {  	v59 =	vld [tilespmem:s19+$0xFFFFFFD0]  }
0x4c2: {  	v60 =	vld [tilespmem:s19+$0xFFFFFFE0]  }
0x4c3: {  	v18 =	vld [tilespmem:s19+$0xFFFFFFF0];
	v8 =	vand.u32 $0xFFFF, v2  }
0x4c4: {  	v13 =	vand.u32 $0xFFFF, v5;
	v6 =	vld.idx.msk [tilespmem:v6+s8+$0x0], $0xffff  }
0x4c5: {  	v19 =	vld [tilespmem:s19+$0x0];
	v16 =	vand.u32 $0xFFFF, v9  }
0x4c6: {  	v61 =	vld [tilespmem:s19+$0x10];
	v1 =	vshrl.u32 v1, $0x10  }
0x4c7: {  	v62 =	vld [tilespmem:s19+$0x20]  }
0x4c8: {  	v12 =	vand.u32 $0xFFFF, v4;
	v8 =	vld.idx.msk [tilespmem:v8+s8+$0x0], $0xffff  }
0x4c9: {  	v10 =	vand.u32 $0xFFFF, v3;
	v13 =	vld.idx.msk [tilespmem:v13+s8+$0x0], $0xffff;
	v6 =	vmul.f32 v15, v6  }
0x4ca: {  	v14 =	vand.u32 $0xFFFF, v7;
	v58 =	vld.idx.msk [tilespmem:v16+s8+$0x0], $0xffff  }
0x4cb: {  	v17 =	vand.u32 $0xFFFF, v11;
	[tilespmem:v1+s13+$0x0] =	vst.idx.add.f32.msk $0xffff, v6  }
0x4cc: {  	v2 =	vshrl.u32 v2, $0x10;
	v1 =	vld [tilespmem:s19+$0xFFFFFFC0]  }
0x4cd: {  	v5 =	vshrl.u32 v5, $0x10;
	v12 =	vld.idx.msk [tilespmem:v12+s8+$0x0], $0xffff  }
0x4ce: {  	v9 =	vshrl.u32 v9, $0x10;
	v10 =	vld.idx.msk [tilespmem:v10+s8+$0x0], $0xffff  }
0x4cf: {  	v4 =	vshrl.u32 v4, $0x10;
	v14 =	vld.idx.msk [tilespmem:v14+s8+$0x0], $0xffff;
	v8 =	vmul.f32 v59, v8  }
0x4d0: {  	v3 =	vshrl.u32 v3, $0x10;
	v63 =	vmul.f32 v19, v13;
	v6 =	vld.idx.msk [tilespmem:v17+s8+$0x0], $0xffff  }
0x4d1: {  	[tilespmem:v2+s13+$0x0] =	vst.idx.add.f32.msk $0xffff, v8;
	v1 =	vmul.f32 v1, v58  }
0x4d2: {  	v2 =	vmul.f32 v18, v12;
	[tilespmem:v5+s13+$0x0] =	vst.idx.add.f32.msk $0xffff, v63  }
0x4d3: {  	[tilespmem:v9+s13+$0x0] =	vst.idx.add.f32.msk $0xffff, v1;
	v1 =	vmul.f32 v60, v10  }
0x4d4: {  	[tilespmem:v4+s13+$0x0] =	vst.idx.add.f32.msk $0xffff, v2;
	v2 =	vshrl.u32 v11, $0x10  }
0x4d5: {  	s20 =	simm.s32 $0x0;
	s21 =	simm.s32 $0x4FC0;
	v4 =	vmul.f32 v62, v6;
	[tilespmem:v3+s13+$0x0] =	vst.idx.add.f32.msk $0xffff, v1;
	v1 =	vshrl.u32 v7, $0x10;
	v3 =	vmul.f32 v61, v14  }
.LBB2_32:
0x4d6: {  	v5 =	vld [tilespmem:s21+$0x30];
	s20 =	sadd.s32 $0x8, s20  }
0x4d7: {  	v6 =	vld [tilespmem:s21+$0xFFFFFFD0];
	p0 =	slt.u32 s20, $0x268  }
0x4d8: {  	v7 =	vld [tilespmem:s21+$0xFFFFFFE0]  }
0x4d9: {  	v8 =	vld [tilespmem:s21+$0xFFFFFFF0]  }
0x4da: {  	v9 =	vld [tilespmem:s21+$0x0]  }
0x4db: {  	v10 =	vld [tilespmem:s21+$0x10];
	v11 =	vand.u32 $0xFFFF, v5  }
0x4dc: {  	v12 =	vshrl.u32 v6, $0x10;
	v6 =	vand.u32 $0xFFFF, v6;
	v13 =	vld [tilespmem:s21+$0x20]  }
0x4dd: {  	v14 =	vld [tilespmem:s21+$0xFFFFFFC0];
	v15 =	vshrl.u32 v7, $0x10;
	v7 =	vand.u32 $0xFFFF, v7  }
0x4de: {  	v16 =	vshrl.u32 v8, $0x10;
	v8 =	vand.u32 $0xFFFF, v8;
	[tilespmem:v1+s13+$0x0] =	vst.idx.add.f32.msk $0xffff, v3  }
0x4df: {  	v17 =	vshrl.u32 v9, $0x10;
	v3 =	vand.u32 $0xFFFF, v9;
	[tilespmem:v2+s13+$0x0] =	vst.idx.add.f32.msk $0xffff, v4  }
0x4e0: {  	s19 =	sadd.s32 $0x80, s19;
	v1 =	vshrl.u32 v10, $0x10;
	v4 =	vand.u32 $0xFFFF, v10;
	v9 =	vld.idx.msk [tilespmem:v11+s8+$0x0], $0xffff  }
0x4e1: {  	v2 =	vshrl.u32 v13, $0x10;
	v10 =	vand.u32 $0xFFFF, v13;
	v11 =	vld [tilespmem:s19+$0x30]  }
0x4e2: {  	v13 =	vshrl.u32 v14, $0x10;
	v14 =	vand.u32 $0xFFFF, v14;
	v6 =	vld.idx.msk [tilespmem:v6+s8+$0x0], $0xffff  }
0x4e3: {  	v5 =	vshrl.u32 v5, $0x10;
	v7 =	vld.idx.msk [tilespmem:v7+s8+$0x0], $0xffff  }
0x4e4: {  	v8 =	vld.idx.msk [tilespmem:v8+s8+$0x0], $0xffff  }
0x4e5: {  	v3 =	vld.idx.msk [tilespmem:v3+s8+$0x0], $0xffff  }
0x4e6: {  	v4 =	vld.idx.msk [tilespmem:v4+s8+$0x0], $0xffff;
	v9 =	vmul.f32 v11, v9  }
0x4e7: {  	v11 =	vld.idx.msk [tilespmem:v14+s8+$0x0], $0xffff  }
0x4e8: {  	[tilespmem:v5+s13+$0x0] =	vst.idx.add.f32.msk $0xffff, v9  }
0x4e9: {  	v5 =	vld.idx.msk [tilespmem:v10+s8+$0x0], $0xffff  }
0x4ea: {  	v9 =	vld [tilespmem:s19+$0xFFFFFFC0]  }
0x4eb: {  	v10 =	vld [tilespmem:s19+$0xFFFFFFD0]  }
0x4ec: {  	v14 =	vld [tilespmem:s19+$0xFFFFFFE0]  }
0x4ed: {  	v18 =	vld [tilespmem:s19+$0xFFFFFFF0]  }
0x4ee: {  	v19 =	vld [tilespmem:s19+$0x0]  }
0x4ef: {  	v9 =	vmul.f32 v9, v11;
	v11 =	vld [tilespmem:s19+$0x10]  }
0x4f0: {  	v6 =	vmul.f32 v10, v6;
	v10 =	vld [tilespmem:s19+$0x20]  }
.Ltmp15:
0x4f1: {  	[tilespmem:v13+s13+$0x0] =	vst.idx.add.f32.msk $0xffff, v9;
	v7 =	vmul.f32 v14, v7;
	(pc) =	sbr.rel @p0 .LBB2_32-.Ltmp15, $4  }
0x4f2: {  	[tilespmem:v12+s13+$0x0] =	vst.idx.add.f32.msk $0xffff, v6;
	v6 =	vmul.f32 v18, v8  }
0x4f3: {  	[tilespmem:v15+s13+$0x0] =	vst.idx.add.f32.msk $0xffff, v7;
	v7 =	vmul.f32 v19, v3  }
0x4f4: {  	[tilespmem:v16+s13+$0x0] =	vst.idx.add.f32.msk $0xffff, v6;
	v3 =	vmul.f32 v11, v4  }
0x4f5: {  	s21 =	sadd.s32 $0x80, s21;
	[tilespmem:v17+s13+$0x0] =	vst.idx.add.f32.msk $0xffff, v7;
	v4 =	vmul.f32 v10, v5  }
0x4f6: {  	_ =	sdelay $0x3  }
0x4f7: {  	[tilespmem:v1+s13+$0x0] =	vst.idx.add.f32.msk $0xffff, v3  }
0x4f8: {  	[tilespmem:v2+s13+$0x0] =	vst.idx.add.f32.msk $0xffff, v4  }
0x4f9: {  	v1 =	vld [tilespmem:$0x7600];
	_ =	sdelay $0x4  }
0x4fa: {  	v2 =	vand.u32 $0xFFFF, v1;
	_ =	sdelay $0x3  }
0x4fb: {  	v3 =	vld [tilespmem:$0xEC80]  }
0x4fc: {  	v2 =	vld.idx.msk [tilespmem:v2+s8+$0x0], $0xffff;
	_ =	sdelay $0x1  }
0x4fd: {  	v1 =	vshrl.u32 v1, $0x10;
	_ =	sdelay $0x2  }
0x4fe: {  	v2 =	vmul.f32 v3, v2;
	_ =	sdelay $0x1  }
0x4ff: {  	[tilespmem:v1+s13+$0x0] =	vst.idx.add.f32.msk $0xffff, v2  }
0x500: {  	_ =	swait.ge [sflag:s10], $0x2710  }
0x501: {  	[sflag:s10] =	ssyncset.done $0x0  }
0x502: {  	[sflag:s10] =	ssyncadd.s32 $0xFFFFD8F0  }
0x503: {  	_ =	swait.ge [sflag:s10], $0x2710  }
0x504: {  	[sflag:s10] =	ssyncset.done $0x0  }
0x505: {  	s19 =	simm.s32 $0x40;
	[sflag:s10] =	ssyncadd.s32 $0xFFFFD8F0  }
0x506: {  	v1 =	vld [tilespmem:s19+$0x30]  }
0x507: {  	v2 =	vld [tilespmem:s19+$0xFFFFFFD0]  }
0x508: {  	v3 =	vld [tilespmem:s19+$0xFFFFFFE0]  }
0x509: {  	v4 =	vld [tilespmem:s19+$0xFFFFFFF0]  }
0x50a: {  	v5 =	vld [tilespmem:s19+$0x0]  }
0x50b: {  	v7 =	vld [tilespmem:s19+$0x10]  }
0x50c: {  	v9 =	vld [tilespmem:s19+$0xFFFFFFC0]  }
0x50d: {  	v11 =	vld [tilespmem:s19+$0x20];
	s19 =	simm.s32 $0x76C0;
	v6 =	vand.u32 $0xFFFF, v1  }
0x50e: {  	v15 =	vld [tilespmem:s19+$0x30]  }
0x50f: {  	v59 =	vld [tilespmem:s19+$0xFFFFFFD0]  }
0x510: {  	v60 =	vld [tilespmem:s19+$0xFFFFFFE0]  }
0x511: {  	v18 =	vld [tilespmem:s19+$0xFFFFFFF0];
	v8 =	vand.u32 $0xFFFF, v2  }
0x512: {  	v13 =	vand.u32 $0xFFFF, v5;
	v6 =	vld.idx.msk [tilespmem:v6+s8+$0x0], $0xffff  }
0x513: {  	v19 =	vld [tilespmem:s19+$0x0];
	v16 =	vand.u32 $0xFFFF, v9  }
0x514: {  	v61 =	vld [tilespmem:s19+$0x10];
	v1 =	vshrl.u32 v1, $0x10  }
0x515: {  	v62 =	vld [tilespmem:s19+$0x20]  }
0x516: {  	v12 =	vand.u32 $0xFFFF, v4;
	v8 =	vld.idx.msk [tilespmem:v8+s8+$0x0], $0xffff  }
0x517: {  	v10 =	vand.u32 $0xFFFF, v3;
	v13 =	vld.idx.msk [tilespmem:v13+s8+$0x0], $0xffff;
	v6 =	vmul.f32 v15, v6  }
0x518: {  	v14 =	vand.u32 $0xFFFF, v7;
	v58 =	vld.idx.msk [tilespmem:v16+s8+$0x0], $0xffff  }
0x519: {  	v17 =	vand.u32 $0xFFFF, v11;
	[tilespmem:v1+s13+$0x0] =	vst.idx.add.f32.msk $0xffff, v6  }
0x51a: {  	v2 =	vshrl.u32 v2, $0x10;
	v1 =	vld [tilespmem:s19+$0xFFFFFFC0]  }
0x51b: {  	v5 =	vshrl.u32 v5, $0x10;
	v12 =	vld.idx.msk [tilespmem:v12+s8+$0x0], $0xffff  }
0x51c: {  	v9 =	vshrl.u32 v9, $0x10;
	v10 =	vld.idx.msk [tilespmem:v10+s8+$0x0], $0xffff  }
0x51d: {  	v4 =	vshrl.u32 v4, $0x10;
	v14 =	vld.idx.msk [tilespmem:v14+s8+$0x0], $0xffff;
	v8 =	vmul.f32 v59, v8  }
0x51e: {  	v3 =	vshrl.u32 v3, $0x10;
	v63 =	vmul.f32 v19, v13;
	v6 =	vld.idx.msk [tilespmem:v17+s8+$0x0], $0xffff  }
0x51f: {  	[tilespmem:v2+s13+$0x0] =	vst.idx.add.f32.msk $0xffff, v8;
	v1 =	vmul.f32 v1, v58  }
0x520: {  	v2 =	vmul.f32 v18, v12;
	[tilespmem:v5+s13+$0x0] =	vst.idx.add.f32.msk $0xffff, v63  }
0x521: {  	[tilespmem:v9+s13+$0x0] =	vst.idx.add.f32.msk $0xffff, v1;
	v1 =	vmul.f32 v60, v10  }
0x522: {  	[tilespmem:v4+s13+$0x0] =	vst.idx.add.f32.msk $0xffff, v2;
	v2 =	vshrl.u32 v11, $0x10  }
0x523: {  	s20 =	simm.s32 $0x0;
	s21 =	simm.s32 $0xC0;
	v4 =	vmul.f32 v62, v6;
	[tilespmem:v3+s13+$0x0] =	vst.idx.add.f32.msk $0xffff, v1;
	v1 =	vshrl.u32 v7, $0x10;
	v3 =	vmul.f32 v61, v14  }
.LBB2_34:
0x524: {  	v5 =	vld [tilespmem:s21+$0x30];
	s20 =	sadd.s32 $0x8, s20  }
0x525: {  	v6 =	vld [tilespmem:s21+$0xFFFFFFD0];
	p0 =	slt.u32 s20, $0x268  }
0x526: {  	v7 =	vld [tilespmem:s21+$0xFFFFFFE0]  }
0x527: {  	v8 =	vld [tilespmem:s21+$0xFFFFFFF0]  }
0x528: {  	v9 =	vld [tilespmem:s21+$0x0]  }
0x529: {  	v10 =	vld [tilespmem:s21+$0x10];
	v11 =	vand.u32 $0xFFFF, v5  }
0x52a: {  	v12 =	vshrl.u32 v6, $0x10;
	v6 =	vand.u32 $0xFFFF, v6;
	v13 =	vld [tilespmem:s21+$0x20]  }
0x52b: {  	v14 =	vld [tilespmem:s21+$0xFFFFFFC0];
	v15 =	vshrl.u32 v7, $0x10;
	v7 =	vand.u32 $0xFFFF, v7  }
0x52c: {  	v16 =	vshrl.u32 v8, $0x10;
	v8 =	vand.u32 $0xFFFF, v8;
	[tilespmem:v1+s13+$0x0] =	vst.idx.add.f32.msk $0xffff, v3  }
0x52d: {  	v17 =	vshrl.u32 v9, $0x10;
	v3 =	vand.u32 $0xFFFF, v9;
	[tilespmem:v2+s13+$0x0] =	vst.idx.add.f32.msk $0xffff, v4  }
0x52e: {  	s19 =	sadd.s32 $0x80, s19;
	v1 =	vshrl.u32 v10, $0x10;
	v4 =	vand.u32 $0xFFFF, v10;
	v9 =	vld.idx.msk [tilespmem:v11+s8+$0x0], $0xffff  }
0x52f: {  	v2 =	vshrl.u32 v13, $0x10;
	v10 =	vand.u32 $0xFFFF, v13;
	v11 =	vld [tilespmem:s19+$0x30]  }
0x530: {  	v13 =	vshrl.u32 v14, $0x10;
	v14 =	vand.u32 $0xFFFF, v14;
	v6 =	vld.idx.msk [tilespmem:v6+s8+$0x0], $0xffff  }
0x531: {  	v5 =	vshrl.u32 v5, $0x10;
	v7 =	vld.idx.msk [tilespmem:v7+s8+$0x0], $0xffff  }
0x532: {  	v8 =	vld.idx.msk [tilespmem:v8+s8+$0x0], $0xffff  }
0x533: {  	v3 =	vld.idx.msk [tilespmem:v3+s8+$0x0], $0xffff  }
0x534: {  	v4 =	vld.idx.msk [tilespmem:v4+s8+$0x0], $0xffff;
	v9 =	vmul.f32 v11, v9  }
0x535: {  	v11 =	vld.idx.msk [tilespmem:v14+s8+$0x0], $0xffff  }
0x536: {  	[tilespmem:v5+s13+$0x0] =	vst.idx.add.f32.msk $0xffff, v9  }
0x537: {  	v5 =	vld.idx.msk [tilespmem:v10+s8+$0x0], $0xffff  }
0x538: {  	v9 =	vld [tilespmem:s19+$0xFFFFFFC0]  }
0x539: {  	v10 =	vld [tilespmem:s19+$0xFFFFFFD0]  }
0x53a: {  	v14 =	vld [tilespmem:s19+$0xFFFFFFE0]  }
0x53b: {  	v18 =	vld [tilespmem:s19+$0xFFFFFFF0]  }
0x53c: {  	v19 =	vld [tilespmem:s19+$0x0]  }
0x53d: {  	v9 =	vmul.f32 v9, v11;
	v11 =	vld [tilespmem:s19+$0x10]  }
0x53e: {  	v6 =	vmul.f32 v10, v6;
	v10 =	vld [tilespmem:s19+$0x20]  }
.Ltmp16:
0x53f: {  	[tilespmem:v13+s13+$0x0] =	vst.idx.add.f32.msk $0xffff, v9;
	v7 =	vmul.f32 v14, v7;
	(pc) =	sbr.rel @p0 .LBB2_34-.Ltmp16, $4  }
0x540: {  	[tilespmem:v12+s13+$0x0] =	vst.idx.add.f32.msk $0xffff, v6;
	v6 =	vmul.f32 v18, v8  }
0x541: {  	[tilespmem:v15+s13+$0x0] =	vst.idx.add.f32.msk $0xffff, v7;
	v7 =	vmul.f32 v19, v3  }
0x542: {  	[tilespmem:v16+s13+$0x0] =	vst.idx.add.f32.msk $0xffff, v6;
	v3 =	vmul.f32 v11, v4  }
0x543: {  	s21 =	sadd.s32 $0x80, s21;
	[tilespmem:v17+s13+$0x0] =	vst.idx.add.f32.msk $0xffff, v7;
	v4 =	vmul.f32 v10, v5  }
0x544: {  	_ =	sdelay $0x3  }
0x545: {  	[tilespmem:v1+s13+$0x0] =	vst.idx.add.f32.msk $0xffff, v3  }
0x546: {  	[tilespmem:v2+s13+$0x0] =	vst.idx.add.f32.msk $0xffff, v4  }
0x547: {  	v1 =	vld [tilespmem:$0x2700];
	_ =	sdelay $0x4  }
0x548: {  	v2 =	vand.u32 $0xFFFF, v1;
	_ =	sdelay $0x3  }
0x549: {  	v3 =	vld [tilespmem:$0x9D80]  }
0x54a: {  	v2 =	vld.idx.msk [tilespmem:v2+s8+$0x0], $0xffff;
	_ =	sdelay $0x1  }
0x54b: {  	v1 =	vshrl.u32 v1, $0x10;
	_ =	sdelay $0x2  }
0x54c: {  	s18 =	sadd.s32 $0x1, s18;
	v2 =	vmul.f32 v3, v2  }
0x54d: {  	p0 =	sne.s32 s18, s6  }
.Ltmp17:
0x54e: {  	s19 =	simm.s32 $0x80;
	s20 =	simm.s32 $0x400;
	[tilespmem:v1+s13+$0x0] =	vst.idx.add.f32.msk $0xffff, v2;
	(pc) =	sbr.rel @p0 .LBB2_1-.Ltmp17, $4  }
0x54f: {  	[hbm4b:s5+s19] =	stream.strided.scatter [tilespmem:s13], [sflag:$0x4], $0x2780, s20, s19, $0x38;
	[tilespmem:$0x13C00] =	vst v63  }
0x550: {  	_ =	swait.ge [sflag:s9], $0x2780  }
0x551: {  	[sflag:s9] =	ssyncset.done $0x0  }
0x552: {  	[sflag:s9] =	ssyncadd.s32 $0xFFFFD880  }
0x553: {  	_ =	sfence.sel $0x180000  }
0x554: {  	[bflag:$0x0] =	sbarrier.arrive $0xFFFF  }
0x555: {  	_ =	strace $0x9000004A  }
0x556: {  	s0 =	stileid.u32;
	[bflag:$0x2] =	sbarrier.arrive $0xFFFF  }
0x557: {  	p0 =	sne.s32 s0, $0x0;
	s0 =	rddreg [dreg:$0x2]  }
0x558: {  	s0 =	sadd.s32 @!p0 $0x100000, s0  }
0x559: {  	[sflag:s0] =	ssyncadd.tile.s32 @!p0 $0x1;
	_ =	shalt  }
.Lfunc_end2:
_tile_overlayer_lowered:
.L_overlay_start_2:
0x55a: {  	(tag) =	ssettag $0x2  }
0x55b: {  	s0 =	rddreg [dreg:$0x0];
	s2 =	stileid.u32  }
0x55c: {  	s1 =	rddreg [dreg:$0x1];
	p0 =	sne.s32 s2, $0x0  }
0x55d: {  	s3 =	rddreg [dreg:$0x2];
	[bflag:$0x3] =	sbarrier.arrive $0xFFFF;
	s2 =	simm.s32 @!p0 $0x1C04  }
0x55e: {  	[timem:s3], [sflag:s2] =	dma.local @!p0 [hbm:s0], s1  }
0x55f: {  	s0 =	simm.s32 @!p0 $0x4  }
0x560: {  	_ =	swait.ge @!p0 [sflag:s0], s1  }
0x561: {  	s1 =	ssub.s32 @!p0 $0x0, s1;
	[sflag:s0] =	ssyncset.done @!p0 $0x0  }
0x562: {  	[sflag:s0] =	ssyncadd.s32 @!p0 s1  }
0x563: {  	[bflag:$0x3] =	sbarrier.arrive $0xFFFF  }
0x564: {  	_ =	shalt  }

// kernel: kernel.14.cloned.1.call-start
scs
__scs_entry_jumppad:
0x0: {  	(pc) =	sbr.rel $0x88, $3  }
0x1: {  	(tag) =	ssettag $0x0;
	lr =	simm.s32 $0x1  }
0x2: {  	[smem:$0x3F9A] =	sst lr;
	_ =	strace $0xD0000000  }
0x3: {  	_ = 	snop  }
0x4: {  	_ = 	snop  }
0x5: {  	_ = 	snop  }
0x6: {  	_ = 	snop  }
0x7: {  	_ = 	snop  }
__scs_overlays_trampoline_lowered:
0x8: {  	[smem:$0x3FA9] =	sst s0  }
0x9: {  	[smem:$0x3FAA] =	sst s1  }
0xa: {  	[smem:$0x3FAB] =	sst s2  }
0xb: {  	[smem:$0x3FAC] =	sst s3  }
0xc: {  	[smem:$0x3FAD] =	sst s4  }
0xd: {  	[smem:$0x3FAE] =	sst s5  }
0xe: {  	[smem:$0x3FAF] =	sst s6  }
0xf: {  	[smem:$0x3FB0] =	sst s7  }
0x10: {  	[smem:$0x3FB1] =	sst s8  }
0x11: {  	[smem:$0x3FB2] =	sst s9;
	s0 =	simm.s32 @!p0 $0x0  }
0x12: {  	s1 =	sld [smem:$0x3F98];
	s0 =	simm.s32 @p0 $0x1  }
0x13: {  	[smem:$0x3FB3] =	sst s0;
	s0 =	simm.s32 @!p1 $0x0  }
0x14: {  	s2 =	sld [smem:$0x3F97];
	s0 =	simm.s32 @p1 $0x1  }
0x15: {  	[smem:$0x3FB4] =	sst s0;
	s0 =	simm.s32 @!p2 $0x0  }
0x16: {  	s3 =	sld [smem:$0x3FDB];
	s0 =	simm.s32 @p2 $0x1  }
0x17: {  	s4 =	simm.s32 $0x1BF5;
	[smem:$0x3FB6] =	sst s0  }
0x18: {  	s0 =	sld [smem:$0x3F99];
	_ =	swait.ge [sflag:s4], $0x0  }
0x19: {  	s7 =	sld [smem:$0x3F9A]  }
0x1a: {  	s8 =	sadd.s32 $0xFFFFE003, lr  }
0x1b: {  	s9 =	sadd.s32 $0xFFFFFEF7, lr;
	s5 =	simm.s32 $0xFFFFFFFF;
	p2 =	slt.u32 s8, $0xFFFFF086  }
0x1c: {  	p1 =	slt.u32 s9, $0xF7A;
	s5 =	simm.s32 @!p2 $0x0  }
0x1d: {  	s5 =	simm.s32 @p1 $0x1;
	p0 =	seq.s32 s7, s2  }
0x1e: {  	s7 =	smul.u32 @!p0 $0xF7A, s2;
	p2 =	seq.s32 @!p0 s5, $0x0  }
0x1f: {  	s9 =	smul.u32 $0xF7A, s1;
	s8 =	simm.s32 @!p0 $0x1BF5;
	p2 =	por !p2, p0  }
0x20: {  	[sflag:s8] =	ssyncset.s32 @!p0 $0xFFFFF086;
	s6 =	sadd.s32 @!p0 s3, s7;
	s7 =	simm.s32 @!p0 $0x108  }
0x21: {  	s3 =	sadd.s32 s3, s9;
	s6 =	sadd.s32 @!p0 $0x88, s6;
	s7 =	simm.s32 @p2 $0x1082  }
0x22: {  	[simem:s7], [sflag:s8] =	dma.local @!p0 [hbm:s6], $0xF7A  }
0x23: {  	s9 =	sor.u32 $0xD0000000, s2;
	s6 =	simm.s32 $0x108;
	_ =	swait.ge @!p0 [sflag:s8], $0x0  }
0x24: {  	s3 =	sadd.s32 $0x88, s3;
	s6 =	simm.s32 @!p1 $0x1082;
	[sflag:s4] =	ssyncset.s32 $0xFFFFF086  }
0x25: {  	[simem:s6], [sflag:s4] =	dma.local [hbm:s3], $0xF7A  }
0x26: {  	[smem:$0x3F9A] =	sst s1;
	(tag) =	ssettag s2;
	_ =	strace s9  }
0x27: {  	s1 =	sld [smem:$0x3FAA]  }
0x28: {  	s2 =	sld [smem:$0x3FAB]  }
0x29: {  	s4 =	sld [smem:$0x3FAD]  }
0x2a: {  	p0 =	seq.s32 s5, $0x0;
	s5 =	sld [smem:$0x3FAE]  }
0x2b: {  	s6 =	sld [smem:$0x3FAF]  }
0x2c: {  	s7 =	sld [smem:$0x3FB0]  }
0x2d: {  	s3 =	simm.s32 $0x108;
	s8 =	sld [smem:$0x3FB1]  }
0x2e: {  	s3 =	simm.s32 @!p0 $0x1082;
	s9 =	sld [smem:$0x3FB2]  }
0x2f: {  	lr =	sadd.s32 s0, s3;
	s0 =	sld [smem:$0x3FA9]  }
0x30: {  	s3 =	sld [smem:$0x3FAC]  }
0x31: {  	[smem:$0x3FB5] =	sst s10  }
0x32: {  	s10 =	sld [smem:$0x3FB3];
	_ =	sdelay $0x3  }
0x33: {  	p0 =	seq.s32 s10, $0x1;
	s10 =	sld [smem:$0x3FB5];
	_ =	sdelay $0x3  }
0x34: {  	[smem:$0x3FB5] =	sst s10  }
0x35: {  	s10 =	sld [smem:$0x3FB4];
	_ =	sdelay $0x3  }
0x36: {  	p1 =	seq.s32 s10, $0x1;
	s10 =	sld [smem:$0x3FB5];
	_ =	sdelay $0x3  }
0x37: {  	[smem:$0x3FB5] =	sst s10  }
0x38: {  	s10 =	sld [smem:$0x3FB6]  }
0x39: {  	_ = 	snop;
	(pc) =	sbr.ind lr, $3  }
0x3a: {  	_ = 	snop  }
0x3b: {  	_ = 	snop  }
0x3c: {  	p2 =	seq.s32 s10, $0x1;
	s10 =	sld [smem:$0x3FB5]  }
0x3d: {  	_ =	shalt  }
0x3e: {  	_ =	shalt  }
0x3f: {  	_ =	shalt  }
0x40: {  	_ =	shalt  }
0x41: {  	_ =	shalt  }
0x42: {  	_ =	shalt  }
0x43: {  	_ =	shalt  }
0x44: {  	_ =	shalt  }
0x45: {  	_ =	shalt  }
0x46: {  	_ =	shalt  }
0x47: {  	_ =	shalt  }
0x48: {  	_ =	shalt  }
0x49: {  	_ =	shalt  }
0x4a: {  	_ =	shalt  }
0x4b: {  	_ =	shalt  }
0x4c: {  	_ =	shalt  }
0x4d: {  	_ =	shalt  }
0x4e: {  	_ =	shalt  }
0x4f: {  	_ =	shalt  }
0x50: {  	_ =	shalt  }
0x51: {  	_ =	shalt  }
0x52: {  	_ =	shalt  }
0x53: {  	_ =	shalt  }
0x54: {  	_ =	shalt  }
0x55: {  	_ =	shalt  }
0x56: {  	_ =	shalt  }
0x57: {  	_ =	shalt  }
0x58: {  	_ =	shalt  }
0x59: {  	_ =	shalt  }
0x5a: {  	_ =	shalt  }
0x5b: {  	_ =	shalt  }
0x5c: {  	_ =	shalt  }
0x5d: {  	_ =	shalt  }
0x5e: {  	_ =	shalt  }
0x5f: {  	_ =	shalt  }
0x60: {  	_ =	shalt  }
0x61: {  	_ =	shalt  }
0x62: {  	_ =	shalt  }
0x63: {  	_ =	shalt  }
0x64: {  	_ =	shalt  }
0x65: {  	_ =	shalt  }
0x66: {  	_ =	shalt  }
0x67: {  	_ =	shalt  }
0x68: {  	_ =	shalt  }
0x69: {  	_ =	shalt  }
0x6a: {  	_ =	shalt  }
0x6b: {  	_ =	shalt  }
0x6c: {  	_ =	shalt  }
0x6d: {  	_ =	shalt  }
0x6e: {  	_ =	shalt  }
0x6f: {  	_ =	shalt  }
0x70: {  	_ =	shalt  }
0x71: {  	_ =	shalt  }
0x72: {  	_ =	shalt  }
0x73: {  	_ =	shalt  }
0x74: {  	_ =	shalt  }
0x75: {  	_ =	shalt  }
0x76: {  	_ =	shalt  }
0x77: {  	_ =	shalt  }
0x78: {  	_ =	shalt  }
0x79: {  	_ =	shalt  }
0x7a: {  	_ =	shalt  }
0x7b: {  	_ =	shalt  }
0x7c: {  	_ =	shalt  }
0x7d: {  	_ =	shalt  }
0x7e: {  	_ =	shalt  }
0x7f: {  	_ =	shalt  }
0x80: {  	_ =	shalt  }
0x81: {  	_ =	shalt  }
0x82: {  	_ =	shalt  }
0x83: {  	_ =	shalt  }
0x84: {  	_ =	shalt  }
0x85: {  	_ =	shalt  }
0x86: {  	_ =	shalt  }
0x87: {  	_ =	shalt  }
.Lfunc_end0:
.L_simem_size_0:
called_computation.2_lowered:
.L_overlay_start_0:
0x88: {  	s2 =	sld [smem:$0x3FD9]  }
0x89: {  	s3 =	sld [smem:$0x3FFE];
	_ =	sdelay $0x1  }
0x8a: {  	s1 =	srdreg.scid  }
0x8b: {  	s0 =	sand.u32 $0x1, s1  }
0x8c: {  	s17 =	sshll.u32 s0, $0xA;
	s2 =	sadd.s32 s3, s2  }
0x8d: {  	s2 =	sadd.s32 s2, s17  }
0x8e: {  	[smem:$0x3FC1] =	sst s2  }
0x8f: {  	_ = 	snop  }
0x90: {  	s2 =	sld [smem:$0x3FC7];
	(tm) =	ssettm $0x1  }
0x91: {  	s18 =	sld [smem:$0x3FFB];
	_ =	sdelay $0x3  }
0x92: {  	_ =	strace s18  }
0x93: {  	s3 =	sld [smem:$0x3FFC];
	_ =	sdelay $0x3  }
0x94: {  	_ =	strace s3  }
0x95: {  	s3 =	sld [smem:$0x3FFD];
	_ =	sdelay $0x3  }
0x96: {  	_ =	strace s3  }
0x97: {  	_ =	strace $0x8FFFFFFF  }
0x98: {  	s19 =	sld [smem:$0x3FDB];
	_ =	sdelay $0x1  }
0x99: {  	s4 =	simm.s32 $_scs_section_size  }
0x9a: {  	s5 =	simm.s32 $_size__tile_overlayer_lowered;
	s6 =	simm.s32 $_tile_overlayer_lowered  }
0x9b: {  	s22 =	simm.s32 $0x1BFF;
	s21 =	sshll.u32 s6, $0x1;
	s3 =	sadd.s32 s4, s19  }
0x9c: {  	s7 =	simm.s32 $0x0;
	s20 =	sshll.u32 s5, $0x1;
	s5 =	sadd.s32 s21, s3  }
0x9d: {  	[timem:s7], [sflag:s22] =	dma.local [hbm:s5], s20  }
0x9e: {  	_ =	swait.ge [sflag:s22], s20  }
0x9f: {  	s4 =	ssub.s32 $0x0, s20;
	[sflag:s22] =	ssyncset.done $0x0  }
0xa0: {  	[sflag:s22] =	ssyncadd.s32 s4;
	_ =	sdelay $0x1  }
0xa1: {  	s23 =	simm.s32 $0x1B8B  }
0xa2: {  	_ =	swait.ge [sflag:s23], $0x1  }
0xa3: {  	[sflag:s23] =	ssyncset.done $0x0  }
0xa4: {  	s25 =	simm.s32 $0x1B8E;
	s24 =	sld [smem:$0x3FFE];
	[sflag:s23] =	ssyncadd.s32 $0xFFFFFFFF  }
0xa5: {  	s26 =	simm.s32 $execute0_lowered;
	[smem:$0x3FD2] =	sst s25  }
0xa6: {  	s5 =	sshll.u32 s26, $0x1;
	_ =	strace $0x8000004C;
	[dreg:$0x1] =	wrdreg $0xFFFFFFFF  }
0xa7: {  	s28 =	simm.s32 $_size_execute0_lowered;
	s3 =	sadd.s32 s3, s5;
	[dreg:$0x0] =	wrdreg $0x0  }
0xa8: {  	s5 =	sshll.u32 s28, $0x1;
	[dreg:$0x2] =	wrdreg s3  }
0xa9: {  	[dreg:$0x3] =	wrdreg s5  }
0xaa: {  	[dreg:$0x4] =	wrdreg $0xC0  }
0xab: {  	_ =	task [dreg:s7], $0x5FFFF  }
0xac: {  	[dreg:$0x1] =	wrdreg $0xFFFFFFFF  }
0xad: {  	[dreg:$0x0] =	wrdreg $0x60  }
0xae: {  	[dreg:$0x2] =	wrdreg s24  }
0xaf: {  	[dreg:$0x3] =	wrdreg s2  }
0xb0: {  	[dreg:$0x4] =	wrdreg $0x9  }
0xb1: {  	_ =	task.clear_ibuf [dreg:s7], $0x5FFFF;
	_ =	strace $0x9000004C  }
0xb2: {  	s29 =	simm.s32 $0x9;
	_ =	strace $0x8000004E  }
0xb3: {  	_ =	swait.ge [sflag:s29], $0x1  }
0xb4: {  	[sflag:s29] =	ssyncadd.s32 $0xFFFFFFFF  }
0xb5: {  	_ =	strace $0x9000004E  }
0xb6: {  	_ =	sfence  }
0xb7: {  	s30 =	sld [smem:$0x0];
	_ =	sdelay $0x2  }
0xb8: {  	s31 =	sshll.u32 s1, $0xD;
	s1 =	sshrl.u32 s1, $0x2  }
0xb9: {  	s3 =	sand.u32 $0x4000, s31;
	s1 =	sadd.s32 s1, s30  }
0xba: {  	s0 =	sor.u32 s3, s0;
	s1 =	sshll.u32 s1, $0x11  }
0xbb: {  	s0 =	sor.u32 s1, s0  }
0xbc: {  	s0 =	sadd.s32 $0x8F2B, s0  }
0xbd: {  	[sflag:s0] =	ssyncadd.remote.s32 $0x1  }
0xbe: {  	_ =	sfence.sel $0xFFFF  }
0xbf: {  	[dreg:$0x0] =	wrdreg $0xFFFFFFFF;
	(pc) =	sbr.abs _section_cstart, $3  }
0xc0: {  	[dreg:$0x1] =	wrdreg $0xFFFFFFFF  }
0xc1: {  	_ =	task.clear_ibuf [dreg:s7], $0x2FFFF;
	_ =	strace $0x9FFFFFFF  }
0xc2: {  	(tm) =	ssettm $0x7FFFFFFF  }
0xc3: {  	_ =	shalt  }
tec
execute0_lowered:
.L_overlay_start_1:
0x0: {  	(tag) =	ssettag $0x1  }
0x1: {  	s4 =	rddreg [dreg:$0x0]  }
0x2: {  	s1 =	srdreg.scid;
	s0 =	stileid.u32  }
0x3: {  	s5 =	rddreg [dreg:$0x1];
	s11 =	simm.s32 $0x7680;
	s12 =	simm.s32 $0x80  }
0x4: {  	s13 =	simm.s32 $0x400;
	s14 =	simm.s32 $0x2;
	s15 =	simm.s32 $0x0  }
0x5: {  	s3 =	sand.u32 $0x1, s1;
	s2 =	sshll.u32 s0, $0x1;
	s1 =	rddreg [dreg:$0x2]  }
0x6: {  	s7 =	sshrl.u32 s0, $0x2;
	s6 =	sor.u32 s3, s2;
	s2 =	simm.s32 $0x0  }
0x7: {  	s7 =	smul.u32 $0x13C00, s7;
	s31 =	ssub.s32 $0x2, s3;
	s3 =	sadd.s32 $0xBA00, s4  }
0x8: {  	s8 =	sshll.u32 s6, $0x7;
	[smem:$0x7FF] =	sst s2;
	s6 =	smul.u32 $0x4E2, s6  }
0x9: {  	s10 =	sshrl.u32 s31, $0x1;
	s8 =	sand.u32 $0x380, s8;
	_ =	strace $0x8000004D  }
0xa: {  	s7 =	sor.u32 s7, s8;
	s9 =	sadd.s32 s6, s4;
	s8 =	ssub.s32 s31, s10  }
0xb: {  	s5 =	sadd.s32 s5, s6;
	s10 =	simm.s32 $0x1;
	s7 =	sshrl.u32 s7, $0x3  }
0xc: {  	s7 =	sadd.s32 s7, s4;
	s4 =	sadd.s32 $0x1C00, s9;
	s9 =	simm.s32 $0x4F00  }
0xd: {  	v0 =	vimm.f32 $0.0e+00;
	s6 =	sadd.s32 $0xC000, s7;
	s7 =	smax.u32 s8, $0x1;
	s8 =	simm.s32 $0x2780  }
.LBB2_1:
0xe: {  	[tilespmem:s2], [sflag:$0x1] =	stream.linear.gather [hbm4b:s4+s2], $0x2710, $0x38;
	[tilespmem:$0x9E00] =	vst v63  }
0xf: {  	_ = 	snop  }
0x10: {  	[tilespmem:s8], [sflag:$0x1] =	stream.linear.gather [hbm4b:s5+s2], $0x2710, $0x38;
	[tilespmem:$0x9E00] =	vst v63  }
0x11: {  	s16 =	simm.s32 $0x76C0  }
0x12: {  	[tilespmem:s9], [sflag:$0x1] =	stream.linear.gather [hbm4b:s3+s2], $0x2780, $0x38;
	[tilespmem:$0x9E00] =	vst v63  }
0x13: {  	[tilespmem:s16+$0xFFFFFFC0] =	vst v0  }
0x14: {  	[tilespmem:s16+$0x30] =	vst v0  }
0x15: {  	[tilespmem:s16+$0x20] =	vst v0  }
0x16: {  	[tilespmem:s16+$0x10] =	vst v0  }
0x17: {  	[tilespmem:s16+$0x0] =	vst v0  }
0x18: {  	[tilespmem:s16+$0xFFFFFFF0] =	vst v0  }
0x19: {  	s17 =	simm.s32 $0x0;
	[tilespmem:s16+$0xFFFFFFE0] =	vst v0  }
.LBB2_2:
0x1a: {  	s17 =	sadd.s32 $0x8, s17;
	[tilespmem:s16+$0xFFFFFFD0] =	vst v0;
	s16 =	sadd.s32 $0x80, s16  }
0x1b: {  	[tilespmem:s16+$0xFFFFFFC0] =	vst v0;
	p0 =	slt.u32 s17, $0x268  }
0x1c: {  	[tilespmem:s16+$0x30] =	vst v0  }
.Ltmp0:
0x1d: {  	[tilespmem:s16+$0x20] =	vst v0;
	(pc) =	sbr.rel @p0 .LBB2_2-.Ltmp0, $4  }
0x1e: {  	[tilespmem:s16+$0x10] =	vst v0  }
0x1f: {  	[tilespmem:s16+$0x0] =	vst v0  }
0x20: {  	[tilespmem:s16+$0xFFFFFFF0] =	vst v0  }
0x21: {  	[tilespmem:s16+$0xFFFFFFE0] =	vst v0  }
0x22: {  	[tilespmem:s16+$0xFFFFFFD0] =	vst v0  }
0x23: {  	[tilespmem:$0x9D80] =	vst v0  }
0x24: {  	_ =	swait.ge [sflag:s10], $0x2710  }
0x25: {  	[sflag:s10] =	ssyncset.done $0x0  }
0x26: {  	[sflag:s10] =	ssyncadd.s32 $0xFFFFD8F0  }
0x27: {  	_ =	swait.ge [sflag:s10], $0x2710  }
0x28: {  	[sflag:s10] =	ssyncset.done $0x0  }
0x29: {  	[sflag:s10] =	ssyncadd.s32 $0xFFFFD8F0  }
0x2a: {  	_ =	swait.ge [sflag:s10], $0x2780  }
0x2b: {  	[sflag:s10] =	ssyncset.done $0x0  }
0x2c: {  	s31 =	simm.s32 $0x40;
	[sflag:s10] =	ssyncadd.s32 $0xFFFFD880  }
0x2d: {  	v1 =	vld [tilespmem:s31+$0x30]  }
0x2e: {  	v2 =	vld [tilespmem:s31+$0xFFFFFFD0]  }
0x2f: {  	v3 =	vld [tilespmem:s31+$0xFFFFFFE0]  }
0x30: {  	v4 =	vld [tilespmem:s31+$0xFFFFFFF0]  }
0x31: {  	v5 =	vld [tilespmem:s31+$0x0]  }
0x32: {  	v7 =	vld [tilespmem:s31+$0x10]  }
0x33: {  	v9 =	vld [tilespmem:s31+$0xFFFFFFC0]  }
0x34: {  	s16 =	simm.s32 $0x27C0;
	v11 =	vld [tilespmem:s31+$0x20];
	v6 =	vand.u32 $0xFFFF, v1  }
0x35: {  	v15 =	vld [tilespmem:s16+$0x30]  }
0x36: {  	v59 =	vld [tilespmem:s16+$0xFFFFFFD0]  }
0x37: {  	v60 =	vld [tilespmem:s16+$0xFFFFFFE0]  }
0x38: {  	v18 =	vld [tilespmem:s16+$0xFFFFFFF0];
	v8 =	vand.u32 $0xFFFF, v2  }
0x39: {  	v13 =	vand.u32 $0xFFFF, v5;
	v6 =	vld.idx.msk [tilespmem:v6+s9+$0x0], $0xffff  }
0x3a: {  	v19 =	vld [tilespmem:s16+$0x0];
	v16 =	vand.u32 $0xFFFF, v9  }
0x3b: {  	v61 =	vld [tilespmem:s16+$0x10];
	v1 =	vshrl.u32 v1, $0x10  }
0x3c: {  	v62 =	vld [tilespmem:s16+$0x20]  }
0x3d: {  	v12 =	vand.u32 $0xFFFF, v4;
	v8 =	vld.idx.msk [tilespmem:v8+s9+$0x0], $0xffff  }
0x3e: {  	v10 =	vand.u32 $0xFFFF, v3;
	v13 =	vld.idx.msk [tilespmem:v13+s9+$0x0], $0xffff;
	v6 =	vmul.f32 v15, v6  }
0x3f: {  	v14 =	vand.u32 $0xFFFF, v7;
	v58 =	vld.idx.msk [tilespmem:v16+s9+$0x0], $0xffff  }
0x40: {  	v17 =	vand.u32 $0xFFFF, v11;
	[tilespmem:v1+s11+$0x0] =	vst.idx.add.f32.msk $0xffff, v6  }
0x41: {  	v2 =	vshrl.u32 v2, $0x10;
	v1 =	vld [tilespmem:s16+$0xFFFFFFC0]  }
0x42: {  	v5 =	vshrl.u32 v5, $0x10;
	v12 =	vld.idx.msk [tilespmem:v12+s9+$0x0], $0xffff  }
0x43: {  	v9 =	vshrl.u32 v9, $0x10;
	v10 =	vld.idx.msk [tilespmem:v10+s9+$0x0], $0xffff  }
0x44: {  	v4 =	vshrl.u32 v4, $0x10;
	v14 =	vld.idx.msk [tilespmem:v14+s9+$0x0], $0xffff;
	v8 =	vmul.f32 v59, v8  }
0x45: {  	v3 =	vshrl.u32 v3, $0x10;
	v63 =	vmul.f32 v19, v13;
	v6 =	vld.idx.msk [tilespmem:v17+s9+$0x0], $0xffff  }
0x46: {  	[tilespmem:v2+s11+$0x0] =	vst.idx.add.f32.msk $0xffff, v8;
	v1 =	vmul.f32 v1, v58  }
0x47: {  	v2 =	vmul.f32 v18, v12;
	[tilespmem:v5+s11+$0x0] =	vst.idx.add.f32.msk $0xffff, v63  }
0x48: {  	[tilespmem:v9+s11+$0x0] =	vst.idx.add.f32.msk $0xffff, v1;
	v1 =	vmul.f32 v60, v10  }
0x49: {  	[tilespmem:v4+s11+$0x0] =	vst.idx.add.f32.msk $0xffff, v2;
	v2 =	vshrl.u32 v11, $0x10  }
0x4a: {  	s17 =	simm.s32 $0x0;
	s18 =	simm.s32 $0xC0;
	v4 =	vmul.f32 v62, v6;
	[tilespmem:v3+s11+$0x0] =	vst.idx.add.f32.msk $0xffff, v1;
	v1 =	vshrl.u32 v7, $0x10;
	v3 =	vmul.f32 v61, v14  }
.LBB2_4:
0x4b: {  	v5 =	vld [tilespmem:s18+$0x30];
	s17 =	sadd.s32 $0x8, s17  }
0x4c: {  	v6 =	vld [tilespmem:s18+$0xFFFFFFD0];
	p0 =	slt.u32 s17, $0x268  }
0x4d: {  	v7 =	vld [tilespmem:s18+$0xFFFFFFE0]  }
0x4e: {  	v8 =	vld [tilespmem:s18+$0xFFFFFFF0]  }
0x4f: {  	v9 =	vld [tilespmem:s18+$0x0]  }
0x50: {  	v10 =	vld [tilespmem:s18+$0x10];
	v11 =	vand.u32 $0xFFFF, v5  }
0x51: {  	v12 =	vshrl.u32 v6, $0x10;
	v6 =	vand.u32 $0xFFFF, v6;
	v13 =	vld [tilespmem:s18+$0x20]  }
0x52: {  	v14 =	vld [tilespmem:s18+$0xFFFFFFC0];
	v15 =	vshrl.u32 v7, $0x10;
	v7 =	vand.u32 $0xFFFF, v7  }
0x53: {  	v16 =	vshrl.u32 v8, $0x10;
	v8 =	vand.u32 $0xFFFF, v8;
	[tilespmem:v1+s11+$0x0] =	vst.idx.add.f32.msk $0xffff, v3  }
0x54: {  	v17 =	vshrl.u32 v9, $0x10;
	v3 =	vand.u32 $0xFFFF, v9;
	[tilespmem:v2+s11+$0x0] =	vst.idx.add.f32.msk $0xffff, v4  }
0x55: {  	s16 =	sadd.s32 $0x80, s16;
	v1 =	vshrl.u32 v10, $0x10;
	v4 =	vand.u32 $0xFFFF, v10;
	v9 =	vld.idx.msk [tilespmem:v11+s9+$0x0], $0xffff  }
0x56: {  	v2 =	vshrl.u32 v13, $0x10;
	v10 =	vand.u32 $0xFFFF, v13;
	v11 =	vld [tilespmem:s16+$0x30]  }
0x57: {  	v13 =	vshrl.u32 v14, $0x10;
	v14 =	vand.u32 $0xFFFF, v14;
	v6 =	vld.idx.msk [tilespmem:v6+s9+$0x0], $0xffff  }
0x58: {  	v5 =	vshrl.u32 v5, $0x10;
	v7 =	vld.idx.msk [tilespmem:v7+s9+$0x0], $0xffff  }
0x59: {  	v8 =	vld.idx.msk [tilespmem:v8+s9+$0x0], $0xffff  }
0x5a: {  	v3 =	vld.idx.msk [tilespmem:v3+s9+$0x0], $0xffff  }
0x5b: {  	v4 =	vld.idx.msk [tilespmem:v4+s9+$0x0], $0xffff;
	v9 =	vmul.f32 v11, v9  }
0x5c: {  	v11 =	vld.idx.msk [tilespmem:v14+s9+$0x0], $0xffff  }
0x5d: {  	[tilespmem:v5+s11+$0x0] =	vst.idx.add.f32.msk $0xffff, v9  }
0x5e: {  	v5 =	vld.idx.msk [tilespmem:v10+s9+$0x0], $0xffff  }
0x5f: {  	v9 =	vld [tilespmem:s16+$0xFFFFFFC0]  }
0x60: {  	v10 =	vld [tilespmem:s16+$0xFFFFFFD0]  }
0x61: {  	v14 =	vld [tilespmem:s16+$0xFFFFFFE0]  }
0x62: {  	v18 =	vld [tilespmem:s16+$0xFFFFFFF0]  }
0x63: {  	v19 =	vld [tilespmem:s16+$0x0]  }
0x64: {  	v9 =	vmul.f32 v9, v11;
	v11 =	vld [tilespmem:s16+$0x10]  }
0x65: {  	v6 =	vmul.f32 v10, v6;
	v10 =	vld [tilespmem:s16+$0x20]  }
.Ltmp1:
0x66: {  	[tilespmem:v13+s11+$0x0] =	vst.idx.add.f32.msk $0xffff, v9;
	v7 =	vmul.f32 v14, v7;
	(pc) =	sbr.rel @p0 .LBB2_4-.Ltmp1, $4  }
0x67: {  	[tilespmem:v12+s11+$0x0] =	vst.idx.add.f32.msk $0xffff, v6;
	v6 =	vmul.f32 v18, v8  }
0x68: {  	[tilespmem:v15+s11+$0x0] =	vst.idx.add.f32.msk $0xffff, v7;
	v7 =	vmul.f32 v19, v3  }
0x69: {  	[tilespmem:v16+s11+$0x0] =	vst.idx.add.f32.msk $0xffff, v6;
	v3 =	vmul.f32 v11, v4  }
0x6a: {  	s18 =	sadd.s32 $0x80, s18;
	[tilespmem:v17+s11+$0x0] =	vst.idx.add.f32.msk $0xffff, v7;
	v4 =	vmul.f32 v10, v5  }
0x6b: {  	_ =	sdelay $0x3  }
0x6c: {  	[tilespmem:v1+s11+$0x0] =	vst.idx.add.f32.msk $0xffff, v3  }
0x6d: {  	[tilespmem:v2+s11+$0x0] =	vst.idx.add.f32.msk $0xffff, v4  }
0x6e: {  	v1 =	vld [tilespmem:$0x2700];
	_ =	sdelay $0x4  }
0x6f: {  	v2 =	vand.u32 $0xFFFF, v1;
	_ =	sdelay $0x3  }
0x70: {  	v3 =	vld [tilespmem:$0x4E80]  }
0x71: {  	v2 =	vld.idx.msk [tilespmem:v2+s9+$0x0], $0xffff;
	_ =	sdelay $0x1  }
0x72: {  	v1 =	vshrl.u32 v1, $0x10;
	_ =	sdelay $0x2  }
0x73: {  	s15 =	sadd.s32 $0x1, s15;
	v2 =	vmul.f32 v3, v2  }
0x74: {  	p0 =	sne.s32 s15, s7  }
.Ltmp2:
0x75: {  	[tilespmem:v1+s11+$0x0] =	vst.idx.add.f32.msk $0xffff, v2;
	(pc) =	sbr.rel @p0 .LBB2_1-.Ltmp2, $4  }
0x76: {  	[hbm4b:s6+s12] =	stream.strided.scatter [tilespmem:s11], [sflag:$0x2], $0x2780, s13, s12, $0x38;
	[tilespmem:$0x9E00] =	vst v63  }
0x77: {  	_ =	swait.ge [sflag:s14], $0x2780  }
0x78: {  	[sflag:s14] =	ssyncset.done $0x0  }
0x79: {  	[sflag:s14] =	ssyncadd.s32 $0xFFFFD880  }
0x7a: {  	_ =	sfence.sel $0x180000  }
0x7b: {  	[bflag:$0x0] =	sbarrier.arrive $0xFFFF  }
0x7c: {  	p0 =	sne.s32 s0, $0x0;
	_ =	strace $0x9000004D  }
0x7d: {  	s0 =	sadd.s32 @!p0 $0x100000, s1;
	[bflag:$0x2] =	sbarrier.arrive $0xFFFF  }
0x7e: {  	[sflag:s0] =	ssyncadd.tile.s32 @!p0 $0x1;
	_ =	shalt  }
.Lfunc_end2:
_tile_overlayer_lowered:
.L_overlay_start_2:
0x7f: {  	(tag) =	ssettag $0x2  }
0x80: {  	s0 =	rddreg [dreg:$0x0];
	s2 =	stileid.u32  }
0x81: {  	s1 =	rddreg [dreg:$0x1];
	p0 =	sne.s32 s2, $0x0  }
0x82: {  	s3 =	rddreg [dreg:$0x2];
	[bflag:$0x3] =	sbarrier.arrive $0xFFFF;
	s2 =	simm.s32 @!p0 $0x1C02  }
0x83: {  	[timem:s3], [sflag:s2] =	dma.local @!p0 [hbm:s0], s1  }
0x84: {  	s0 =	simm.s32 @!p0 $0x2  }
0x85: {  	_ =	swait.ge @!p0 [sflag:s0], s1  }
0x86: {  	s1 =	ssub.s32 @!p0 $0x0, s1;
	[sflag:s0] =	ssyncset.done @!p0 $0x0  }
0x87: {  	[sflag:s0] =	ssyncadd.s32 @!p0 s1  }
0x88: {  	[bflag:$0x3] =	sbarrier.arrive $0xFFFF  }
0x89: {  	_ =	shalt  }

// kernel: kernel.8.cloned.1.call-start
scs
__scs_entry_jumppad:
0x0: {  	(pc) =	sbr.rel $0x88, $3  }
0x1: {  	(tag) =	ssettag $0x0;
	lr =	simm.s32 $0x1  }
0x2: {  	[smem:$0x3F9A] =	sst lr;
	_ =	strace $0xD0000000  }
0x3: {  	_ = 	snop  }
0x4: {  	_ = 	snop  }
0x5: {  	_ = 	snop  }
0x6: {  	_ = 	snop  }
0x7: {  	_ = 	snop  }
__scs_overlays_trampoline_lowered:
0x8: {  	[smem:$0x3FA9] =	sst s0  }
0x9: {  	[smem:$0x3FAA] =	sst s1  }
0xa: {  	[smem:$0x3FAB] =	sst s2  }
0xb: {  	[smem:$0x3FAC] =	sst s3  }
0xc: {  	[smem:$0x3FAD] =	sst s4  }
0xd: {  	[smem:$0x3FAE] =	sst s5  }
0xe: {  	[smem:$0x3FAF] =	sst s6  }
0xf: {  	[smem:$0x3FB0] =	sst s7  }
0x10: {  	[smem:$0x3FB1] =	sst s8  }
0x11: {  	[smem:$0x3FB2] =	sst s9;
	s0 =	simm.s32 @!p0 $0x0  }
0x12: {  	s1 =	sld [smem:$0x3F98];
	s0 =	simm.s32 @p0 $0x1  }
0x13: {  	[smem:$0x3FB3] =	sst s0;
	s0 =	simm.s32 @!p1 $0x0  }
0x14: {  	s2 =	sld [smem:$0x3F97];
	s0 =	simm.s32 @p1 $0x1  }
0x15: {  	[smem:$0x3FB4] =	sst s0;
	s0 =	simm.s32 @!p2 $0x0  }
0x16: {  	s3 =	sld [smem:$0x3FDB];
	s0 =	simm.s32 @p2 $0x1  }
0x17: {  	s4 =	simm.s32 $0x1BF5;
	[smem:$0x3FB6] =	sst s0  }
0x18: {  	s0 =	sld [smem:$0x3F99];
	_ =	swait.ge [sflag:s4], $0x0  }
0x19: {  	s7 =	sld [smem:$0x3F9A]  }
0x1a: {  	s8 =	sadd.s32 $0xFFFFE003, lr  }
0x1b: {  	s9 =	sadd.s32 $0xFFFFFEF7, lr;
	s5 =	simm.s32 $0xFFFFFFFF;
	p2 =	slt.u32 s8, $0xFFFFF086  }
0x1c: {  	p1 =	slt.u32 s9, $0xF7A;
	s5 =	simm.s32 @!p2 $0x0  }
0x1d: {  	s5 =	simm.s32 @p1 $0x1;
	p0 =	seq.s32 s7, s2  }
0x1e: {  	s7 =	smul.u32 @!p0 $0xF7A, s2;
	p2 =	seq.s32 @!p0 s5, $0x0  }
0x1f: {  	s9 =	smul.u32 $0xF7A, s1;
	s8 =	simm.s32 @!p0 $0x1BF5;
	p2 =	por !p2, p0  }
0x20: {  	[sflag:s8] =	ssyncset.s32 @!p0 $0xFFFFF086;
	s6 =	sadd.s32 @!p0 s3, s7;
	s7 =	simm.s32 @!p0 $0x108  }
0x21: {  	s3 =	sadd.s32 s3, s9;
	s6 =	sadd.s32 @!p0 $0x88, s6;
	s7 =	simm.s32 @p2 $0x1082  }
0x22: {  	[simem:s7], [sflag:s8] =	dma.local @!p0 [hbm:s6], $0xF7A  }
0x23: {  	s9 =	sor.u32 $0xD0000000, s2;
	s6 =	simm.s32 $0x108;
	_ =	swait.ge @!p0 [sflag:s8], $0x0  }
0x24: {  	s3 =	sadd.s32 $0x88, s3;
	s6 =	simm.s32 @!p1 $0x1082;
	[sflag:s4] =	ssyncset.s32 $0xFFFFF086  }
0x25: {  	[simem:s6], [sflag:s4] =	dma.local [hbm:s3], $0xF7A  }
0x26: {  	[smem:$0x3F9A] =	sst s1;
	(tag) =	ssettag s2;
	_ =	strace s9  }
0x27: {  	s1 =	sld [smem:$0x3FAA]  }
0x28: {  	s2 =	sld [smem:$0x3FAB]  }
0x29: {  	s4 =	sld [smem:$0x3FAD]  }
0x2a: {  	p0 =	seq.s32 s5, $0x0;
	s5 =	sld [smem:$0x3FAE]  }
0x2b: {  	s6 =	sld [smem:$0x3FAF]  }
0x2c: {  	s7 =	sld [smem:$0x3FB0]  }
0x2d: {  	s3 =	simm.s32 $0x108;
	s8 =	sld [smem:$0x3FB1]  }
0x2e: {  	s3 =	simm.s32 @!p0 $0x1082;
	s9 =	sld [smem:$0x3FB2]  }
0x2f: {  	lr =	sadd.s32 s0, s3;
	s0 =	sld [smem:$0x3FA9]  }
0x30: {  	s3 =	sld [smem:$0x3FAC]  }
0x31: {  	[smem:$0x3FB5] =	sst s10  }
0x32: {  	s10 =	sld [smem:$0x3FB3];
	_ =	sdelay $0x3  }
0x33: {  	p0 =	seq.s32 s10, $0x1;
	s10 =	sld [smem:$0x3FB5];
	_ =	sdelay $0x3  }
0x34: {  	[smem:$0x3FB5] =	sst s10  }
0x35: {  	s10 =	sld [smem:$0x3FB4];
	_ =	sdelay $0x3  }
0x36: {  	p1 =	seq.s32 s10, $0x1;
	s10 =	sld [smem:$0x3FB5];
	_ =	sdelay $0x3  }
0x37: {  	[smem:$0x3FB5] =	sst s10  }
0x38: {  	s10 =	sld [smem:$0x3FB6]  }
0x39: {  	_ = 	snop;
	(pc) =	sbr.ind lr, $3  }
0x3a: {  	_ = 	snop  }
0x3b: {  	_ = 	snop  }
0x3c: {  	p2 =	seq.s32 s10, $0x1;
	s10 =	sld [smem:$0x3FB5]  }
0x3d: {  	_ =	shalt  }
0x3e: {  	_ =	shalt  }
0x3f: {  	_ =	shalt  }
0x40: {  	_ =	shalt  }
0x41: {  	_ =	shalt  }
0x42: {  	_ =	shalt  }
0x43: {  	_ =	shalt  }
0x44: {  	_ =	shalt  }
0x45: {  	_ =	shalt  }
0x46: {  	_ =	shalt  }
0x47: {  	_ =	shalt  }
0x48: {  	_ =	shalt  }
0x49: {  	_ =	shalt  }
0x4a: {  	_ =	shalt  }
0x4b: {  	_ =	shalt  }
0x4c: {  	_ =	shalt  }
0x4d: {  	_ =	shalt  }
0x4e: {  	_ =	shalt  }
0x4f: {  	_ =	shalt  }
0x50: {  	_ =	shalt  }
0x51: {  	_ =	shalt  }
0x52: {  	_ =	shalt  }
0x53: {  	_ =	shalt  }
0x54: {  	_ =	shalt  }
0x55: {  	_ =	shalt  }
0x56: {  	_ =	shalt  }
0x57: {  	_ =	shalt  }
0x58: {  	_ =	shalt  }
0x59: {  	_ =	shalt  }
0x5a: {  	_ =	shalt  }
0x5b: {  	_ =	shalt  }
0x5c: {  	_ =	shalt  }
0x5d: {  	_ =	shalt  }
0x5e: {  	_ =	shalt  }
0x5f: {  	_ =	shalt  }
0x60: {  	_ =	shalt  }
0x61: {  	_ =	shalt  }
0x62: {  	_ =	shalt  }
0x63: {  	_ =	shalt  }
0x64: {  	_ =	shalt  }
0x65: {  	_ =	shalt  }
0x66: {  	_ =	shalt  }
0x67: {  	_ =	shalt  }
0x68: {  	_ =	shalt  }
0x69: {  	_ =	shalt  }
0x6a: {  	_ =	shalt  }
0x6b: {  	_ =	shalt  }
0x6c: {  	_ =	shalt  }
0x6d: {  	_ =	shalt  }
0x6e: {  	_ =	shalt  }
0x6f: {  	_ =	shalt  }
0x70: {  	_ =	shalt  }
0x71: {  	_ =	shalt  }
0x72: {  	_ =	shalt  }
0x73: {  	_ =	shalt  }
0x74: {  	_ =	shalt  }
0x75: {  	_ =	shalt  }
0x76: {  	_ =	shalt  }
0x77: {  	_ =	shalt  }
0x78: {  	_ =	shalt  }
0x79: {  	_ =	shalt  }
0x7a: {  	_ =	shalt  }
0x7b: {  	_ =	shalt  }
0x7c: {  	_ =	shalt  }
0x7d: {  	_ =	shalt  }
0x7e: {  	_ =	shalt  }
0x7f: {  	_ =	shalt  }
0x80: {  	_ =	shalt  }
0x81: {  	_ =	shalt  }
0x82: {  	_ =	shalt  }
0x83: {  	_ =	shalt  }
0x84: {  	_ =	shalt  }
0x85: {  	_ =	shalt  }
0x86: {  	_ =	shalt  }
0x87: {  	_ =	shalt  }
.Lfunc_end0:
.L_simem_size_0:
called_computation_lowered:
.L_overlay_start_0:
0x88: {  	s2 =	sld [smem:$0x3FD9]  }
0x89: {  	s3 =	sld [smem:$0x3FFE];
	_ =	sdelay $0x1  }
0x8a: {  	s1 =	srdreg.scid  }
0x8b: {  	s0 =	sand.u32 $0x1, s1  }
0x8c: {  	s17 =	sshll.u32 s0, $0xA;
	s2 =	sadd.s32 s3, s2  }
0x8d: {  	s2 =	sadd.s32 s2, s17  }
0x8e: {  	[smem:$0x3FC1] =	sst s2  }
0x8f: {  	_ = 	snop  }
0x90: {  	s2 =	sld [smem:$0x3FC7];
	(tm) =	ssettm $0x1  }
0x91: {  	s18 =	sld [smem:$0x3FFB];
	_ =	sdelay $0x3  }
0x92: {  	_ =	strace s18  }
0x93: {  	s3 =	sld [smem:$0x3FFC];
	_ =	sdelay $0x3  }
0x94: {  	_ =	strace s3  }
0x95: {  	s3 =	sld [smem:$0x3FFD];
	_ =	sdelay $0x3  }
0x96: {  	_ =	strace s3  }
0x97: {  	_ =	strace $0x8FFFFFFF  }
0x98: {  	s19 =	sld [smem:$0x3FDB];
	_ =	sdelay $0x1  }
0x99: {  	s4 =	simm.s32 $_scs_section_size  }
0x9a: {  	s5 =	simm.s32 $_size__tile_overlayer_lowered;
	s6 =	simm.s32 $_tile_overlayer_lowered  }
0x9b: {  	s22 =	simm.s32 $0x1BFF;
	s21 =	sshll.u32 s6, $0x1;
	s3 =	sadd.s32 s4, s19  }
0x9c: {  	s7 =	simm.s32 $0x0;
	s20 =	sshll.u32 s5, $0x1;
	s5 =	sadd.s32 s21, s3  }
0x9d: {  	[timem:s7], [sflag:s22] =	dma.local [hbm:s5], s20  }
0x9e: {  	_ =	swait.ge [sflag:s22], s20  }
0x9f: {  	s4 =	ssub.s32 $0x0, s20;
	[sflag:s22] =	ssyncset.done $0x0  }
0xa0: {  	[sflag:s22] =	ssyncadd.s32 s4;
	_ =	sdelay $0x1  }
0xa1: {  	s23 =	simm.s32 $0x1B8B  }
0xa2: {  	_ =	swait.ge [sflag:s23], $0x1  }
0xa3: {  	[sflag:s23] =	ssyncset.done $0x0  }
0xa4: {  	s25 =	simm.s32 $0x1B8E;
	s24 =	sld [smem:$0x3FFE];
	[sflag:s23] =	ssyncadd.s32 $0xFFFFFFFF  }
0xa5: {  	s26 =	simm.s32 $execute0_lowered;
	[smem:$0x3FD2] =	sst s25  }
0xa6: {  	s5 =	sshll.u32 s26, $0x1;
	_ =	strace $0x80000046;
	[dreg:$0x1] =	wrdreg $0xFFFFFFFF  }
0xa7: {  	s28 =	simm.s32 $_size_execute0_lowered;
	s3 =	sadd.s32 s3, s5;
	[dreg:$0x0] =	wrdreg $0x0  }
0xa8: {  	s5 =	sshll.u32 s28, $0x1;
	[dreg:$0x2] =	wrdreg s3  }
0xa9: {  	[dreg:$0x3] =	wrdreg s5  }
0xaa: {  	[dreg:$0x4] =	wrdreg $0xC0  }
0xab: {  	_ =	task [dreg:s7], $0x5FFFF  }
0xac: {  	[dreg:$0x1] =	wrdreg $0xFFFFFFFF  }
0xad: {  	[dreg:$0x0] =	wrdreg $0x60  }
0xae: {  	[dreg:$0x2] =	wrdreg s24  }
0xaf: {  	[dreg:$0x3] =	wrdreg s2  }
0xb0: {  	[dreg:$0x4] =	wrdreg $0x9  }
0xb1: {  	_ =	task.clear_ibuf [dreg:s7], $0x5FFFF;
	_ =	strace $0x90000046  }
0xb2: {  	s29 =	simm.s32 $0x9;
	_ =	strace $0x80000048  }
0xb3: {  	_ =	swait.ge [sflag:s29], $0x1  }
0xb4: {  	[sflag:s29] =	ssyncadd.s32 $0xFFFFFFFF  }
0xb5: {  	_ =	strace $0x90000048  }
0xb6: {  	_ =	sfence  }
0xb7: {  	s30 =	sld [smem:$0x0];
	_ =	sdelay $0x2  }
0xb8: {  	s31 =	sshll.u32 s1, $0xD;
	s1 =	sshrl.u32 s1, $0x2  }
0xb9: {  	s3 =	sand.u32 $0x4000, s31;
	s1 =	sadd.s32 s1, s30  }
0xba: {  	s0 =	sor.u32 s3, s0;
	s1 =	sshll.u32 s1, $0x11  }
0xbb: {  	s0 =	sor.u32 s1, s0  }
0xbc: {  	s0 =	sadd.s32 $0x8F2B, s0  }
0xbd: {  	[sflag:s0] =	ssyncadd.remote.s32 $0x1  }
0xbe: {  	_ =	sfence.sel $0xFFFF  }
0xbf: {  	[dreg:$0x0] =	wrdreg $0xFFFFFFFF;
	(pc) =	sbr.abs _section_cstart, $3  }
0xc0: {  	[dreg:$0x1] =	wrdreg $0xFFFFFFFF  }
0xc1: {  	_ =	task.clear_ibuf [dreg:s7], $0x2FFFF;
	_ =	strace $0x9FFFFFFF  }
0xc2: {  	(tm) =	ssettm $0x7FFFFFFF  }
0xc3: {  	_ =	shalt  }
tec
execute0_lowered:
.L_overlay_start_1:
0x0: {  	(tag) =	ssettag $0x1  }
0x1: {  	s1 =	srdreg.scid;
	s4 =	rddreg [dreg:$0x0]  }
0x2: {  	s0 =	stileid.u32;
	s6 =	rddreg [dreg:$0x1]  }
0x3: {  	s2 =	simm.s32 $0x0;
	s10 =	simm.s32 $0x80;
	s11 =	simm.s32 $0x400  }
0x4: {  	s12 =	simm.s32 $0x2;
	s13 =	simm.s32 $0x0;
	s3 =	sand.u32 $0x1, s1  }
0x5: {  	s28 =	sshll.u32 s0, $0x1;
	s29 =	sshrl.u32 s0, $0x2;
	s1 =	rddreg [dreg:$0x2]  }
0x6: {  	[smem:$0x7FF] =	sst s2;
	s5 =	sor.u32 s3, s28;
	s7 =	smul.u32 $0x13C00, s29  }
0x7: {  	s3 =	ssub.s32 $0x2, s3;
	s8 =	sshll.u32 s5, $0x7;
	s5 =	smul.u32 $0x4E2, s5  }
0x8: {  	_ =	strace $0x80000047;
	s31 =	sshrl.u32 s3, $0x1;
	s8 =	sand.u32 $0x380, s8  }
0x9: {  	s9 =	ssub.s32 s3, s31;
	s7 =	sor.u32 s7, s8;
	s30 =	sadd.s32 s5, s4  }
0xa: {  	s8 =	simm.s32 $0x1;
	s7 =	sshrl.u32 s7, $0x3;
	s3 =	sadd.s32 $0x1C00, s30  }
0xb: {  	s7 =	sadd.s32 s7, s4;
	s4 =	sadd.s32 s6, s5;
	s6 =	smax.u32 s9, $0x1  }
0xc: {  	v0 =	vimm.f32 $0.0e+00;
	s9 =	simm.s32 $0x4F00;
	s5 =	sadd.s32 $0xBA00, s7;
	s7 =	simm.s32 $0x2780  }
.LBB2_1:
0xd: {  	[tilespmem:s2], [sflag:$0x1] =	stream.linear.gather [hbm4b:s3+s2], $0x2710, $0x38;
	[tilespmem:$0x7680] =	vst v63  }
0xe: {  	s14 =	simm.s32 $0x4F40  }
0xf: {  	[tilespmem:s7], [sflag:$0x1] =	stream.linear.gather [hbm4b:s4+s2], $0x2710, $0x38;
	[tilespmem:$0x7680] =	vst v63  }
0x10: {  	[tilespmem:s14+$0xFFFFFFC0] =	vst v0  }
0x11: {  	[tilespmem:s14+$0x30] =	vst v0  }
0x12: {  	[tilespmem:s14+$0x20] =	vst v0  }
0x13: {  	[tilespmem:s14+$0x10] =	vst v0  }
0x14: {  	[tilespmem:s14+$0x0] =	vst v0  }
0x15: {  	[tilespmem:s14+$0xFFFFFFF0] =	vst v0  }
0x16: {  	s15 =	simm.s32 $0x0;
	[tilespmem:s14+$0xFFFFFFE0] =	vst v0  }
.LBB2_2:
0x17: {  	s15 =	sadd.s32 $0x8, s15;
	[tilespmem:s14+$0xFFFFFFD0] =	vst v0;
	s14 =	sadd.s32 $0x80, s14  }
0x18: {  	[tilespmem:s14+$0xFFFFFFC0] =	vst v0;
	p0 =	slt.u32 s15, $0x268  }
0x19: {  	[tilespmem:s14+$0x30] =	vst v0  }
.Ltmp0:
0x1a: {  	[tilespmem:s14+$0x20] =	vst v0;
	(pc) =	sbr.rel @p0 .LBB2_2-.Ltmp0, $4  }
0x1b: {  	[tilespmem:s14+$0x10] =	vst v0  }
0x1c: {  	[tilespmem:s14+$0x0] =	vst v0  }
0x1d: {  	[tilespmem:s14+$0xFFFFFFF0] =	vst v0  }
0x1e: {  	[tilespmem:s14+$0xFFFFFFE0] =	vst v0  }
0x1f: {  	[tilespmem:s14+$0xFFFFFFD0] =	vst v0  }
0x20: {  	[tilespmem:$0x7600] =	vst v0  }
0x21: {  	_ =	swait.ge [sflag:s8], $0x2710  }
0x22: {  	[sflag:s8] =	ssyncset.done $0x0  }
0x23: {  	[sflag:s8] =	ssyncadd.s32 $0xFFFFD8F0  }
0x24: {  	_ =	swait.ge [sflag:s8], $0x2710  }
0x25: {  	[sflag:s8] =	ssyncset.done $0x0  }
0x26: {  	s15 =	simm.s32 $0x40;
	[sflag:s8] =	ssyncadd.s32 $0xFFFFD8F0  }
0x27: {  	v1 =	vld [tilespmem:s15+$0x30]  }
0x28: {  	v2 =	vld [tilespmem:s15+$0xFFFFFFD0]  }
0x29: {  	s14 =	simm.s32 $0x27C0;
	v3 =	vld [tilespmem:s15+$0xFFFFFFE0]  }
0x2a: {  	v4 =	vld [tilespmem:s14+$0x30]  }
0x2b: {  	v5 =	vld [tilespmem:s15+$0xFFFFFFF0]  }
0x2c: {  	v6 =	vld [tilespmem:s15+$0x0]  }
0x2d: {  	v7 =	vld [tilespmem:s15+$0x10]  }
0x2e: {  	v8 =	vld [tilespmem:s15+$0x20]  }
0x2f: {  	v63 =	vld [tilespmem:s14+$0xFFFFFFC0]  }
0x30: {  	v9 =	vld [tilespmem:s14+$0xFFFFFFD0]  }
0x31: {  	v10 =	vld [tilespmem:s14+$0xFFFFFFE0]  }
0x32: {  	v11 =	vld [tilespmem:s14+$0xFFFFFFF0]  }
0x33: {  	v12 =	vld [tilespmem:s14+$0x0]  }
0x34: {  	v13 =	vld [tilespmem:s14+$0x10]  }
0x35: {  	[tilespmem:v1+s9+$0x0] =	vst.idx.add.f32.msk $0xffff, v4  }
0x36: {  	v1 =	vld [tilespmem:s15+$0xFFFFFFC0]  }
0x37: {  	v14 =	vld [tilespmem:s14+$0x20]  }
0x38: {  	[tilespmem:v2+s9+$0x0] =	vst.idx.add.f32.msk $0xffff, v9  }
0x39: {  	[tilespmem:v3+s9+$0x0] =	vst.idx.add.f32.msk $0xffff, v10  }
0x3a: {  	[tilespmem:v5+s9+$0x0] =	vst.idx.add.f32.msk $0xffff, v11  }
0x3b: {  	[tilespmem:v6+s9+$0x0] =	vst.idx.add.f32.msk $0xffff, v12  }
0x3c: {  	[tilespmem:v7+s9+$0x0] =	vst.idx.add.f32.msk $0xffff, v13  }
0x3d: {  	[tilespmem:v8+s9+$0x0] =	vst.idx.add.f32.msk $0xffff, v14  }
0x3e: {  	s16 =	simm.s32 $0xC0;
	s15 =	simm.s32 $0x0;
	[tilespmem:v1+s9+$0x0] =	vst.idx.add.f32.msk $0xffff, v63  }
.LBB2_4:
0x3f: {  	v1 =	vld [tilespmem:s16+$0x30];
	s15 =	sadd.s32 $0x8, s15  }
0x40: {  	v2 =	vld [tilespmem:s16+$0xFFFFFFD0];
	p0 =	slt.u32 s15, $0x268  }
0x41: {  	s14 =	sadd.s32 $0x80, s14;
	v3 =	vld [tilespmem:s16+$0xFFFFFFE0]  }
0x42: {  	v4 =	vld [tilespmem:s14+$0x30]  }
0x43: {  	v5 =	vld [tilespmem:s16+$0xFFFFFFF0]  }
0x44: {  	v6 =	vld [tilespmem:s16+$0x0]  }
0x45: {  	v7 =	vld [tilespmem:s16+$0x10]  }
0x46: {  	v8 =	vld [tilespmem:s16+$0x20]  }
0x47: {  	[tilespmem:v1+s9+$0x0] =	vst.idx.add.f32.msk $0xffff, v4  }
0x48: {  	v1 =	vld [tilespmem:s16+$0xFFFFFFC0]  }
0x49: {  	v4 =	vld [tilespmem:s14+$0xFFFFFFC0]  }
0x4a: {  	v9 =	vld [tilespmem:s14+$0xFFFFFFD0]  }
0x4b: {  	v10 =	vld [tilespmem:s14+$0xFFFFFFE0]  }
0x4c: {  	v11 =	vld [tilespmem:s14+$0xFFFFFFF0]  }
0x4d: {  	v12 =	vld [tilespmem:s14+$0x0]  }
0x4e: {  	v13 =	vld [tilespmem:s14+$0x10]  }
0x4f: {  	v14 =	vld [tilespmem:s14+$0x20]  }
0x50: {  	[tilespmem:v1+s9+$0x0] =	vst.idx.add.f32.msk $0xffff, v4  }
0x51: {  	[tilespmem:v2+s9+$0x0] =	vst.idx.add.f32.msk $0xffff, v9  }
.Ltmp1:
0x52: {  	[tilespmem:v3+s9+$0x0] =	vst.idx.add.f32.msk $0xffff, v10;
	(pc) =	sbr.rel @p0 .LBB2_4-.Ltmp1, $4  }
0x53: {  	[tilespmem:v5+s9+$0x0] =	vst.idx.add.f32.msk $0xffff, v11  }
0x54: {  	[tilespmem:v6+s9+$0x0] =	vst.idx.add.f32.msk $0xffff, v12  }
0x55: {  	[tilespmem:v7+s9+$0x0] =	vst.idx.add.f32.msk $0xffff, v13  }
0x56: {  	s16 =	sadd.s32 $0x80, s16;
	[tilespmem:v8+s9+$0x0] =	vst.idx.add.f32.msk $0xffff, v14  }
0x57: {  	v1 =	vld [tilespmem:$0x2700];
	_ =	sdelay $0x2  }
0x58: {  	v2 =	vld [tilespmem:$0x4E80];
	_ =	sdelay $0x2  }
0x59: {  	s13 =	sadd.s32 $0x1, s13  }
0x5a: {  	p0 =	sne.s32 s13, s6  }
.Ltmp2:
0x5b: {  	[tilespmem:v1+s9+$0x0] =	vst.idx.add.f32.msk $0xffff, v2;
	(pc) =	sbr.rel @p0 .LBB2_1-.Ltmp2, $4  }
0x5c: {  	[hbm4b:s5+s10] =	stream.strided.scatter [tilespmem:s9], [sflag:$0x2], $0x2780, s11, s10, $0x38;
	[tilespmem:$0x7680] =	vst v63  }
0x5d: {  	_ =	swait.ge [sflag:s12], $0x2780  }
0x5e: {  	[sflag:s12] =	ssyncset.done $0x0  }
0x5f: {  	[sflag:s12] =	ssyncadd.s32 $0xFFFFD880  }
0x60: {  	_ =	sfence.sel $0x180000  }
0x61: {  	[bflag:$0x0] =	sbarrier.arrive $0xFFFF  }
0x62: {  	p0 =	sne.s32 s0, $0x0;
	_ =	strace $0x90000047  }
0x63: {  	s0 =	sadd.s32 @!p0 $0x100000, s1;
	[bflag:$0x2] =	sbarrier.arrive $0xFFFF  }
0x64: {  	[sflag:s0] =	ssyncadd.tile.s32 @!p0 $0x1;
	_ =	shalt  }
.Lfunc_end2:
_tile_overlayer_lowered:
.L_overlay_start_2:
0x65: {  	(tag) =	ssettag $0x2  }
0x66: {  	s0 =	rddreg [dreg:$0x0];
	s2 =	stileid.u32  }
0x67: {  	s1 =	rddreg [dreg:$0x1];
	p0 =	sne.s32 s2, $0x0  }
0x68: {  	s3 =	rddreg [dreg:$0x2];
	[bflag:$0x3] =	sbarrier.arrive $0xFFFF;
	s2 =	simm.s32 @!p0 $0x1C02  }
0x69: {  	[timem:s3], [sflag:s2] =	dma.local @!p0 [hbm:s0], s1  }
0x6a: {  	s0 =	simm.s32 @!p0 $0x2  }
0x6b: {  	_ =	swait.ge @!p0 [sflag:s0], s1  }
0x6c: {  	s1 =	ssub.s32 @!p0 $0x0, s1;
	[sflag:s0] =	ssyncset.done @!p0 $0x0  }
0x6d: {  	[sflag:s0] =	ssyncadd.s32 @!p0 s1  }
0x6e: {  	[bflag:$0x3] =	sbarrier.arrive $0xFFFF  }
0x6f: {  	_ =	shalt  }

</sc_bundles>
